<compile_context>
chip_gen: v7x
topology: tpu7x:2x2x1
jax: 0.10.2.dev20260603
libtpu: 0.0.44.dev20260713+nightly
codegen_flags: <defaults>
</compile_context>

<pallas_src>
import jax
import jax.numpy as jnp
from jax import lax
from jax.experimental import pallas as pl
from jax.experimental.pallas import tpu as pltpu
from jax.experimental.pallas import tpu_sc as plsc

VOCAB = 1_000_000
DIM = 64
WIDE = 2 * DIM
B = 16384
K = 21
N = B * K
NW = 32
NPW = N // NW
CH = 128
SUB = 128
NSUB = CH // SUB
NCH = NPW // CH
L = 16


def _dot_chunk(ur, vr, wbuf, oc, obase):
    def pair(p, _):
        s = None
        for d0 in range(0, DIM, L):
            t = ur[p, pl.ds(d0, L)] * vr[p, pl.ds(DIM + d0, L)]
            s = t if s is None else s + t
        wbuf[pl.ds(p * L, L)] = s
        return 0

    lax.fori_loop(0, CH, pair, 0, unroll=8)

    iot = lax.iota(jnp.int32, L)

    def group(g, _):
        ibase = (g * L + iot) * L
        acc = None
        for l in range(L):
            t = plsc.load_gather(wbuf, [ibase + l])
            acc = t if acc is None else acc + t
        oc[pl.ds(obase + g * L, L)] = acc
        return 0

    lax.fori_loop(0, CH // L, group, 0)


def _sc_body(iu_hbm, iv_hbm, w_tab, out_hbm,
             iu_all, iv_all, ur0, vr0, ur1, vr1, wbuf, oc,
             sem0, sem1):
    cid = lax.axis_index("c")
    sid = lax.axis_index("s")
    wid = sid * 2 + cid
    base = pl.multiple_of(wid * NPW, NPW)

    pltpu.sync_copy(iu_hbm.at[pl.ds(base, NPW)], iu_all)
    pltpu.sync_copy(iv_hbm.at[pl.ds(base, NPW)], iv_all)

    bufs = ((ur0, vr0, sem0), (ur1, vr1, sem1))

    def fire(c, par):
        ur, vr, sem = bufs[par]
        off = pl.multiple_of(c * CH, CH)
        for j in range(NSUB):
            pltpu.async_copy(
                w_tab.at[iu_all.at[pl.ds(off + j * SUB, SUB)]],
                ur.at[pl.ds(j * SUB, SUB)], sem)
            pltpu.async_copy(
                w_tab.at[iv_all.at[pl.ds(off + j * SUB, SUB)]],
                vr.at[pl.ds(j * SUB, SUB)], sem)

    def wait(par):
        ur, vr, sem = bufs[par]
        pltpu.make_async_copy(w_tab.at[pl.ds(0, CH)], ur, sem).wait()
        pltpu.make_async_copy(w_tab.at[pl.ds(0, CH)], vr, sem).wait()

    def compute(c, par):
        ur, vr, _ = bufs[par]
        _dot_chunk(ur, vr, wbuf, oc, c * CH)

    fire(0, 0)

    def body(i, _):
        c = i * 2
        fire(c + 1, 1)
        wait(0)
        compute(c, 0)
        fire(c + 2, 0)
        wait(1)
        compute(c + 1, 1)
        return 0

    lax.fori_loop(0, NCH // 2 - 1, body, 0)

    fire(NCH - 1, 1)
    wait(0)
    compute(NCH - 2, 0)
    wait(1)
    compute(NCH - 1, 1)

    pltpu.sync_copy(oc, out_hbm.at[pl.ds(base, NPW)])


def kernel(x, U, V):
    idx = x.astype(jnp.int32)
    iu = idx[:, :, 0].reshape(N)
    iv = idx[:, :, 1].reshape(N)
    w = jnp.concatenate([U, V], axis=1)
    mesh = plsc.VectorSubcoreMesh(core_axis_name="c", subcore_axis_name="s")
    f = pl.kernel(
        _sc_body,
        out_type=jax.ShapeDtypeStruct((N,), jnp.float32),
        mesh=mesh,
        compiler_params=pltpu.CompilerParams(needs_layout_passes=False),
        scratch_types=[
            pltpu.VMEM((NPW,), jnp.int32),
            pltpu.VMEM((NPW,), jnp.int32),
            pltpu.VMEM((CH, WIDE), jnp.float32),
            pltpu.VMEM((CH, WIDE), jnp.float32),
            pltpu.VMEM((CH, WIDE), jnp.float32),
            pltpu.VMEM((CH, WIDE), jnp.float32),
            pltpu.VMEM((CH * L,), jnp.float32),
            pltpu.VMEM((NPW,), jnp.float32),
            pltpu.SemaphoreType.DMA,
            pltpu.SemaphoreType.DMA,
        ],
    )
    return f(iu, iv, w).reshape(B, K)

# --- scband reference (transcript-rebuilt; emitter-appended) ---
"""Pipeline reference for scband-skip-gram-86569360818187 (READ-ONLY COPY).

The authoritative reference and input builder live on the scoring server;
editing this copy changes nothing except your own understanding.
"""

import jax, jax.numpy as jnp
import numpy as np

VOCAB = 1000000
DIM = 64
B = 16384
NNEG = 20


def setup_inputs(seed: int = 0) -> dict:
    key = jax.random.key(seed)
    k1, k2, k3 = jax.random.split(key, 3)
    x = jax.random.randint(k1, (B, 1 + NNEG, 2), 0, VOCAB, dtype=jnp.int64)
    # learned embedding tables (torch.nn.Embedding default init ~ N(0,1))
    U = jax.random.normal(k2, (VOCAB, DIM), dtype=jnp.float32)
    V = jax.random.normal(k3, (VOCAB, DIM), dtype=jnp.float32)
    return {"x": x, "U": U, "V": V}


def reference(x, U, V):
    # x[:, 0, :].T -> [2, B]; unpack positive pairs
    x_pos = jnp.transpose(x[:, 0, :])  # [2, B]
    x_pos_1, x_pos_2 = x_pos[0], x_pos[1]
    # x[:, 1:, :].T -> [2, NNEG, B] (torch .T reverses all dims)
    x_neg = jnp.transpose(x[:, 1:, :], (2, 1, 0))  # [2, NNEG, B]
    x_neg_1, x_neg_2 = x_neg[0], x_neg[1]

    u = jnp.take(U, x_pos_1, axis=0)  # [B, D]
    v = jnp.take(V, x_pos_2, axis=0)  # [B, D]
    pos = jnp.sum(u * v, axis=1).reshape(1, -1)  # [1, B]

    un = jnp.take(U, x_neg_1, axis=0)  # [NNEG, B, D]
    vn = jnp.take(V, x_neg_2, axis=0)  # [NNEG, B, D]
    neg = jnp.sum(un * vn, axis=2)  # [NNEG, B]

    out = jnp.concatenate((pos, neg), axis=0).T  # [B, 1+NNEG]
    return out

if __name__ == "__main__":
    import jax
    _d = setup_inputs()
    print(jax.jit(kernel)(*tuple(_d.values())))

</pallas_src>

<mosaic_0001>
#map = affine_map<(d0, d1) -> (0)>
#map1 = affine_map<(d0, d1) -> (0, 0)>
module attributes {stable_mosaic.version = 14 : i64} {
  func.func @_sc_body(%arg0: i32, %arg1: i32, %arg2: memref<344064xi32, #tpu.memory_space<hbm>>, %arg3: memref<344064xi32, #tpu.memory_space<hbm>>, %arg4: memref<1000000x128xf32, #tpu.memory_space<hbm>>, %arg5: memref<344064xf32, #tpu.memory_space<hbm>>, %arg6: memref<10752xi32, #tpu.memory_space<vmem>>, %arg7: memref<10752xi32, #tpu.memory_space<vmem>>, %arg8: memref<128x128xf32, #tpu.memory_space<vmem>>, %arg9: memref<128x128xf32, #tpu.memory_space<vmem>>, %arg10: memref<128x128xf32, #tpu.memory_space<vmem>>, %arg11: memref<128x128xf32, #tpu.memory_space<vmem>>, %arg12: memref<2048xf32, #tpu.memory_space<vmem>>, %arg13: memref<10752xf32, #tpu.memory_space<vmem>>, %arg14: memref<!tpu.dma_semaphore, #tpu.memory_space<semaphore_mem>>, %arg15: memref<!tpu.dma_semaphore, #tpu.memory_space<semaphore_mem>>) attributes {dimension_semantics = [#tpu.dimension_semantics<core_parallel>, #tpu.dimension_semantics<subcore_parallel>], iteration_bounds = array<i64: 2, 16>, scalar_prefetch = 0 : i64, scratch_operands = 10 : i64, tpu.core_type = #tpu.core_type<sc_vector_subcore>, window_params = [{transform_indices = #map}, {transform_indices = #map}, {transform_indices = #map1}, {transform_indices = #map}]} {
    %mul3A = arith.constant 2 : i32
    %mul3A_0 = arith.muli %arg1, %mul3A : i32
    %add3A = arith.addi %mul3A_0, %arg0 : i32
    %mul3A_1 = arith.constant 10752 : i32
    %mul3A_2 = arith.muli %add3A, %mul3A_1 : i32
    %multiple_of3A = tpu.assume_multiple %mul3A_2, 10752 : i32
    "tpu.region"() ({
      %run_scoped3A = tpu.sem_alloc : memref<!tpu.dma_semaphore, #tpu.memory_space<semaphore_mem>>
      %dma_start3A_100 = tpu.memref_slice %arg2[%multiple_of3A] : memref<344064xi32, #tpu.memory_space<hbm>> -> memref<10752xi32, #tpu.memory_space<hbm>>
      %dma_start3A_101 = tpu.memref_slice %arg2[%multiple_of3A] : memref<344064xi32, #tpu.memory_space<hbm>> -> memref<10752xi32, #tpu.memory_space<hbm>>
      tpu.enqueue_dma source(%dma_start3A_101 : memref<10752xi32, #tpu.memory_space<hbm>>) target(%arg6 : memref<10752xi32, #tpu.memory_space<vmem>>) target_semaphore(%run_scoped3A : memref<!tpu.dma_semaphore, #tpu.memory_space<semaphore_mem>>)
      %dma_wait3A_102 = tpu.memref_slice %arg2[%multiple_of3A] : memref<344064xi32, #tpu.memory_space<hbm>> -> memref<10752xi32, #tpu.memory_space<hbm>>
      %dma_wait3A_103 = tpu.memref_slice %arg2[%multiple_of3A] : memref<344064xi32, #tpu.memory_space<hbm>> -> memref<10752xi32, #tpu.memory_space<hbm>>
      tpu.wait_dma2 semaphore(%run_scoped3A : memref<!tpu.dma_semaphore, #tpu.memory_space<semaphore_mem>>) src(%dma_wait3A_103 : memref<10752xi32, #tpu.memory_space<hbm>>) dst(%arg6 : memref<10752xi32, #tpu.memory_space<vmem>>)
      tpu.yield
    }) : () -> ()
    "tpu.region"() ({
      %run_scoped3A = tpu.sem_alloc : memref<!tpu.dma_semaphore, #tpu.memory_space<semaphore_mem>>
      %dma_start3A_100 = tpu.memref_slice %arg3[%multiple_of3A] : memref<344064xi32, #tpu.memory_space<hbm>> -> memref<10752xi32, #tpu.memory_space<hbm>>
      %dma_start3A_101 = tpu.memref_slice %arg3[%multiple_of3A] : memref<344064xi32, #tpu.memory_space<hbm>> -> memref<10752xi32, #tpu.memory_space<hbm>>
      tpu.enqueue_dma source(%dma_start3A_101 : memref<10752xi32, #tpu.memory_space<hbm>>) target(%arg7 : memref<10752xi32, #tpu.memory_space<vmem>>) target_semaphore(%run_scoped3A : memref<!tpu.dma_semaphore, #tpu.memory_space<semaphore_mem>>)
      %dma_wait3A_102 = tpu.memref_slice %arg3[%multiple_of3A] : memref<344064xi32, #tpu.memory_space<hbm>> -> memref<10752xi32, #tpu.memory_space<hbm>>
      %dma_wait3A_103 = tpu.memref_slice %arg3[%multiple_of3A] : memref<344064xi32, #tpu.memory_space<hbm>> -> memref<10752xi32, #tpu.memory_space<hbm>>
      tpu.wait_dma2 semaphore(%run_scoped3A : memref<!tpu.dma_semaphore, #tpu.memory_space<semaphore_mem>>) src(%dma_wait3A_103 : memref<10752xi32, #tpu.memory_space<hbm>>) dst(%arg7 : memref<10752xi32, #tpu.memory_space<vmem>>)
      tpu.yield
    }) : () -> ()
    %multiple_of3A_3 = arith.constant 0 : i32
    %multiple_of3A_4 = tpu.assume_multiple %multiple_of3A_3, 128 : i32
    %add3A_5 = arith.constant 0 : i32
    %add3A_6 = arith.addi %multiple_of3A_4, %add3A_5 : i32
    %dma_start3A = arith.constant 0 : i32
    %dma_start3A_7 = arith.constant 0 : i32
    %dma_start3A_8 = tpu.memref_slice %arg8[%dma_start3A, %dma_start3A_7] : memref<128x128xf32, #tpu.memory_space<vmem>> -> memref<128x128xf32, #tpu.memory_space<vmem>>
    %dma_start3A_9 = tpu.memref_slice %arg6[%add3A_6] : memref<10752xi32, #tpu.memory_space<vmem>> -> memref<128xi32, #tpu.memory_space<vmem>>
    %dma_start3A_10 = arith.constant 0 : i32
    %dma_start3A_11 = arith.constant 0 : i32
    %dma_start3A_12 = tpu.memref_slice %arg4[%dma_start3A_10, %dma_start3A_11] : memref<1000000x128xf32, #tpu.memory_space<hbm>> -> memref<1000000x128xf32, #tpu.memory_space<hbm>>
    tpu.enqueue_indirect_dma source(%dma_start3A_12 : memref<1000000x128xf32, #tpu.memory_space<hbm>>) target(%dma_start3A_8 : memref<128x128xf32, #tpu.memory_space<vmem>>) offsets(%dma_start3A_9 : memref<128xi32, #tpu.memory_space<vmem>>) semaphore(%arg14 : memref<!tpu.dma_semaphore, #tpu.memory_space<semaphore_mem>>)
    %add3A_13 = arith.constant 0 : i32
    %add3A_14 = arith.addi %multiple_of3A_4, %add3A_13 : i32
    %dma_start3A_15 = arith.constant 0 : i32
    %dma_start3A_16 = arith.constant 0 : i32
    %dma_start3A_17 = tpu.memref_slice %arg9[%dma_start3A_15, %dma_start3A_16] : memref<128x128xf32, #tpu.memory_space<vmem>> -> memref<128x128xf32, #tpu.memory_space<vmem>>
    %dma_start3A_18 = tpu.memref_slice %arg7[%add3A_14] : memref<10752xi32, #tpu.memory_space<vmem>> -> memref<128xi32, #tpu.memory_space<vmem>>
    %dma_start3A_19 = arith.constant 0 : i32
    %dma_start3A_20 = arith.constant 0 : i32
    %dma_start3A_21 = tpu.memref_slice %arg4[%dma_start3A_19, %dma_start3A_20] : memref<1000000x128xf32, #tpu.memory_space<hbm>> -> memref<1000000x128xf32, #tpu.memory_space<hbm>>
    tpu.enqueue_indirect_dma source(%dma_start3A_21 : memref<1000000x128xf32, #tpu.memory_space<hbm>>) target(%dma_start3A_17 : memref<128x128xf32, #tpu.memory_space<vmem>>) offsets(%dma_start3A_18 : memref<128xi32, #tpu.memory_space<vmem>>) semaphore(%arg14 : memref<!tpu.dma_semaphore, #tpu.memory_space<semaphore_mem>>)
    %scan3A = arith.constant 0 : i32
    %scan3A_22 = arith.constant 0 : i32
    %scan3A_23 = arith.constant 41 : i32
    %scan3A_24 = arith.addi %scan3A_22, %scan3A_23 : i32
    %scan3A_25 = arith.constant 1 : i32
    %scan3A_26 = scf.for %scan3A_100 = %scan3A_22 to %scan3A_24 step %scan3A_25 iter_args(%scan3A_101 = %scan3A) -> (i32)  : i32 {
      %mul3A_102 = arith.constant 2 : i32
      %mul3A_103 = arith.muli %scan3A_100, %mul3A_102 : i32
      %add3A_104 = arith.constant 1 : i32
      %add3A_105 = arith.addi %mul3A_103, %add3A_104 : i32
      %mul3A_106 = arith.constant 128 : i32
      %mul3A_107 = arith.muli %add3A_105, %mul3A_106 : i32
      %multiple_of3A_108 = tpu.assume_multiple %mul3A_107, 128 : i32
      %add3A_109 = arith.constant 0 : i32
      %add3A_110 = arith.addi %multiple_of3A_108, %add3A_109 : i32
      %dma_start3A_111 = arith.constant 0 : i32
      %dma_start3A_112 = arith.constant 0 : i32
      %dma_start3A_113 = tpu.memref_slice %arg10[%dma_start3A_111, %dma_start3A_112] : memref<128x128xf32, #tpu.memory_space<vmem>> -> memref<128x128xf32, #tpu.memory_space<vmem>>
      %dma_start3A_114 = tpu.memref_slice %arg6[%add3A_110] : memref<10752xi32, #tpu.memory_space<vmem>> -> memref<128xi32, #tpu.memory_space<vmem>>
      %dma_start3A_115 = arith.constant 0 : i32
      %dma_start3A_116 = arith.constant 0 : i32
      %dma_start3A_117 = tpu.memref_slice %arg4[%dma_start3A_115, %dma_start3A_116] : memref<1000000x128xf32, #tpu.memory_space<hbm>> -> memref<1000000x128xf32, #tpu.memory_space<hbm>>
      tpu.enqueue_indirect_dma source(%dma_start3A_117 : memref<1000000x128xf32, #tpu.memory_space<hbm>>) target(%dma_start3A_113 : memref<128x128xf32, #tpu.memory_space<vmem>>) offsets(%dma_start3A_114 : memref<128xi32, #tpu.memory_space<vmem>>) semaphore(%arg15 : memref<!tpu.dma_semaphore, #tpu.memory_space<semaphore_mem>>)
      %add3A_118 = arith.constant 0 : i32
      %add3A_119 = arith.addi %multiple_of3A_108, %add3A_118 : i32
      %dma_start3A_120 = arith.constant 0 : i32
      %dma_start3A_121 = arith.constant 0 : i32
      %dma_start3A_122 = tpu.memref_slice %arg11[%dma_start3A_120, %dma_start3A_121] : memref<128x128xf32, #tpu.memory_space<vmem>> -> memref<128x128xf32, #tpu.memory_space<vmem>>
      %dma_start3A_123 = tpu.memref_slice %arg7[%add3A_119] : memref<10752xi32, #tpu.memory_space<vmem>> -> memref<128xi32, #tpu.memory_space<vmem>>
      %dma_start3A_124 = arith.constant 0 : i32
      %dma_start3A_125 = arith.constant 0 : i32
      %dma_start3A_126 = tpu.memref_slice %arg4[%dma_start3A_124, %dma_start3A_125] : memref<1000000x128xf32, #tpu.memory_space<hbm>> -> memref<1000000x128xf32, #tpu.memory_space<hbm>>
      tpu.enqueue_indirect_dma source(%dma_start3A_126 : memref<1000000x128xf32, #tpu.memory_space<hbm>>) target(%dma_start3A_122 : memref<128x128xf32, #tpu.memory_space<vmem>>) offsets(%dma_start3A_123 : memref<128xi32, #tpu.memory_space<vmem>>) semaphore(%arg15 : memref<!tpu.dma_semaphore, #tpu.memory_space<semaphore_mem>>)
      %dma_wait3A_127 = arith.constant 0 : i32
      %dma_wait3A_128 = arith.constant 0 : i32
      %dma_wait3A_129 = tpu.memref_slice %arg4[%dma_wait3A_127, %dma_wait3A_128] : memref<1000000x128xf32, #tpu.memory_space<hbm>> -> memref<128x128xf32, #tpu.memory_space<hbm>>
      %dma_wait3A_130 = arith.constant 0 : i32
      %dma_wait3A_131 = arith.constant 0 : i32
      %dma_wait3A_132 = tpu.memref_slice %arg4[%dma_wait3A_130, %dma_wait3A_131] : memref<1000000x128xf32, #tpu.memory_space<hbm>> -> memref<128x128xf32, #tpu.memory_space<hbm>>
      tpu.wait_dma2 semaphore(%arg14 : memref<!tpu.dma_semaphore, #tpu.memory_space<semaphore_mem>>) src(%dma_wait3A_132 : memref<128x128xf32, #tpu.memory_space<hbm>>) dst(%arg8 : memref<128x128xf32, #tpu.memory_space<vmem>>)
      %dma_wait3A_133 = arith.constant 0 : i32
      %dma_wait3A_134 = arith.constant 0 : i32
      %dma_wait3A_135 = tpu.memref_slice %arg4[%dma_wait3A_133, %dma_wait3A_134] : memref<1000000x128xf32, #tpu.memory_space<hbm>> -> memref<128x128xf32, #tpu.memory_space<hbm>>
      %dma_wait3A_136 = arith.constant 0 : i32
      %dma_wait3A_137 = arith.constant 0 : i32
      %dma_wait3A_138 = tpu.memref_slice %arg4[%dma_wait3A_136, %dma_wait3A_137] : memref<1000000x128xf32, #tpu.memory_space<hbm>> -> memref<128x128xf32, #tpu.memory_space<hbm>>
      tpu.wait_dma2 semaphore(%arg14 : memref<!tpu.dma_semaphore, #tpu.memory_space<semaphore_mem>>) src(%dma_wait3A_138 : memref<128x128xf32, #tpu.memory_space<hbm>>) dst(%arg9 : memref<128x128xf32, #tpu.memory_space<vmem>>)
      %mul3A_139 = arith.constant 128 : i32
      %mul3A_140 = arith.muli %mul3A_103, %mul3A_139 : i32
      %scan3A_141 = arith.constant 0 : i32
      %scan3A_142 = arith.constant 0 : i32
      %scan3A_143 = arith.constant 128 : i32
      %scan3A_144 = arith.addi %scan3A_142, %scan3A_143 : i32
      %scan3A_145 = arith.constant 8 : i32
      %scan3A_146 = scf.for %scan3A_211 = %scan3A_142 to %scan3A_144 step %scan3A_145 iter_args(%scan3A_212 = %scan3A_141) -> (i32)  : i32 {
        %get3A = arith.index_cast %scan3A_211 : i32 to index
        %get3A_213 = arith.constant 0 : index
        %get3A_214 = tpu.vector_load %arg8[%get3A, %get3A_213] {strides = array<i32>} : memref<128x128xf32, #tpu.memory_space<vmem>>, vector<16xf32>,
        %get3A_215 = arith.index_cast %scan3A_211 : i32 to index
        %get3A_216 = arith.constant 64 : index
        %get3A_217 = tpu.vector_load %arg9[%get3A_215, %get3A_216] {strides = array<i32>} : memref<128x128xf32, #tpu.memory_space<vmem>>, vector<16xf32>,
        %mul3A_218 = arith.mulf %get3A_214, %get3A_217 : vector<16xf32>
        %get3A_219 = arith.index_cast %scan3A_211 : i32 to index
        %get3A_220 = arith.constant 16 : index
        %get3A_221 = tpu.vector_load %arg8[%get3A_219, %get3A_220] {strides = array<i32>} : memref<128x128xf32, #tpu.memory_space<vmem>>, vector<16xf32>,
        %get3A_222 = arith.index_cast %scan3A_211 : i32 to index
        %get3A_223 = arith.constant 80 : index
        %get3A_224 = tpu.vector_load %arg9[%get3A_222, %get3A_223] {strides = array<i32>} : memref<128x128xf32, #tpu.memory_space<vmem>>, vector<16xf32>,
        %mul3A_225 = arith.mulf %get3A_221, %get3A_224 : vector<16xf32>
        %add3A_226 = arith.addf %mul3A_218, %mul3A_225 : vector<16xf32>
        %get3A_227 = arith.index_cast %scan3A_211 : i32 to index
        %get3A_228 = arith.constant 32 : index
        %get3A_229 = tpu.vector_load %arg8[%get3A_227, %get3A_228] {strides = array<i32>} : memref<128x128xf32, #tpu.memory_space<vmem>>, vector<16xf32>,
        %get3A_230 = arith.index_cast %scan3A_211 : i32 to index
        %get3A_231 = arith.constant 96 : index
        %get3A_232 = tpu.vector_load %arg9[%get3A_230, %get3A_231] {strides = array<i32>} : memref<128x128xf32, #tpu.memory_space<vmem>>, vector<16xf32>,
        %mul3A_233 = arith.mulf %get3A_229, %get3A_232 : vector<16xf32>
        %add3A_234 = arith.addf %add3A_226, %mul3A_233 : vector<16xf32>
        %get3A_235 = arith.index_cast %scan3A_211 : i32 to index
        %get3A_236 = arith.constant 48 : index
        %get3A_237 = tpu.vector_load %arg8[%get3A_235, %get3A_236] {strides = array<i32>} : memref<128x128xf32, #tpu.memory_space<vmem>>, vector<16xf32>,
        %get3A_238 = arith.index_cast %scan3A_211 : i32 to index
        %get3A_239 = arith.constant 112 : index
        %get3A_240 = tpu.vector_load %arg9[%get3A_238, %get3A_239] {strides = array<i32>} : memref<128x128xf32, #tpu.memory_space<vmem>>, vector<16xf32>,
        %mul3A_241 = arith.mulf %get3A_237, %get3A_240 : vector<16xf32>
        %add3A_242 = arith.addf %add3A_234, %mul3A_241 : vector<16xf32>
        %mul3A_243 = arith.constant 16 : i32
        %mul3A_244 = arith.muli %scan3A_211, %mul3A_243 : i32
        %swap3A = arith.index_cast %mul3A_244 : i32 to index
        %swap3A_245 = tpu.vector_load %arg12[%swap3A] {strides = array<i32>} : memref<2048xf32, #tpu.memory_space<vmem>>, vector<16xf32>,
        tpu.vector_store %arg12[%swap3A], %add3A_242 {strides = array<i32>} : memref<2048xf32, #tpu.memory_space<vmem>>, vector<16xf32>,
        %scan3A_246 = arith.constant 0 : i32
        %scan3A_247 = arith.constant 1 : i32
        %scan3A_248 = arith.addi %scan3A_211, %scan3A_247 : i32
        %get3A_249 = arith.index_cast %scan3A_248 : i32 to index
        %get3A_250 = arith.constant 0 : index
        %get3A_251 = tpu.vector_load %arg8[%get3A_249, %get3A_250] {strides = array<i32>} : memref<128x128xf32, #tpu.memory_space<vmem>>, vector<16xf32>,
        %get3A_252 = arith.index_cast %scan3A_248 : i32 to index
        %get3A_253 = arith.constant 64 : index
        %get3A_254 = tpu.vector_load %arg9[%get3A_252, %get3A_253] {strides = array<i32>} : memref<128x128xf32, #tpu.memory_space<vmem>>, vector<16xf32>,
        %mul3A_255 = arith.mulf %get3A_251, %get3A_254 : vector<16xf32>
        %get3A_256 = arith.index_cast %scan3A_248 : i32 to index
        %get3A_257 = arith.constant 16 : index
        %get3A_258 = tpu.vector_load %arg8[%get3A_256, %get3A_257] {strides = array<i32>} : memref<128x128xf32, #tpu.memory_space<vmem>>, vector<16xf32>,
        %get3A_259 = arith.index_cast %scan3A_248 : i32 to index
        %get3A_260 = arith.constant 80 : index
        %get3A_261 = tpu.vector_load %arg9[%get3A_259, %get3A_260] {strides = array<i32>} : memref<128x128xf32, #tpu.memory_space<vmem>>, vector<16xf32>,
        %mul3A_262 = arith.mulf %get3A_258, %get3A_261 : vector<16xf32>
        %add3A_263 = arith.addf %mul3A_255, %mul3A_262 : vector<16xf32>
        %get3A_264 = arith.index_cast %scan3A_248 : i32 to index
        %get3A_265 = arith.constant 32 : index
        %get3A_266 = tpu.vector_load %arg8[%get3A_264, %get3A_265] {strides = array<i32>} : memref<128x128xf32, #tpu.memory_space<vmem>>, vector<16xf32>,
        %get3A_267 = arith.index_cast %scan3A_248 : i32 to index
        %get3A_268 = arith.constant 96 : index
        %get3A_269 = tpu.vector_load %arg9[%get3A_267, %get3A_268] {strides = array<i32>} : memref<128x128xf32, #tpu.memory_space<vmem>>, vector<16xf32>,
        %mul3A_270 = arith.mulf %get3A_266, %get3A_269 : vector<16xf32>
        %add3A_271 = arith.addf %add3A_263, %mul3A_270 : vector<16xf32>
        %get3A_272 = arith.index_cast %scan3A_248 : i32 to index
        %get3A_273 = arith.constant 48 : index
        %get3A_274 = tpu.vector_load %arg8[%get3A_272, %get3A_273] {strides = array<i32>} : memref<128x128xf32, #tpu.memory_space<vmem>>, vector<16xf32>,
        %get3A_275 = arith.index_cast %scan3A_248 : i32 to index
        %get3A_276 = arith.constant 112 : index
        %get3A_277 = tpu.vector_load %arg9[%get3A_275, %get3A_276] {strides = array<i32>} : memref<128x128xf32, #tpu.memory_space<vmem>>, vector<16xf32>,
        %mul3A_278 = arith.mulf %get3A_274, %get3A_277 : vector<16xf32>
        %add3A_279 = arith.addf %add3A_271, %mul3A_278 : vector<16xf32>
        %mul3A_280 = arith.constant 16 : i32
        %mul3A_281 = arith.muli %scan3A_248, %mul3A_280 : i32
        %swap3A_282 = arith.index_cast %mul3A_281 : i32 to index
        %swap3A_283 = tpu.vector_load %arg12[%swap3A_282] {strides = array<i32>} : memref<2048xf32, #tpu.memory_space<vmem>>, vector<16xf32>,
        tpu.vector_store %arg12[%swap3A_282], %add3A_279 {strides = array<i32>} : memref<2048xf32, #tpu.memory_space<vmem>>, vector<16xf32>,
        %scan3A_284 = arith.constant 0 : i32
        %scan3A_285 = arith.constant 2 : i32
        %scan3A_286 = arith.addi %scan3A_211, %scan3A_285 : i32
        %get3A_287 = arith.index_cast %scan3A_286 : i32 to index
        %get3A_288 = arith.constant 0 : index
        %get3A_289 = tpu.vector_load %arg8[%get3A_287, %get3A_288] {strides = array<i32>} : memref<128x128xf32, #tpu.memory_space<vmem>>, vector<16xf32>,
        %get3A_290 = arith.index_cast %scan3A_286 : i32 to index
        %get3A_291 = arith.constant 64 : index
        %get3A_292 = tpu.vector_load %arg9[%get3A_290, %get3A_291] {strides = array<i32>} : memref<128x128xf32, #tpu.memory_space<vmem>>, vector<16xf32>,
        %mul3A_293 = arith.mulf %get3A_289, %get3A_292 : vector<16xf32>
        %get3A_294 = arith.index_cast %scan3A_286 : i32 to index
        %get3A_295 = arith.constant 16 : index
        %get3A_296 = tpu.vector_load %arg8[%get3A_294, %get3A_295] {strides = array<i32>} : memref<128x128xf32, #tpu.memory_space<vmem>>, vector<16xf32>,
        %get3A_297 = arith.index_cast %scan3A_286 : i32 to index
        %get3A_298 = arith.constant 80 : index
        %get3A_299 = tpu.vector_load %arg9[%get3A_297, %get3A_298] {strides = array<i32>} : memref<128x128xf32, #tpu.memory_space<vmem>>, vector<16xf32>,
        %mul3A_300 = arith.mulf %get3A_296, %get3A_299 : vector<16xf32>
        %add3A_301 = arith.addf %mul3A_293, %mul3A_300 : vector<16xf32>
        %get3A_302 = arith.index_cast %scan3A_286 : i32 to index
        %get3A_303 = arith.constant 32 : index
        %get3A_304 = tpu.vector_load %arg8[%get3A_302, %get3A_303] {strides = array<i32>} : memref<128x128xf32, #tpu.memory_space<vmem>>, vector<16xf32>,
        %get3A_305 = arith.index_cast %scan3A_286 : i32 to index
        %get3A_306 = arith.constant 96 : index
        %get3A_307 = tpu.vector_load %arg9[%get3A_305, %get3A_306] {strides = array<i32>} : memref<128x128xf32, #tpu.memory_space<vmem>>, vector<16xf32>,
        %mul3A_308 = arith.mulf %get3A_304, %get3A_307 : vector<16xf32>
        %add3A_309 = arith.addf %add3A_301, %mul3A_308 : vector<16xf32>
        %get3A_310 = arith.index_cast %scan3A_286 : i32 to index
        %get3A_311 = arith.constant 48 : index
        %get3A_312 = tpu.vector_load %arg8[%get3A_310, %get3A_311] {strides = array<i32>} : memref<128x128xf32, #tpu.memory_space<vmem>>, vector<16xf32>,
        %get3A_313 = arith.index_cast %scan3A_286 : i32 to index
        %get3A_314 = arith.constant 112 : index
        %get3A_315 = tpu.vector_load %arg9[%get3A_313, %get3A_314] {strides = array<i32>} : memref<128x128xf32, #tpu.memory_space<vmem>>, vector<16xf32>,
        %mul3A_316 = arith.mulf %get3A_312, %get3A_315 : vector<16xf32>
        %add3A_317 = arith.addf %add3A_309, %mul3A_316 : vector<16xf32>
        %mul3A_318 = arith.constant 16 : i32
        %mul3A_319 = arith.muli %scan3A_286, %mul3A_318 : i32
        %swap3A_320 = arith.index_cast %mul3A_319 : i32 to index
        %swap3A_321 = tpu.vector_load %arg12[%swap3A_320] {strides = array<i32>} : memref<2048xf32, #tpu.memory_space<vmem>>, vector<16xf32>,
        tpu.vector_store %arg12[%swap3A_320], %add3A_317 {strides = array<i32>} : memref<2048xf32, #tpu.memory_space<vmem>>, vector<16xf32>,
        %scan3A_322 = arith.constant 0 : i32
        %scan3A_323 = arith.constant 3 : i32
        %scan3A_324 = arith.addi %scan3A_211, %scan3A_323 : i32
        %get3A_325 = arith.index_cast %scan3A_324 : i32 to index
        %get3A_326 = arith.constant 0 : index
        %get3A_327 = tpu.vector_load %arg8[%get3A_325, %get3A_326] {strides = array<i32>} : memref<128x128xf32, #tpu.memory_space<vmem>>, vector<16xf32>,
        %get3A_328 = arith.index_cast %scan3A_324 : i32 to index
        %get3A_329 = arith.constant 64 : index
        %get3A_330 = tpu.vector_load %arg9[%get3A_328, %get3A_329] {strides = array<i32>} : memref<128x128xf32, #tpu.memory_space<vmem>>, vector<16xf32>,
        %mul3A_331 = arith.mulf %get3A_327, %get3A_330 : vector<16xf32>
        %get3A_332 = arith.index_cast %scan3A_324 : i32 to index
        %get3A_333 = arith.constant 16 : index
        %get3A_334 = tpu.vector_load %arg8[%get3A_332, %get3A_333] {strides = array<i32>} : memref<128x128xf32, #tpu.memory_space<vmem>>, vector<16xf32>,
        %get3A_335 = arith.index_cast %scan3A_324 : i32 to index
        %get3A_336 = arith.constant 80 : index
        %get3A_337 = tpu.vector_load %arg9[%get3A_335, %get3A_336] {strides = array<i32>} : memref<128x128xf32, #tpu.memory_space<vmem>>, vector<16xf32>,
        %mul3A_338 = arith.mulf %get3A_334, %get3A_337 : vector<16xf32>
        %add3A_339 = arith.addf %mul3A_331, %mul3A_338 : vector<16xf32>
        %get3A_340 = arith.index_cast %scan3A_324 : i32 to index
        %get3A_341 = arith.constant 32 : index
        %get3A_342 = tpu.vector_load %arg8[%get3A_340, %get3A_341] {strides = array<i32>} : memref<128x128xf32, #tpu.memory_space<vmem>>, vector<16xf32>,
        %get3A_343 = arith.index_cast %scan3A_324 : i32 to index
        %get3A_344 = arith.constant 96 : index
        %get3A_345 = tpu.vector_load %arg9[%get3A_343, %get3A_344] {strides = array<i32>} : memref<128x128xf32, #tpu.memory_space<vmem>>, vector<16xf32>,
        %mul3A_346 = arith.mulf %get3A_342, %get3A_345 : vector<16xf32>
        %add3A_347 = arith.addf %add3A_339, %mul3A_346 : vector<16xf32>
        %get3A_348 = arith.index_cast %scan3A_324 : i32 to index
        %get3A_349 = arith.constant 48 : index
        %get3A_350 = tpu.vector_load %arg8[%get3A_348, %get3A_349] {strides = array<i32>} : memref<128x128xf32, #tpu.memory_space<vmem>>, vector<16xf32>,
        %get3A_351 = arith.index_cast %scan3A_324 : i32 to index
        %get3A_352 = arith.constant 112 : index
        %get3A_353 = tpu.vector_load %arg9[%get3A_351, %get3A_352] {strides = array<i32>} : memref<128x128xf32, #tpu.memory_space<vmem>>, vector<16xf32>,
        %mul3A_354 = arith.mulf %get3A_350, %get3A_353 : vector<16xf32>
        %add3A_355 = arith.addf %add3A_347, %mul3A_354 : vector<16xf32>
        %mul3A_356 = arith.constant 16 : i32
        %mul3A_357 = arith.muli %scan3A_324, %mul3A_356 : i32
        %swap3A_358 = arith.index_cast %mul3A_357 : i32 to index
        %swap3A_359 = tpu.vector_load %arg12[%swap3A_358] {strides = array<i32>} : memref<2048xf32, #tpu.memory_space<vmem>>, vector<16xf32>,
        tpu.vector_store %arg12[%swap3A_358], %add3A_355 {strides = array<i32>} : memref<2048xf32, #tpu.memory_space<vmem>>, vector<16xf32>,
        %scan3A_360 = arith.constant 0 : i32
        %scan3A_361 = arith.constant 4 : i32
        %scan3A_362 = arith.addi %scan3A_211, %scan3A_361 : i32
        %get3A_363 = arith.index_cast %scan3A_362 : i32 to index
        %get3A_364 = arith.constant 0 : index
        %get3A_365 = tpu.vector_load %arg8[%get3A_363, %get3A_364] {strides = array<i32>} : memref<128x128xf32, #tpu.memory_space<vmem>>, vector<16xf32>,
        %get3A_366 = arith.index_cast %scan3A_362 : i32 to index
        %get3A_367 = arith.constant 64 : index
        %get3A_368 = tpu.vector_load %arg9[%get3A_366, %get3A_367] {strides = array<i32>} : memref<128x128xf32, #tpu.memory_space<vmem>>, vector<16xf32>,
        %mul3A_369 = arith.mulf %get3A_365, %get3A_368 : vector<16xf32>
        %get3A_370 = arith.index_cast %scan3A_362 : i32 to index
        %get3A_371 = arith.constant 16 : index
        %get3A_372 = tpu.vector_load %arg8[%get3A_370, %get3A_371] {strides = array<i32>} : memref<128x128xf32, #tpu.memory_space<vmem>>, vector<16xf32>,
        %get3A_373 = arith.index_cast %scan3A_362 : i32 to index
        %get3A_374 = arith.constant 80 : index
        %get3A_375 = tpu.vector_load %arg9[%get3A_373, %get3A_374] {strides = array<i32>} : memref<128x128xf32, #tpu.memory_space<vmem>>, vector<16xf32>,
        %mul3A_376 = arith.mulf %get3A_372, %get3A_375 : vector<16xf32>
        %add3A_377 = arith.addf %mul3A_369, %mul3A_376 : vector<16xf32>
        %get3A_378 = arith.index_cast %scan3A_362 : i32 to index
        %get3A_379 = arith.constant 32 : index
        %get3A_380 = tpu.vector_load %arg8[%get3A_378, %get3A_379] {strides = array<i32>} : memref<128x128xf32, #tpu.memory_space<vmem>>, vector<16xf32>,
        %get3A_381 = arith.index_cast %scan3A_362 : i32 to index
        %get3A_382 = arith.constant 96 : index
        %get3A_383 = tpu.vector_load %arg9[%get3A_381, %get3A_382] {strides = array<i32>} : memref<128x128xf32, #tpu.memory_space<vmem>>, vector<16xf32>,
        %mul3A_384 = arith.mulf %get3A_380, %get3A_383 : vector<16xf32>
        %add3A_385 = arith.addf %add3A_377, %mul3A_384 : vector<16xf32>
        %get3A_386 = arith.index_cast %scan3A_362 : i32 to index
        %get3A_387 = arith.constant 48 : index
        %get3A_388 = tpu.vector_load %arg8[%get3A_386, %get3A_387] {strides = array<i32>} : memref<128x128xf32, #tpu.memory_space<vmem>>, vector<16xf32>,
        %get3A_389 = arith.index_cast %scan3A_362 : i32 to index
        %get3A_390 = arith.constant 112 : index
        %get3A_391 = tpu.vector_load %arg9[%get3A_389, %get3A_390] {strides = array<i32>} : memref<128x128xf32, #tpu.memory_space<vmem>>, vector<16xf32>,
        %mul3A_392 = arith.mulf %get3A_388, %get3A_391 : vector<16xf32>
        %add3A_393 = arith.addf %add3A_385, %mul3A_392 : vector<16xf32>
        %mul3A_394 = arith.constant 16 : i32
        %mul3A_395 = arith.muli %scan3A_362, %mul3A_394 : i32
        %swap3A_396 = arith.index_cast %mul3A_395 : i32 to index
        %swap3A_397 = tpu.vector_load %arg12[%swap3A_396] {strides = array<i32>} : memref<2048xf32, #tpu.memory_space<vmem>>, vector<16xf32>,
        tpu.vector_store %arg12[%swap3A_396], %add3A_393 {strides = array<i32>} : memref<2048xf32, #tpu.memory_space<vmem>>, vector<16xf32>,
        %scan3A_398 = arith.constant 0 : i32
        %scan3A_399 = arith.constant 5 : i32
        %scan3A_400 = arith.addi %scan3A_211, %scan3A_399 : i32
        %get3A_401 = arith.index_cast %scan3A_400 : i32 to index
        %get3A_402 = arith.constant 0 : index
        %get3A_403 = tpu.vector_load %arg8[%get3A_401, %get3A_402] {strides = array<i32>} : memref<128x128xf32, #tpu.memory_space<vmem>>, vector<16xf32>,
        %get3A_404 = arith.index_cast %scan3A_400 : i32 to index
        %get3A_405 = arith.constant 64 : index
        %get3A_406 = tpu.vector_load %arg9[%get3A_404, %get3A_405] {strides = array<i32>} : memref<128x128xf32, #tpu.memory_space<vmem>>, vector<16xf32>,
        %mul3A_407 = arith.mulf %get3A_403, %get3A_406 : vector<16xf32>
        %get3A_408 = arith.index_cast %scan3A_400 : i32 to index
        %get3A_409 = arith.constant 16 : index
        %get3A_410 = tpu.vector_load %arg8[%get3A_408, %get3A_409] {strides = array<i32>} : memref<128x128xf32, #tpu.memory_space<vmem>>, vector<16xf32>,
        %get3A_411 = arith.index_cast %scan3A_400 : i32 to index
        %get3A_412 = arith.constant 80 : index
        %get3A_413 = tpu.vector_load %arg9[%get3A_411, %get3A_412] {strides = array<i32>} : memref<128x128xf32, #tpu.memory_space<vmem>>, vector<16xf32>,
        %mul3A_414 = arith.mulf %get3A_410, %get3A_413 : vector<16xf32>
        %add3A_415 = arith.addf %mul3A_407, %mul3A_414 : vector<16xf32>
        %get3A_416 = arith.index_cast %scan3A_400 : i32 to index
        %get3A_417 = arith.constant 32 : index
        %get3A_418 = tpu.vector_load %arg8[%get3A_416, %get3A_417] {strides = array<i32>} : memref<128x128xf32, #tpu.memory_space<vmem>>, vector<16xf32>,
        %get3A_419 = arith.index_cast %scan3A_400 : i32 to index
        %get3A_420 = arith.constant 96 : index
        %get3A_421 = tpu.vector_load %arg9[%get3A_419, %get3A_420] {strides = array<i32>} : memref<128x128xf32, #tpu.memory_space<vmem>>, vector<16xf32>,
        %mul3A_422 = arith.mulf %get3A_418, %get3A_421 : vector<16xf32>
        %add3A_423 = arith.addf %add3A_415, %mul3A_422 : vector<16xf32>
        %get3A_424 = arith.index_cast %scan3A_400 : i32 to index
        %get3A_425 = arith.constant 48 : index
        %get3A_426 = tpu.vector_load %arg8[%get3A_424, %get3A_425] {strides = array<i32>} : memref<128x128xf32, #tpu.memory_space<vmem>>, vector<16xf32>,
        %get3A_427 = arith.index_cast %scan3A_400 : i32 to index
        %get3A_428 = arith.constant 112 : index
        %get3A_429 = tpu.vector_load %arg9[%get3A_427, %get3A_428] {strides = array<i32>} : memref<128x128xf32, #tpu.memory_space<vmem>>, vector<16xf32>,
        %mul3A_430 = arith.mulf %get3A_426, %get3A_429 : vector<16xf32>
        %add3A_431 = arith.addf %add3A_423, %mul3A_430 : vector<16xf32>
        %mul3A_432 = arith.constant 16 : i32
        %mul3A_433 = arith.muli %scan3A_400, %mul3A_432 : i32
        %swap3A_434 = arith.index_cast %mul3A_433 : i32 to index
        %swap3A_435 = tpu.vector_load %arg12[%swap3A_434] {strides = array<i32>} : memref<2048xf32, #tpu.memory_space<vmem>>, vector<16xf32>,
        tpu.vector_store %arg12[%swap3A_434], %add3A_431 {strides = array<i32>} : memref<2048xf32, #tpu.memory_space<vmem>>, vector<16xf32>,
        %scan3A_436 = arith.constant 0 : i32
        %scan3A_437 = arith.constant 6 : i32
        %scan3A_438 = arith.addi %scan3A_211, %scan3A_437 : i32
        %get3A_439 = arith.index_cast %scan3A_438 : i32 to index
        %get3A_440 = arith.constant 0 : index
        %get3A_441 = tpu.vector_load %arg8[%get3A_439, %get3A_440] {strides = array<i32>} : memref<128x128xf32, #tpu.memory_space<vmem>>, vector<16xf32>,
        %get3A_442 = arith.index_cast %scan3A_438 : i32 to index
        %get3A_443 = arith.constant 64 : index
        %get3A_444 = tpu.vector_load %arg9[%get3A_442, %get3A_443] {strides = array<i32>} : memref<128x128xf32, #tpu.memory_space<vmem>>, vector<16xf32>,
        %mul3A_445 = arith.mulf %get3A_441, %get3A_444 : vector<16xf32>
        %get3A_446 = arith.index_cast %scan3A_438 : i32 to index
        %get3A_447 = arith.constant 16 : index
        %get3A_448 = tpu.vector_load %arg8[%get3A_446, %get3A_447] {strides = array<i32>} : memref<128x128xf32, #tpu.memory_space<vmem>>, vector<16xf32>,
        %get3A_449 = arith.index_cast %scan3A_438 : i32 to index
        %get3A_450 = arith.constant 80 : index
        %get3A_451 = tpu.vector_load %arg9[%get3A_449, %get3A_450] {strides = array<i32>} : memref<128x128xf32, #tpu.memory_space<vmem>>, vector<16xf32>,
        %mul3A_452 = arith.mulf %get3A_448, %get3A_451 : vector<16xf32>
        %add3A_453 = arith.addf %mul3A_445, %mul3A_452 : vector<16xf32>
        %get3A_454 = arith.index_cast %scan3A_438 : i32 to index
        %get3A_455 = arith.constant 32 : index
        %get3A_456 = tpu.vector_load %arg8[%get3A_454, %get3A_455] {strides = array<i32>} : memref<128x128xf32, #tpu.memory_space<vmem>>, vector<16xf32>,
        %get3A_457 = arith.index_cast %scan3A_438 : i32 to index
        %get3A_458 = arith.constant 96 : index
        %get3A_459 = tpu.vector_load %arg9[%get3A_457, %get3A_458] {strides = array<i32>} : memref<128x128xf32, #tpu.memory_space<vmem>>, vector<16xf32>,
        %mul3A_460 = arith.mulf %get3A_456, %get3A_459 : vector<16xf32>
        %add3A_461 = arith.addf %add3A_453, %mul3A_460 : vector<16xf32>
        %get3A_462 = arith.index_cast %scan3A_438 : i32 to index
        %get3A_463 = arith.constant 48 : index
        %get3A_464 = tpu.vector_load %arg8[%get3A_462, %get3A_463] {strides = array<i32>} : memref<128x128xf32, #tpu.memory_space<vmem>>, vector<16xf32>,
        %get3A_465 = arith.index_cast %scan3A_438 : i32 to index
        %get3A_466 = arith.constant 112 : index
        %get3A_467 = tpu.vector_load %arg9[%get3A_465, %get3A_466] {strides = array<i32>} : memref<128x128xf32, #tpu.memory_space<vmem>>, vector<16xf32>,
        %mul3A_468 = arith.mulf %get3A_464, %get3A_467 : vector<16xf32>
        %add3A_469 = arith.addf %add3A_461, %mul3A_468 : vector<16xf32>
        %mul3A_470 = arith.constant 16 : i32
        %mul3A_471 = arith.muli %scan3A_438, %mul3A_470 : i32
        %swap3A_472 = arith.index_cast %mul3A_471 : i32 to index
        %swap3A_473 = tpu.vector_load %arg12[%swap3A_472] {strides = array<i32>} : memref<2048xf32, #tpu.memory_space<vmem>>, vector<16xf32>,
        tpu.vector_store %arg12[%swap3A_472], %add3A_469 {strides = array<i32>} : memref<2048xf32, #tpu.memory_space<vmem>>, vector<16xf32>,
        %scan3A_474 = arith.constant 0 : i32
        %scan3A_475 = arith.constant 7 : i32
        %scan3A_476 = arith.addi %scan3A_211, %scan3A_475 : i32
        %get3A_477 = arith.index_cast %scan3A_476 : i32 to index
        %get3A_478 = arith.constant 0 : index
        %get3A_479 = tpu.vector_load %arg8[%get3A_477, %get3A_478] {strides = array<i32>} : memref<128x128xf32, #tpu.memory_space<vmem>>, vector<16xf32>,
        %get3A_480 = arith.index_cast %scan3A_476 : i32 to index
        %get3A_481 = arith.constant 64 : index
        %get3A_482 = tpu.vector_load %arg9[%get3A_480, %get3A_481] {strides = array<i32>} : memref<128x128xf32, #tpu.memory_space<vmem>>, vector<16xf32>,
        %mul3A_483 = arith.mulf %get3A_479, %get3A_482 : vector<16xf32>
        %get3A_484 = arith.index_cast %scan3A_476 : i32 to index
        %get3A_485 = arith.constant 16 : index
        %get3A_486 = tpu.vector_load %arg8[%get3A_484, %get3A_485] {strides = array<i32>} : memref<128x128xf32, #tpu.memory_space<vmem>>, vector<16xf32>,
        %get3A_487 = arith.index_cast %scan3A_476 : i32 to index
        %get3A_488 = arith.constant 80 : index
        %get3A_489 = tpu.vector_load %arg9[%get3A_487, %get3A_488] {strides = array<i32>} : memref<128x128xf32, #tpu.memory_space<vmem>>, vector<16xf32>,
        %mul3A_490 = arith.mulf %get3A_486, %get3A_489 : vector<16xf32>
        %add3A_491 = arith.addf %mul3A_483, %mul3A_490 : vector<16xf32>
        %get3A_492 = arith.index_cast %scan3A_476 : i32 to index
        %get3A_493 = arith.constant 32 : index
        %get3A_494 = tpu.vector_load %arg8[%get3A_492, %get3A_493] {strides = array<i32>} : memref<128x128xf32, #tpu.memory_space<vmem>>, vector<16xf32>,
        %get3A_495 = arith.index_cast %scan3A_476 : i32 to index
        %get3A_496 = arith.constant 96 : index
        %get3A_497 = tpu.vector_load %arg9[%get3A_495, %get3A_496] {strides = array<i32>} : memref<128x128xf32, #tpu.memory_space<vmem>>, vector<16xf32>,
        %mul3A_498 = arith.mulf %get3A_494, %get3A_497 : vector<16xf32>
        %add3A_499 = arith.addf %add3A_491, %mul3A_498 : vector<16xf32>
        %get3A_500 = arith.index_cast %scan3A_476 : i32 to index
        %get3A_501 = arith.constant 48 : index
        %get3A_502 = tpu.vector_load %arg8[%get3A_500, %get3A_501] {strides = array<i32>} : memref<128x128xf32, #tpu.memory_space<vmem>>, vector<16xf32>,
        %get3A_503 = arith.index_cast %scan3A_476 : i32 to index
        %get3A_504 = arith.constant 112 : index
        %get3A_505 = tpu.vector_load %arg9[%get3A_503, %get3A_504] {strides = array<i32>} : memref<128x128xf32, #tpu.memory_space<vmem>>, vector<16xf32>,
        %mul3A_506 = arith.mulf %get3A_502, %get3A_505 : vector<16xf32>
        %add3A_507 = arith.addf %add3A_499, %mul3A_506 : vector<16xf32>
        %mul3A_508 = arith.constant 16 : i32
        %mul3A_509 = arith.muli %scan3A_476, %mul3A_508 : i32
        %swap3A_510 = arith.index_cast %mul3A_509 : i32 to index
        %swap3A_511 = tpu.vector_load %arg12[%swap3A_510] {strides = array<i32>} : memref<2048xf32, #tpu.memory_space<vmem>>, vector<16xf32>,
        tpu.vector_store %arg12[%swap3A_510], %add3A_507 {strides = array<i32>} : memref<2048xf32, #tpu.memory_space<vmem>>, vector<16xf32>,
        %scan3A_512 = arith.constant 0 : i32
        scf.yield %scan3A_512 : i32
      }
      %scan3A_147 = arith.constant 128 : i32
      %iota3A_148 = tpu.iota {dimensions = array<i32: 0>} : vector<16xi32>
      %scan3A_149 = arith.constant 0 : i32
      %scan3A_150 = arith.constant 0 : i32
      %scan3A_151 = arith.constant 8 : i32
      %scan3A_152 = arith.addi %scan3A_150, %scan3A_151 : i32
      %scan3A_153 = arith.constant 1 : i32
      %scan3A_154 = scf.for %scan3A_211 = %scan3A_150 to %scan3A_152 step %scan3A_153 iter_args(%scan3A_212 = %scan3A_149) -> (i32)  : i32 {
        %mul3A_213 = arith.constant 16 : i32
        %mul3A_214 = arith.muli %scan3A_211, %mul3A_213 : i32
        %add3A_215 = vector.broadcast %mul3A_214 : i32 to vector<16xi32>
        %add3A_216 = arith.addi %add3A_215, %iota3A_148 : vector<16xi32>
        %mul3A_217 = arith.constant 16 : i32
        %mul3A_218 = vector.broadcast %mul3A_217 : i32 to vector<16xi32>
        %mul3A_219 = arith.muli %add3A_216, %mul3A_218 : vector<16xi32>
        %add3A_220 = arith.constant 0 : i32
        %add3A_221 = vector.broadcast %add3A_220 : i32 to vector<16xi32>
        %add3A_222 = arith.addi %mul3A_219, %add3A_221 : vector<16xi32>
        %gather3A = tpu.vector_load_idx %arg12[%add3A_222] : memref<2048xf32, #tpu.memory_space<vmem>>[vector<16xi32>], vector<16xf32>,
        %add3A_223 = arith.constant 1 : i32
        %add3A_224 = vector.broadcast %add3A_223 : i32 to vector<16xi32>
        %add3A_225 = arith.addi %mul3A_219, %add3A_224 : vector<16xi32>
        %gather3A_226 = tpu.vector_load_idx %arg12[%add3A_225] : memref<2048xf32, #tpu.memory_space<vmem>>[vector<16xi32>], vector<16xf32>,
        %add3A_227 = arith.addf %gather3A, %gather3A_226 : vector<16xf32>
        %add3A_228 = arith.constant 2 : i32
        %add3A_229 = vector.broadcast %add3A_228 : i32 to vector<16xi32>
        %add3A_230 = arith.addi %mul3A_219, %add3A_229 : vector<16xi32>
        %gather3A_231 = tpu.vector_load_idx %arg12[%add3A_230] : memref<2048xf32, #tpu.memory_space<vmem>>[vector<16xi32>], vector<16xf32>,
        %add3A_232 = arith.addf %add3A_227, %gather3A_231 : vector<16xf32>
        %add3A_233 = arith.constant 3 : i32
        %add3A_234 = vector.broadcast %add3A_233 : i32 to vector<16xi32>
        %add3A_235 = arith.addi %mul3A_219, %add3A_234 : vector<16xi32>
        %gather3A_236 = tpu.vector_load_idx %arg12[%add3A_235] : memref<2048xf32, #tpu.memory_space<vmem>>[vector<16xi32>], vector<16xf32>,
        %add3A_237 = arith.addf %add3A_232, %gather3A_236 : vector<16xf32>
        %add3A_238 = arith.constant 4 : i32
        %add3A_239 = vector.broadcast %add3A_238 : i32 to vector<16xi32>
        %add3A_240 = arith.addi %mul3A_219, %add3A_239 : vector<16xi32>
        %gather3A_241 = tpu.vector_load_idx %arg12[%add3A_240] : memref<2048xf32, #tpu.memory_space<vmem>>[vector<16xi32>], vector<16xf32>,
        %add3A_242 = arith.addf %add3A_237, %gather3A_241 : vector<16xf32>
        %add3A_243 = arith.constant 5 : i32
        %add3A_244 = vector.broadcast %add3A_243 : i32 to vector<16xi32>
        %add3A_245 = arith.addi %mul3A_219, %add3A_244 : vector<16xi32>
        %gather3A_246 = tpu.vector_load_idx %arg12[%add3A_245] : memref<2048xf32, #tpu.memory_space<vmem>>[vector<16xi32>], vector<16xf32>,
        %add3A_247 = arith.addf %add3A_242, %gather3A_246 : vector<16xf32>
        %add3A_248 = arith.constant 6 : i32
        %add3A_249 = vector.broadcast %add3A_248 : i32 to vector<16xi32>
        %add3A_250 = arith.addi %mul3A_219, %add3A_249 : vector<16xi32>
        %gather3A_251 = tpu.vector_load_idx %arg12[%add3A_250] : memref<2048xf32, #tpu.memory_space<vmem>>[vector<16xi32>], vector<16xf32>,
        %add3A_252 = arith.addf %add3A_247, %gather3A_251 : vector<16xf32>
        %add3A_253 = arith.constant 7 : i32
        %add3A_254 = vector.broadcast %add3A_253 : i32 to vector<16xi32>
        %add3A_255 = arith.addi %mul3A_219, %add3A_254 : vector<16xi32>
        %gather3A_256 = tpu.vector_load_idx %arg12[%add3A_255] : memref<2048xf32, #tpu.memory_space<vmem>>[vector<16xi32>], vector<16xf32>,
        %add3A_257 = arith.addf %add3A_252, %gather3A_256 : vector<16xf32>
        %add3A_258 = arith.constant 8 : i32
        %add3A_259 = vector.broadcast %add3A_258 : i32 to vector<16xi32>
        %add3A_260 = arith.addi %mul3A_219, %add3A_259 : vector<16xi32>
        %gather3A_261 = tpu.vector_load_idx %arg12[%add3A_260] : memref<2048xf32, #tpu.memory_space<vmem>>[vector<16xi32>], vector<16xf32>,
        %add3A_262 = arith.addf %add3A_257, %gather3A_261 : vector<16xf32>
        %add3A_263 = arith.constant 9 : i32
        %add3A_264 = vector.broadcast %add3A_263 : i32 to vector<16xi32>
        %add3A_265 = arith.addi %mul3A_219, %add3A_264 : vector<16xi32>
        %gather3A_266 = tpu.vector_load_idx %arg12[%add3A_265] : memref<2048xf32, #tpu.memory_space<vmem>>[vector<16xi32>], vector<16xf32>,
        %add3A_267 = arith.addf %add3A_262, %gather3A_266 : vector<16xf32>
        %add3A_268 = arith.constant 10 : i32
        %add3A_269 = vector.broadcast %add3A_268 : i32 to vector<16xi32>
        %add3A_270 = arith.addi %mul3A_219, %add3A_269 : vector<16xi32>
        %gather3A_271 = tpu.vector_load_idx %arg12[%add3A_270] : memref<2048xf32, #tpu.memory_space<vmem>>[vector<16xi32>], vector<16xf32>,
        %add3A_272 = arith.addf %add3A_267, %gather3A_271 : vector<16xf32>
        %add3A_273 = arith.constant 11 : i32
        %add3A_274 = vector.broadcast %add3A_273 : i32 to vector<16xi32>
        %add3A_275 = arith.addi %mul3A_219, %add3A_274 : vector<16xi32>
        %gather3A_276 = tpu.vector_load_idx %arg12[%add3A_275] : memref<2048xf32, #tpu.memory_space<vmem>>[vector<16xi32>], vector<16xf32>,
        %add3A_277 = arith.addf %add3A_272, %gather3A_276 : vector<16xf32>
        %add3A_278 = arith.constant 12 : i32
        %add3A_279 = vector.broadcast %add3A_278 : i32 to vector<16xi32>
        %add3A_280 = arith.addi %mul3A_219, %add3A_279 : vector<16xi32>
        %gather3A_281 = tpu.vector_load_idx %arg12[%add3A_280] : memref<2048xf32, #tpu.memory_space<vmem>>[vector<16xi32>], vector<16xf32>,
        %add3A_282 = arith.addf %add3A_277, %gather3A_281 : vector<16xf32>
        %add3A_283 = arith.constant 13 : i32
        %add3A_284 = vector.broadcast %add3A_283 : i32 to vector<16xi32>
        %add3A_285 = arith.addi %mul3A_219, %add3A_284 : vector<16xi32>
        %gather3A_286 = tpu.vector_load_idx %arg12[%add3A_285] : memref<2048xf32, #tpu.memory_space<vmem>>[vector<16xi32>], vector<16xf32>,
        %add3A_287 = arith.addf %add3A_282, %gather3A_286 : vector<16xf32>
        %add3A_288 = arith.constant 14 : i32
        %add3A_289 = vector.broadcast %add3A_288 : i32 to vector<16xi32>
        %add3A_290 = arith.addi %mul3A_219, %add3A_289 : vector<16xi32>
        %gather3A_291 = tpu.vector_load_idx %arg12[%add3A_290] : memref<2048xf32, #tpu.memory_space<vmem>>[vector<16xi32>], vector<16xf32>,
        %add3A_292 = arith.addf %add3A_287, %gather3A_291 : vector<16xf32>
        %add3A_293 = arith.constant 15 : i32
        %add3A_294 = vector.broadcast %add3A_293 : i32 to vector<16xi32>
        %add3A_295 = arith.addi %mul3A_219, %add3A_294 : vector<16xi32>
        %gather3A_296 = tpu.vector_load_idx %arg12[%add3A_295] : memref<2048xf32, #tpu.memory_space<vmem>>[vector<16xi32>], vector<16xf32>,
        %add3A_297 = arith.addf %add3A_292, %gather3A_296 : vector<16xf32>
        %mul3A_298 = arith.constant 16 : i32
        %mul3A_299 = arith.muli %scan3A_211, %mul3A_298 : i32
        %add3A_300 = arith.addi %mul3A_140, %mul3A_299 : i32
        %swap3A = arith.index_cast %add3A_300 : i32 to index
        %swap3A_301 = tpu.vector_load %arg13[%swap3A] {strides = array<i32>} : memref<10752xf32, #tpu.memory_space<vmem>>, vector<16xf32>,
        tpu.vector_store %arg13[%swap3A], %add3A_297 {strides = array<i32>} : memref<10752xf32, #tpu.memory_space<vmem>>, vector<16xf32>,
        %scan3A_302 = arith.constant 0 : i32
        scf.yield %scan3A_302 : i32
      }
      %scan3A_155 = arith.constant 8 : i32
      %add3A_156 = arith.constant 2 : i32
      %add3A_157 = arith.addi %mul3A_103, %add3A_156 : i32
      %mul3A_158 = arith.constant 128 : i32
      %mul3A_159 = arith.muli %add3A_157, %mul3A_158 : i32
      %multiple_of3A_160 = tpu.assume_multiple %mul3A_159, 128 : i32
      %add3A_161 = arith.constant 0 : i32
      %add3A_162 = arith.addi %multiple_of3A_160, %add3A_161 : i32
      %dma_start3A_163 = arith.constant 0 : i32
      %dma_start3A_164 = arith.constant 0 : i32
      %dma_start3A_165 = tpu.memref_slice %arg8[%dma_start3A_163, %dma_start3A_164] : memref<128x128xf32, #tpu.memory_space<vmem>> -> memref<128x128xf32, #tpu.memory_space<vmem>>
      %dma_start3A_166 = tpu.memref_slice %arg6[%add3A_162] : memref<10752xi32, #tpu.memory_space<vmem>> -> memref<128xi32, #tpu.memory_space<vmem>>
      %dma_start3A_167 = arith.constant 0 : i32
      %dma_start3A_168 = arith.constant 0 : i32
      %dma_start3A_169 = tpu.memref_slice %arg4[%dma_start3A_167, %dma_start3A_168] : memref<1000000x128xf32, #tpu.memory_space<hbm>> -> memref<1000000x128xf32, #tpu.memory_space<hbm>>
      tpu.enqueue_indirect_dma source(%dma_start3A_169 : memref<1000000x128xf32, #tpu.memory_space<hbm>>) target(%dma_start3A_165 : memref<128x128xf32, #tpu.memory_space<vmem>>) offsets(%dma_start3A_166 : memref<128xi32, #tpu.memory_space<vmem>>) semaphore(%arg14 : memref<!tpu.dma_semaphore, #tpu.memory_space<semaphore_mem>>)
      %add3A_170 = arith.constant 0 : i32
      %add3A_171 = arith.addi %multiple_of3A_160, %add3A_170 : i32
      %dma_start3A_172 = arith.constant 0 : i32
      %dma_start3A_173 = arith.constant 0 : i32
      %dma_start3A_174 = tpu.memref_slice %arg9[%dma_start3A_172, %dma_start3A_173] : memref<128x128xf32, #tpu.memory_space<vmem>> -> memref<128x128xf32, #tpu.memory_space<vmem>>
      %dma_start3A_175 = tpu.memref_slice %arg7[%add3A_171] : memref<10752xi32, #tpu.memory_space<vmem>> -> memref<128xi32, #tpu.memory_space<vmem>>
      %dma_start3A_176 = arith.constant 0 : i32
      %dma_start3A_177 = arith.constant 0 : i32
      %dma_start3A_178 = tpu.memref_slice %arg4[%dma_start3A_176, %dma_start3A_177] : memref<1000000x128xf32, #tpu.memory_space<hbm>> -> memref<1000000x128xf32, #tpu.memory_space<hbm>>
      tpu.enqueue_indirect_dma source(%dma_start3A_178 : memref<1000000x128xf32, #tpu.memory_space<hbm>>) target(%dma_start3A_174 : memref<128x128xf32, #tpu.memory_space<vmem>>) offsets(%dma_start3A_175 : memref<128xi32, #tpu.memory_space<vmem>>) semaphore(%arg14 : memref<!tpu.dma_semaphore, #tpu.memory_space<semaphore_mem>>)
      %dma_wait3A_179 = arith.constant 0 : i32
      %dma_wait3A_180 = arith.constant 0 : i32
      %dma_wait3A_181 = tpu.memref_slice %arg4[%dma_wait3A_179, %dma_wait3A_180] : memref<1000000x128xf32, #tpu.memory_space<hbm>> -> memref<128x128xf32, #tpu.memory_space<hbm>>
      %dma_wait3A_182 = arith.constant 0 : i32
      %dma_wait3A_183 = arith.constant 0 : i32
      %dma_wait3A_184 = tpu.memref_slice %arg4[%dma_wait3A_182, %dma_wait3A_183] : memref<1000000x128xf32, #tpu.memory_space<hbm>> -> memref<128x128xf32, #tpu.memory_space<hbm>>
      tpu.wait_dma2 semaphore(%arg15 : memref<!tpu.dma_semaphore, #tpu.memory_space<semaphore_mem>>) src(%dma_wait3A_184 : memref<128x128xf32, #tpu.memory_space<hbm>>) dst(%arg10 : memref<128x128xf32, #tpu.memory_space<vmem>>)
      %dma_wait3A_185 = arith.constant 0 : i32
      %dma_wait3A_186 = arith.constant 0 : i32
      %dma_wait3A_187 = tpu.memref_slice %arg4[%dma_wait3A_185, %dma_wait3A_186] : memref<1000000x128xf32, #tpu.memory_space<hbm>> -> memref<128x128xf32, #tpu.memory_space<hbm>>
      %dma_wait3A_188 = arith.constant 0 : i32
      %dma_wait3A_189 = arith.constant 0 : i32
      %dma_wait3A_190 = tpu.memref_slice %arg4[%dma_wait3A_188, %dma_wait3A_189] : memref<1000000x128xf32, #tpu.memory_space<hbm>> -> memref<128x128xf32, #tpu.memory_space<hbm>>
      tpu.wait_dma2 semaphore(%arg15 : memref<!tpu.dma_semaphore, #tpu.memory_space<semaphore_mem>>) src(%dma_wait3A_190 : memref<128x128xf32, #tpu.memory_space<hbm>>) dst(%arg11 : memref<128x128xf32, #tpu.memory_space<vmem>>)
      %add3A_191 = arith.constant 1 : i32
      %add3A_192 = arith.addi %mul3A_103, %add3A_191 : i32
      %mul3A_193 = arith.constant 128 : i32
      %mul3A_194 = arith.muli %add3A_192, %mul3A_193 : i32
      %scan3A_195 = arith.constant 0 : i32
      %scan3A_196 = arith.constant 0 : i32
      %scan3A_197 = arith.constant 128 : i32
      %scan3A_198 = arith.addi %scan3A_196, %scan3A_197 : i32
      %scan3A_199 = arith.constant 8 : i32
      %scan3A_200 = scf.for %scan3A_211 = %scan3A_196 to %scan3A_198 step %scan3A_199 iter_args(%scan3A_212 = %scan3A_195) -> (i32)  : i32 {
        %get3A = arith.index_cast %scan3A_211 : i32 to index
        %get3A_213 = arith.constant 0 : index
        %get3A_214 = tpu.vector_load %arg10[%get3A, %get3A_213] {strides = array<i32>} : memref<128x128xf32, #tpu.memory_space<vmem>>, vector<16xf32>,
        %get3A_215 = arith.index_cast %scan3A_211 : i32 to index
        %get3A_216 = arith.constant 64 : index
        %get3A_217 = tpu.vector_load %arg11[%get3A_215, %get3A_216] {strides = array<i32>} : memref<128x128xf32, #tpu.memory_space<vmem>>, vector<16xf32>,
        %mul3A_218 = arith.mulf %get3A_214, %get3A_217 : vector<16xf32>
        %get3A_219 = arith.index_cast %scan3A_211 : i32 to index
        %get3A_220 = arith.constant 16 : index
        %get3A_221 = tpu.vector_load %arg10[%get3A_219, %get3A_220] {strides = array<i32>} : memref<128x128xf32, #tpu.memory_space<vmem>>, vector<16xf32>,
        %get3A_222 = arith.index_cast %scan3A_211 : i32 to index
        %get3A_223 = arith.constant 80 : index
        %get3A_224 = tpu.vector_load %arg11[%get3A_222, %get3A_223] {strides = array<i32>} : memref<128x128xf32, #tpu.memory_space<vmem>>, vector<16xf32>,
        %mul3A_225 = arith.mulf %get3A_221, %get3A_224 : vector<16xf32>
        %add3A_226 = arith.addf %mul3A_218, %mul3A_225 : vector<16xf32>
        %get3A_227 = arith.index_cast %scan3A_211 : i32 to index
        %get3A_228 = arith.constant 32 : index
        %get3A_229 = tpu.vector_load %arg10[%get3A_227, %get3A_228] {strides = array<i32>} : memref<128x128xf32, #tpu.memory_space<vmem>>, vector<16xf32>,
        %get3A_230 = arith.index_cast %scan3A_211 : i32 to index
        %get3A_231 = arith.constant 96 : index
        %get3A_232 = tpu.vector_load %arg11[%get3A_230, %get3A_231] {strides = array<i32>} : memref<128x128xf32, #tpu.memory_space<vmem>>, vector<16xf32>,
        %mul3A_233 = arith.mulf %get3A_229, %get3A_232 : vector<16xf32>
        %add3A_234 = arith.addf %add3A_226, %mul3A_233 : vector<16xf32>
        %get3A_235 = arith.index_cast %scan3A_211 : i32 to index
        %get3A_236 = arith.constant 48 : index
        %get3A_237 = tpu.vector_load %arg10[%get3A_235, %get3A_236] {strides = array<i32>} : memref<128x128xf32, #tpu.memory_space<vmem>>, vector<16xf32>,
        %get3A_238 = arith.index_cast %scan3A_211 : i32 to index
        %get3A_239 = arith.constant 112 : index
        %get3A_240 = tpu.vector_load %arg11[%get3A_238, %get3A_239] {strides = array<i32>} : memref<128x128xf32, #tpu.memory_space<vmem>>, vector<16xf32>,
        %mul3A_241 = arith.mulf %get3A_237, %get3A_240 : vector<16xf32>
        %add3A_242 = arith.addf %add3A_234, %mul3A_241 : vector<16xf32>
        %mul3A_243 = arith.constant 16 : i32
        %mul3A_244 = arith.muli %scan3A_211, %mul3A_243 : i32
        %swap3A = arith.index_cast %mul3A_244 : i32 to index
        %swap3A_245 = tpu.vector_load %arg12[%swap3A] {strides = array<i32>} : memref<2048xf32, #tpu.memory_space<vmem>>, vector<16xf32>,
        tpu.vector_store %arg12[%swap3A], %add3A_242 {strides = array<i32>} : memref<2048xf32, #tpu.memory_space<vmem>>, vector<16xf32>,
        %scan3A_246 = arith.constant 0 : i32
        %scan3A_247 = arith.constant 1 : i32
        %scan3A_248 = arith.addi %scan3A_211, %scan3A_247 : i32
        %get3A_249 = arith.index_cast %scan3A_248 : i32 to index
        %get3A_250 = arith.constant 0 : index
        %get3A_251 = tpu.vector_load %arg10[%get3A_249, %get3A_250] {strides = array<i32>} : memref<128x128xf32, #tpu.memory_space<vmem>>, vector<16xf32>,
        %get3A_252 = arith.index_cast %scan3A_248 : i32 to index
        %get3A_253 = arith.constant 64 : index
        %get3A_254 = tpu.vector_load %arg11[%get3A_252, %get3A_253] {strides = array<i32>} : memref<128x128xf32, #tpu.memory_space<vmem>>, vector<16xf32>,
        %mul3A_255 = arith.mulf %get3A_251, %get3A_254 : vector<16xf32>
        %get3A_256 = arith.index_cast %scan3A_248 : i32 to index
        %get3A_257 = arith.constant 16 : index
        %get3A_258 = tpu.vector_load %arg10[%get3A_256, %get3A_257] {strides = array<i32>} : memref<128x128xf32, #tpu.memory_space<vmem>>, vector<16xf32>,
        %get3A_259 = arith.index_cast %scan3A_248 : i32 to index
        %get3A_260 = arith.constant 80 : index
        %get3A_261 = tpu.vector_load %arg11[%get3A_259, %get3A_260] {strides = array<i32>} : memref<128x128xf32, #tpu.memory_space<vmem>>, vector<16xf32>,
        %mul3A_262 = arith.mulf %get3A_258, %get3A_261 : vector<16xf32>
        %add3A_263 = arith.addf %mul3A_255, %mul3A_262 : vector<16xf32>
        %get3A_264 = arith.index_cast %scan3A_248 : i32 to index
        %get3A_265 = arith.constant 32 : index
        %get3A_266 = tpu.vector_load %arg10[%get3A_264, %get3A_265] {strides = array<i32>} : memref<128x128xf32, #tpu.memory_space<vmem>>, vector<16xf32>,
        %get3A_267 = arith.index_cast %scan3A_248 : i32 to index
        %get3A_268 = arith.constant 96 : index
        %get3A_269 = tpu.vector_load %arg11[%get3A_267, %get3A_268] {strides = array<i32>} : memref<128x128xf32, #tpu.memory_space<vmem>>, vector<16xf32>,
        %mul3A_270 = arith.mulf %get3A_266, %get3A_269 : vector<16xf32>
        %add3A_271 = arith.addf %add3A_263, %mul3A_270 : vector<16xf32>
        %get3A_272 = arith.index_cast %scan3A_248 : i32 to index
        %get3A_273 = arith.constant 48 : index
        %get3A_274 = tpu.vector_load %arg10[%get3A_272, %get3A_273] {strides = array<i32>} : memref<128x128xf32, #tpu.memory_space<vmem>>, vector<16xf32>,
        %get3A_275 = arith.index_cast %scan3A_248 : i32 to index
        %get3A_276 = arith.constant 112 : index
        %get3A_277 = tpu.vector_load %arg11[%get3A_275, %get3A_276] {strides = array<i32>} : memref<128x128xf32, #tpu.memory_space<vmem>>, vector<16xf32>,
        %mul3A_278 = arith.mulf %get3A_274, %get3A_277 : vector<16xf32>
        %add3A_279 = arith.addf %add3A_271, %mul3A_278 : vector<16xf32>
        %mul3A_280 = arith.constant 16 : i32
        %mul3A_281 = arith.muli %scan3A_248, %mul3A_280 : i32
        %swap3A_282 = arith.index_cast %mul3A_281 : i32 to index
        %swap3A_283 = tpu.vector_load %arg12[%swap3A_282] {strides = array<i32>} : memref<2048xf32, #tpu.memory_space<vmem>>, vector<16xf32>,
        tpu.vector_store %arg12[%swap3A_282], %add3A_279 {strides = array<i32>} : memref<2048xf32, #tpu.memory_space<vmem>>, vector<16xf32>,
        %scan3A_284 = arith.constant 0 : i32
        %scan3A_285 = arith.constant 2 : i32
        %scan3A_286 = arith.addi %scan3A_211, %scan3A_285 : i32
        %get3A_287 = arith.index_cast %scan3A_286 : i32 to index
        %get3A_288 = arith.constant 0 : index
        %get3A_289 = tpu.vector_load %arg10[%get3A_287, %get3A_288] {strides = array<i32>} : memref<128x128xf32, #tpu.memory_space<vmem>>, vector<16xf32>,
        %get3A_290 = arith.index_cast %scan3A_286 : i32 to index
        %get3A_291 = arith.constant 64 : index
        %get3A_292 = tpu.vector_load %arg11[%get3A_290, %get3A_291] {strides = array<i32>} : memref<128x128xf32, #tpu.memory_space<vmem>>, vector<16xf32>,
        %mul3A_293 = arith.mulf %get3A_289, %get3A_292 : vector<16xf32>
        %get3A_294 = arith.index_cast %scan3A_286 : i32 to index
        %get3A_295 = arith.constant 16 : index
        %get3A_296 = tpu.vector_load %arg10[%get3A_294, %get3A_295] {strides = array<i32>} : memref<128x128xf32, #tpu.memory_space<vmem>>, vector<16xf32>,
        %get3A_297 = arith.index_cast %scan3A_286 : i32 to index
        %get3A_298 = arith.constant 80 : index
        %get3A_299 = tpu.vector_load %arg11[%get3A_297, %get3A_298] {strides = array<i32>} : memref<128x128xf32, #tpu.memory_space<vmem>>, vector<16xf32>,
        %mul3A_300 = arith.mulf %get3A_296, %get3A_299 : vector<16xf32>
        %add3A_301 = arith.addf %mul3A_293, %mul3A_300 : vector<16xf32>
        %get3A_302 = arith.index_cast %scan3A_286 : i32 to index
        %get3A_303 = arith.constant 32 : index
        %get3A_304 = tpu.vector_load %arg10[%get3A_302, %get3A_303] {strides = array<i32>} : memref<128x128xf32, #tpu.memory_space<vmem>>, vector<16xf32>,
        %get3A_305 = arith.index_cast %scan3A_286 : i32 to index
        %get3A_306 = arith.constant 96 : index
        %get3A_307 = tpu.vector_load %arg11[%get3A_305, %get3A_306] {strides = array<i32>} : memref<128x128xf32, #tpu.memory_space<vmem>>, vector<16xf32>,
        %mul3A_308 = arith.mulf %get3A_304, %get3A_307 : vector<16xf32>
        %add3A_309 = arith.addf %add3A_301, %mul3A_308 : vector<16xf32>
        %get3A_310 = arith.index_cast %scan3A_286 : i32 to index
        %get3A_311 = arith.constant 48 : index
        %get3A_312 = tpu.vector_load %arg10[%get3A_310, %get3A_311] {strides = array<i32>} : memref<128x128xf32, #tpu.memory_space<vmem>>, vector<16xf32>,
        %get3A_313 = arith.index_cast %scan3A_286 : i32 to index
        %get3A_314 = arith.constant 112 : index
        %get3A_315 = tpu.vector_load %arg11[%get3A_313, %get3A_314] {strides = array<i32>} : memref<128x128xf32, #tpu.memory_space<vmem>>, vector<16xf32>,
        %mul3A_316 = arith.mulf %get3A_312, %get3A_315 : vector<16xf32>
        %add3A_317 = arith.addf %add3A_309, %mul3A_316 : vector<16xf32>
        %mul3A_318 = arith.constant 16 : i32
        %mul3A_319 = arith.muli %scan3A_286, %mul3A_318 : i32
        %swap3A_320 = arith.index_cast %mul3A_319 : i32 to index
        %swap3A_321 = tpu.vector_load %arg12[%swap3A_320] {strides = array<i32>} : memref<2048xf32, #tpu.memory_space<vmem>>, vector<16xf32>,
        tpu.vector_store %arg12[%swap3A_320], %add3A_317 {strides = array<i32>} : memref<2048xf32, #tpu.memory_space<vmem>>, vector<16xf32>,
        %scan3A_322 = arith.constant 0 : i32
        %scan3A_323 = arith.constant 3 : i32
        %scan3A_324 = arith.addi %scan3A_211, %scan3A_323 : i32
        %get3A_325 = arith.index_cast %scan3A_324 : i32 to index
        %get3A_326 = arith.constant 0 : index
        %get3A_327 = tpu.vector_load %arg10[%get3A_325, %get3A_326] {strides = array<i32>} : memref<128x128xf32, #tpu.memory_space<vmem>>, vector<16xf32>,
        %get3A_328 = arith.index_cast %scan3A_324 : i32 to index
        %get3A_329 = arith.constant 64 : index
        %get3A_330 = tpu.vector_load %arg11[%get3A_328, %get3A_329] {strides = array<i32>} : memref<128x128xf32, #tpu.memory_space<vmem>>, vector<16xf32>,
        %mul3A_331 = arith.mulf %get3A_327, %get3A_330 : vector<16xf32>
        %get3A_332 = arith.index_cast %scan3A_324 : i32 to index
        %get3A_333 = arith.constant 16 : index
        %get3A_334 = tpu.vector_load %arg10[%get3A_332, %get3A_333] {strides = array<i32>} : memref<128x128xf32, #tpu.memory_space<vmem>>, vector<16xf32>,
        %get3A_335 = arith.index_cast %scan3A_324 : i32 to index
        %get3A_336 = arith.constant 80 : index
        %get3A_337 = tpu.vector_load %arg11[%get3A_335, %get3A_336] {strides = array<i32>} : memref<128x128xf32, #tpu.memory_space<vmem>>, vector<16xf32>,
        %mul3A_338 = arith.mulf %get3A_334, %get3A_337 : vector<16xf32>
        %add3A_339 = arith.addf %mul3A_331, %mul3A_338 : vector<16xf32>
        %get3A_340 = arith.index_cast %scan3A_324 : i32 to index
        %get3A_341 = arith.constant 32 : index
        %get3A_342 = tpu.vector_load %arg10[%get3A_340, %get3A_341] {strides = array<i32>} : memref<128x128xf32, #tpu.memory_space<vmem>>, vector<16xf32>,
        %get3A_343 = arith.index_cast %scan3A_324 : i32 to index
        %get3A_344 = arith.constant 96 : index
        %get3A_345 = tpu.vector_load %arg11[%get3A_343, %get3A_344] {strides = array<i32>} : memref<128x128xf32, #tpu.memory_space<vmem>>, vector<16xf32>,
        %mul3A_346 = arith.mulf %get3A_342, %get3A_345 : vector<16xf32>
        %add3A_347 = arith.addf %add3A_339, %mul3A_346 : vector<16xf32>
        %get3A_348 = arith.index_cast %scan3A_324 : i32 to index
        %get3A_349 = arith.constant 48 : index
        %get3A_350 = tpu.vector_load %arg10[%get3A_348, %get3A_349] {strides = array<i32>} : memref<128x128xf32, #tpu.memory_space<vmem>>, vector<16xf32>,
        %get3A_351 = arith.index_cast %scan3A_324 : i32 to index
        %get3A_352 = arith.constant 112 : index
        %get3A_353 = tpu.vector_load %arg11[%get3A_351, %get3A_352] {strides = array<i32>} : memref<128x128xf32, #tpu.memory_space<vmem>>, vector<16xf32>,
        %mul3A_354 = arith.mulf %get3A_350, %get3A_353 : vector<16xf32>
        %add3A_355 = arith.addf %add3A_347, %mul3A_354 : vector<16xf32>
        %mul3A_356 = arith.constant 16 : i32
        %mul3A_357 = arith.muli %scan3A_324, %mul3A_356 : i32
        %swap3A_358 = arith.index_cast %mul3A_357 : i32 to index
        %swap3A_359 = tpu.vector_load %arg12[%swap3A_358] {strides = array<i32>} : memref<2048xf32, #tpu.memory_space<vmem>>, vector<16xf32>,
        tpu.vector_store %arg12[%swap3A_358], %add3A_355 {strides = array<i32>} : memref<2048xf32, #tpu.memory_space<vmem>>, vector<16xf32>,
        %scan3A_360 = arith.constant 0 : i32
        %scan3A_361 = arith.constant 4 : i32
        %scan3A_362 = arith.addi %scan3A_211, %scan3A_361 : i32
        %get3A_363 = arith.index_cast %scan3A_362 : i32 to index
        %get3A_364 = arith.constant 0 : index
        %get3A_365 = tpu.vector_load %arg10[%get3A_363, %get3A_364] {strides = array<i32>} : memref<128x128xf32, #tpu.memory_space<vmem>>, vector<16xf32>,
        %get3A_366 = arith.index_cast %scan3A_362 : i32 to index
        %get3A_367 = arith.constant 64 : index
        %get3A_368 = tpu.vector_load %arg11[%get3A_366, %get3A_367] {strides = array<i32>} : memref<128x128xf32, #tpu.memory_space<vmem>>, vector<16xf32>,
        %mul3A_369 = arith.mulf %get3A_365, %get3A_368 : vector<16xf32>
        %get3A_370 = arith.index_cast %scan3A_362 : i32 to index
        %get3A_371 = arith.constant 16 : index
        %get3A_372 = tpu.vector_load %arg10[%get3A_370, %get3A_371] {strides = array<i32>} : memref<128x128xf32, #tpu.memory_space<vmem>>, vector<16xf32>,
        %get3A_373 = arith.index_cast %scan3A_362 : i32 to index
        %get3A_374 = arith.constant 80 : index
        %get3A_375 = tpu.vector_load %arg11[%get3A_373, %get3A_374] {strides = array<i32>} : memref<128x128xf32, #tpu.memory_space<vmem>>, vector<16xf32>,
        %mul3A_376 = arith.mulf %get3A_372, %get3A_375 : vector<16xf32>
        %add3A_377 = arith.addf %mul3A_369, %mul3A_376 : vector<16xf32>
        %get3A_378 = arith.index_cast %scan3A_362 : i32 to index
        %get3A_379 = arith.constant 32 : index
        %get3A_380 = tpu.vector_load %arg10[%get3A_378, %get3A_379] {strides = array<i32>} : memref<128x128xf32, #tpu.memory_space<vmem>>, vector<16xf32>,
        %get3A_381 = arith.index_cast %scan3A_362 : i32 to index
        %get3A_382 = arith.constant 96 : index
        %get3A_383 = tpu.vector_load %arg11[%get3A_381, %get3A_382] {strides = array<i32>} : memref<128x128xf32, #tpu.memory_space<vmem>>, vector<16xf32>,
        %mul3A_384 = arith.mulf %get3A_380, %get3A_383 : vector<16xf32>
        %add3A_385 = arith.addf %add3A_377, %mul3A_384 : vector<16xf32>
        %get3A_386 = arith.index_cast %scan3A_362 : i32 to index
        %get3A_387 = arith.constant 48 : index
        %get3A_388 = tpu.vector_load %arg10[%get3A_386, %get3A_387] {strides = array<i32>} : memref<128x128xf32, #tpu.memory_space<vmem>>, vector<16xf32>,
        %get3A_389 = arith.index_cast %scan3A_362 : i32 to index
        %get3A_390 = arith.constant 112 : index
        %get3A_391 = tpu.vector_load %arg11[%get3A_389, %get3A_390] {strides = array<i32>} : memref<128x128xf32, #tpu.memory_space<vmem>>, vector<16xf32>,
        %mul3A_392 = arith.mulf %get3A_388, %get3A_391 : vector<16xf32>
        %add3A_393 = arith.addf %add3A_385, %mul3A_392 : vector<16xf32>
        %mul3A_394 = arith.constant 16 : i32
        %mul3A_395 = arith.muli %scan3A_362, %mul3A_394 : i32
        %swap3A_396 = arith.index_cast %mul3A_395 : i32 to index
        %swap3A_397 = tpu.vector_load %arg12[%swap3A_396] {strides = array<i32>} : memref<2048xf32, #tpu.memory_space<vmem>>, vector<16xf32>,
        tpu.vector_store %arg12[%swap3A_396], %add3A_393 {strides = array<i32>} : memref<2048xf32, #tpu.memory_space<vmem>>, vector<16xf32>,
        %scan3A_398 = arith.constant 0 : i32
        %scan3A_399 = arith.constant 5 : i32
        %scan3A_400 = arith.addi %scan3A_211, %scan3A_399 : i32
        %get3A_401 = arith.index_cast %scan3A_400 : i32 to index
        %get3A_402 = arith.constant 0 : index
        %get3A_403 = tpu.vector_load %arg10[%get3A_401, %get3A_402] {strides = array<i32>} : memref<128x128xf32, #tpu.memory_space<vmem>>, vector<16xf32>,
        %get3A_404 = arith.index_cast %scan3A_400 : i32 to index
        %get3A_405 = arith.constant 64 : index
        %get3A_406 = tpu.vector_load %arg11[%get3A_404, %get3A_405] {strides = array<i32>} : memref<128x128xf32, #tpu.memory_space<vmem>>, vector<16xf32>,
        %mul3A_407 = arith.mulf %get3A_403, %get3A_406 : vector<16xf32>
        %get3A_408 = arith.index_cast %scan3A_400 : i32 to index
        %get3A_409 = arith.constant 16 : index
        %get3A_410 = tpu.vector_load %arg10[%get3A_408, %get3A_409] {strides = array<i32>} : memref<128x128xf32, #tpu.memory_space<vmem>>, vector<16xf32>,
        %get3A_411 = arith.index_cast %scan3A_400 : i32 to index
        %get3A_412 = arith.constant 80 : index
        %get3A_413 = tpu.vector_load %arg11[%get3A_411, %get3A_412] {strides = array<i32>} : memref<128x128xf32, #tpu.memory_space<vmem>>, vector<16xf32>,
        %mul3A_414 = arith.mulf %get3A_410, %get3A_413 : vector<16xf32>
        %add3A_415 = arith.addf %mul3A_407, %mul3A_414 : vector<16xf32>
        %get3A_416 = arith.index_cast %scan3A_400 : i32 to index
        %get3A_417 = arith.constant 32 : index
        %get3A_418 = tpu.vector_load %arg10[%get3A_416, %get3A_417] {strides = array<i32>} : memref<128x128xf32, #tpu.memory_space<vmem>>, vector<16xf32>,
        %get3A_419 = arith.index_cast %scan3A_400 : i32 to index
        %get3A_420 = arith.constant 96 : index
        %get3A_421 = tpu.vector_load %arg11[%get3A_419, %get3A_420] {strides = array<i32>} : memref<128x128xf32, #tpu.memory_space<vmem>>, vector<16xf32>,
        %mul3A_422 = arith.mulf %get3A_418, %get3A_421 : vector<16xf32>
        %add3A_423 = arith.addf %add3A_415, %mul3A_422 : vector<16xf32>
        %get3A_424 = arith.index_cast %scan3A_400 : i32 to index
        %get3A_425 = arith.constant 48 : index
        %get3A_426 = tpu.vector_load %arg10[%get3A_424, %get3A_425] {strides = array<i32>} : memref<128x128xf32, #tpu.memory_space<vmem>>, vector<16xf32>,
        %get3A_427 = arith.index_cast %scan3A_400 : i32 to index
        %get3A_428 = arith.constant 112 : index
        %get3A_429 = tpu.vector_load %arg11[%get3A_427, %get3A_428] {strides = array<i32>} : memref<128x128xf32, #tpu.memory_space<vmem>>, vector<16xf32>,
        %mul3A_430 = arith.mulf %get3A_426, %get3A_429 : vector<16xf32>
        %add3A_431 = arith.addf %add3A_423, %mul3A_430 : vector<16xf32>
        %mul3A_432 = arith.constant 16 : i32
        %mul3A_433 = arith.muli %scan3A_400, %mul3A_432 : i32
        %swap3A_434 = arith.index_cast %mul3A_433 : i32 to index
        %swap3A_435 = tpu.vector_load %arg12[%swap3A_434] {strides = array<i32>} : memref<2048xf32, #tpu.memory_space<vmem>>, vector<16xf32>,
        tpu.vector_store %arg12[%swap3A_434], %add3A_431 {strides = array<i32>} : memref<2048xf32, #tpu.memory_space<vmem>>, vector<16xf32>,
        %scan3A_436 = arith.constant 0 : i32
        %scan3A_437 = arith.constant 6 : i32
        %scan3A_438 = arith.addi %scan3A_211, %scan3A_437 : i32
        %get3A_439 = arith.index_cast %scan3A_438 : i32 to index
        %get3A_440 = arith.constant 0 : index
        %get3A_441 = tpu.vector_load %arg10[%get3A_439, %get3A_440] {strides = array<i32>} : memref<128x128xf32, #tpu.memory_space<vmem>>, vector<16xf32>,
        %get3A_442 = arith.index_cast %scan3A_438 : i32 to index
        %get3A_443 = arith.constant 64 : index
        %get3A_444 = tpu.vector_load %arg11[%get3A_442, %get3A_443] {strides = array<i32>} : memref<128x128xf32, #tpu.memory_space<vmem>>, vector<16xf32>,
        %mul3A_445 = arith.mulf %get3A_441, %get3A_444 : vector<16xf32>
        %get3A_446 = arith.index_cast %scan3A_438 : i32 to index
        %get3A_447 = arith.constant 16 : index
        %get3A_448 = tpu.vector_load %arg10[%get3A_446, %get3A_447] {strides = array<i32>} : memref<128x128xf32, #tpu.memory_space<vmem>>, vector<16xf32>,
        %get3A_449 = arith.index_cast %scan3A_438 : i32 to index
        %get3A_450 = arith.constant 80 : index
        %get3A_451 = tpu.vector_load %arg11[%get3A_449, %get3A_450] {strides = array<i32>} : memref<128x128xf32, #tpu.memory_space<vmem>>, vector<16xf32>,
        %mul3A_452 = arith.mulf %get3A_448, %get3A_451 : vector<16xf32>
        %add3A_453 = arith.addf %mul3A_445, %mul3A_452 : vector<16xf32>
        %get3A_454 = arith.index_cast %scan3A_438 : i32 to index
        %get3A_455 = arith.constant 32 : index
        %get3A_456 = tpu.vector_load %arg10[%get3A_454, %get3A_455] {strides = array<i32>} : memref<128x128xf32, #tpu.memory_space<vmem>>, vector<16xf32>,
        %get3A_457 = arith.index_cast %scan3A_438 : i32 to index
        %get3A_458 = arith.constant 96 : index
        %get3A_459 = tpu.vector_load %arg11[%get3A_457, %get3A_458] {strides = array<i32>} : memref<128x128xf32, #tpu.memory_space<vmem>>, vector<16xf32>,
        %mul3A_460 = arith.mulf %get3A_456, %get3A_459 : vector<16xf32>
        %add3A_461 = arith.addf %add3A_453, %mul3A_460 : vector<16xf32>
        %get3A_462 = arith.index_cast %scan3A_438 : i32 to index
        %get3A_463 = arith.constant 48 : index
        %get3A_464 = tpu.vector_load %arg10[%get3A_462, %get3A_463] {strides = array<i32>} : memref<128x128xf32, #tpu.memory_space<vmem>>, vector<16xf32>,
        %get3A_465 = arith.index_cast %scan3A_438 : i32 to index
        %get3A_466 = arith.constant 112 : index
        %get3A_467 = tpu.vector_load %arg11[%get3A_465, %get3A_466] {strides = array<i32>} : memref<128x128xf32, #tpu.memory_space<vmem>>, vector<16xf32>,
        %mul3A_468 = arith.mulf %get3A_464, %get3A_467 : vector<16xf32>
        %add3A_469 = arith.addf %add3A_461, %mul3A_468 : vector<16xf32>
        %mul3A_470 = arith.constant 16 : i32
        %mul3A_471 = arith.muli %scan3A_438, %mul3A_470 : i32
        %swap3A_472 = arith.index_cast %mul3A_471 : i32 to index
        %swap3A_473 = tpu.vector_load %arg12[%swap3A_472] {strides = array<i32>} : memref<2048xf32, #tpu.memory_space<vmem>>, vector<16xf32>,
        tpu.vector_store %arg12[%swap3A_472], %add3A_469 {strides = array<i32>} : memref<2048xf32, #tpu.memory_space<vmem>>, vector<16xf32>,
        %scan3A_474 = arith.constant 0 : i32
        %scan3A_475 = arith.constant 7 : i32
        %scan3A_476 = arith.addi %scan3A_211, %scan3A_475 : i32
        %get3A_477 = arith.index_cast %scan3A_476 : i32 to index
        %get3A_478 = arith.constant 0 : index
        %get3A_479 = tpu.vector_load %arg10[%get3A_477, %get3A_478] {strides = array<i32>} : memref<128x128xf32, #tpu.memory_space<vmem>>, vector<16xf32>,
        %get3A_480 = arith.index_cast %scan3A_476 : i32 to index
        %get3A_481 = arith.constant 64 : index
        %get3A_482 = tpu.vector_load %arg11[%get3A_480, %get3A_481] {strides = array<i32>} : memref<128x128xf32, #tpu.memory_space<vmem>>, vector<16xf32>,
        %mul3A_483 = arith.mulf %get3A_479, %get3A_482 : vector<16xf32>
        %get3A_484 = arith.index_cast %scan3A_476 : i32 to index
        %get3A_485 = arith.constant 16 : index
        %get3A_486 = tpu.vector_load %arg10[%get3A_484, %get3A_485] {strides = array<i32>} : memref<128x128xf32, #tpu.memory_space<vmem>>, vector<16xf32>,
        %get3A_487 = arith.index_cast %scan3A_476 : i32 to index
        %get3A_488 = arith.constant 80 : index
        %get3A_489 = tpu.vector_load %arg11[%get3A_487, %get3A_488] {strides = array<i32>} : memref<128x128xf32, #tpu.memory_space<vmem>>, vector<16xf32>,
        %mul3A_490 = arith.mulf %get3A_486, %get3A_489 : vector<16xf32>
        %add3A_491 = arith.addf %mul3A_483, %mul3A_490 : vector<16xf32>
        %get3A_492 = arith.index_cast %scan3A_476 : i32 to index
        %get3A_493 = arith.constant 32 : index
        %get3A_494 = tpu.vector_load %arg10[%get3A_492, %get3A_493] {strides = array<i32>} : memref<128x128xf32, #tpu.memory_space<vmem>>, vector<16xf32>,
        %get3A_495 = arith.index_cast %scan3A_476 : i32 to index
        %get3A_496 = arith.constant 96 : index
        %get3A_497 = tpu.vector_load %arg11[%get3A_495, %get3A_496] {strides = array<i32>} : memref<128x128xf32, #tpu.memory_space<vmem>>, vector<16xf32>,
        %mul3A_498 = arith.mulf %get3A_494, %get3A_497 : vector<16xf32>
        %add3A_499 = arith.addf %add3A_491, %mul3A_498 : vector<16xf32>
        %get3A_500 = arith.index_cast %scan3A_476 : i32 to index
        %get3A_501 = arith.constant 48 : index
        %get3A_502 = tpu.vector_load %arg10[%get3A_500, %get3A_501] {strides = array<i32>} : memref<128x128xf32, #tpu.memory_space<vmem>>, vector<16xf32>,
        %get3A_503 = arith.index_cast %scan3A_476 : i32 to index
        %get3A_504 = arith.constant 112 : index
        %get3A_505 = tpu.vector_load %arg11[%get3A_503, %get3A_504] {strides = array<i32>} : memref<128x128xf32, #tpu.memory_space<vmem>>, vector<16xf32>,
        %mul3A_506 = arith.mulf %get3A_502, %get3A_505 : vector<16xf32>
        %add3A_507 = arith.addf %add3A_499, %mul3A_506 : vector<16xf32>
        %mul3A_508 = arith.constant 16 : i32
        %mul3A_509 = arith.muli %scan3A_476, %mul3A_508 : i32
        %swap3A_510 = arith.index_cast %mul3A_509 : i32 to index
        %swap3A_511 = tpu.vector_load %arg12[%swap3A_510] {strides = array<i32>} : memref<2048xf32, #tpu.memory_space<vmem>>, vector<16xf32>,
        tpu.vector_store %arg12[%swap3A_510], %add3A_507 {strides = array<i32>} : memref<2048xf32, #tpu.memory_space<vmem>>, vector<16xf32>,
        %scan3A_512 = arith.constant 0 : i32
        scf.yield %scan3A_512 : i32
      }
      %scan3A_201 = arith.constant 128 : i32
      %iota3A_202 = tpu.iota {dimensions = array<i32: 0>} : vector<16xi32>
      %scan3A_203 = arith.constant 0 : i32
      %scan3A_204 = arith.constant 0 : i32
      %scan3A_205 = arith.constant 8 : i32
      %scan3A_206 = arith.addi %scan3A_204, %scan3A_205 : i32
      %scan3A_207 = arith.constant 1 : i32
      %scan3A_208 = scf.for %scan3A_211 = %scan3A_204 to %scan3A_206 step %scan3A_207 iter_args(%scan3A_212 = %scan3A_203) -> (i32)  : i32 {
        %mul3A_213 = arith.constant 16 : i32
        %mul3A_214 = arith.muli %scan3A_211, %mul3A_213 : i32
        %add3A_215 = vector.broadcast %mul3A_214 : i32 to vector<16xi32>
        %add3A_216 = arith.addi %add3A_215, %iota3A_202 : vector<16xi32>
        %mul3A_217 = arith.constant 16 : i32
        %mul3A_218 = vector.broadcast %mul3A_217 : i32 to vector<16xi32>
        %mul3A_219 = arith.muli %add3A_216, %mul3A_218 : vector<16xi32>
        %add3A_220 = arith.constant 0 : i32
        %add3A_221 = vector.broadcast %add3A_220 : i32 to vector<16xi32>
        %add3A_222 = arith.addi %mul3A_219, %add3A_221 : vector<16xi32>
        %gather3A = tpu.vector_load_idx %arg12[%add3A_222] : memref<2048xf32, #tpu.memory_space<vmem>>[vector<16xi32>], vector<16xf32>,
        %add3A_223 = arith.constant 1 : i32
        %add3A_224 = vector.broadcast %add3A_223 : i32 to vector<16xi32>
        %add3A_225 = arith.addi %mul3A_219, %add3A_224 : vector<16xi32>
        %gather3A_226 = tpu.vector_load_idx %arg12[%add3A_225] : memref<2048xf32, #tpu.memory_space<vmem>>[vector<16xi32>], vector<16xf32>,
        %add3A_227 = arith.addf %gather3A, %gather3A_226 : vector<16xf32>
        %add3A_228 = arith.constant 2 : i32
        %add3A_229 = vector.broadcast %add3A_228 : i32 to vector<16xi32>
        %add3A_230 = arith.addi %mul3A_219, %add3A_229 : vector<16xi32>
        %gather3A_231 = tpu.vector_load_idx %arg12[%add3A_230] : memref<2048xf32, #tpu.memory_space<vmem>>[vector<16xi32>], vector<16xf32>,
        %add3A_232 = arith.addf %add3A_227, %gather3A_231 : vector<16xf32>
        %add3A_233 = arith.constant 3 : i32
        %add3A_234 = vector.broadcast %add3A_233 : i32 to vector<16xi32>
        %add3A_235 = arith.addi %mul3A_219, %add3A_234 : vector<16xi32>
        %gather3A_236 = tpu.vector_load_idx %arg12[%add3A_235] : memref<2048xf32, #tpu.memory_space<vmem>>[vector<16xi32>], vector<16xf32>,
        %add3A_237 = arith.addf %add3A_232, %gather3A_236 : vector<16xf32>
        %add3A_238 = arith.constant 4 : i32
        %add3A_239 = vector.broadcast %add3A_238 : i32 to vector<16xi32>
        %add3A_240 = arith.addi %mul3A_219, %add3A_239 : vector<16xi32>
        %gather3A_241 = tpu.vector_load_idx %arg12[%add3A_240] : memref<2048xf32, #tpu.memory_space<vmem>>[vector<16xi32>], vector<16xf32>,
        %add3A_242 = arith.addf %add3A_237, %gather3A_241 : vector<16xf32>
        %add3A_243 = arith.constant 5 : i32
        %add3A_244 = vector.broadcast %add3A_243 : i32 to vector<16xi32>
        %add3A_245 = arith.addi %mul3A_219, %add3A_244 : vector<16xi32>
        %gather3A_246 = tpu.vector_load_idx %arg12[%add3A_245] : memref<2048xf32, #tpu.memory_space<vmem>>[vector<16xi32>], vector<16xf32>,
        %add3A_247 = arith.addf %add3A_242, %gather3A_246 : vector<16xf32>
        %add3A_248 = arith.constant 6 : i32
        %add3A_249 = vector.broadcast %add3A_248 : i32 to vector<16xi32>
        %add3A_250 = arith.addi %mul3A_219, %add3A_249 : vector<16xi32>
        %gather3A_251 = tpu.vector_load_idx %arg12[%add3A_250] : memref<2048xf32, #tpu.memory_space<vmem>>[vector<16xi32>], vector<16xf32>,
        %add3A_252 = arith.addf %add3A_247, %gather3A_251 : vector<16xf32>
        %add3A_253 = arith.constant 7 : i32
        %add3A_254 = vector.broadcast %add3A_253 : i32 to vector<16xi32>
        %add3A_255 = arith.addi %mul3A_219, %add3A_254 : vector<16xi32>
        %gather3A_256 = tpu.vector_load_idx %arg12[%add3A_255] : memref<2048xf32, #tpu.memory_space<vmem>>[vector<16xi32>], vector<16xf32>,
        %add3A_257 = arith.addf %add3A_252, %gather3A_256 : vector<16xf32>
        %add3A_258 = arith.constant 8 : i32
        %add3A_259 = vector.broadcast %add3A_258 : i32 to vector<16xi32>
        %add3A_260 = arith.addi %mul3A_219, %add3A_259 : vector<16xi32>
        %gather3A_261 = tpu.vector_load_idx %arg12[%add3A_260] : memref<2048xf32, #tpu.memory_space<vmem>>[vector<16xi32>], vector<16xf32>,
        %add3A_262 = arith.addf %add3A_257, %gather3A_261 : vector<16xf32>
        %add3A_263 = arith.constant 9 : i32
        %add3A_264 = vector.broadcast %add3A_263 : i32 to vector<16xi32>
        %add3A_265 = arith.addi %mul3A_219, %add3A_264 : vector<16xi32>
        %gather3A_266 = tpu.vector_load_idx %arg12[%add3A_265] : memref<2048xf32, #tpu.memory_space<vmem>>[vector<16xi32>], vector<16xf32>,
        %add3A_267 = arith.addf %add3A_262, %gather3A_266 : vector<16xf32>
        %add3A_268 = arith.constant 10 : i32
        %add3A_269 = vector.broadcast %add3A_268 : i32 to vector<16xi32>
        %add3A_270 = arith.addi %mul3A_219, %add3A_269 : vector<16xi32>
        %gather3A_271 = tpu.vector_load_idx %arg12[%add3A_270] : memref<2048xf32, #tpu.memory_space<vmem>>[vector<16xi32>], vector<16xf32>,
        %add3A_272 = arith.addf %add3A_267, %gather3A_271 : vector<16xf32>
        %add3A_273 = arith.constant 11 : i32
        %add3A_274 = vector.broadcast %add3A_273 : i32 to vector<16xi32>
        %add3A_275 = arith.addi %mul3A_219, %add3A_274 : vector<16xi32>
        %gather3A_276 = tpu.vector_load_idx %arg12[%add3A_275] : memref<2048xf32, #tpu.memory_space<vmem>>[vector<16xi32>], vector<16xf32>,
        %add3A_277 = arith.addf %add3A_272, %gather3A_276 : vector<16xf32>
        %add3A_278 = arith.constant 12 : i32
        %add3A_279 = vector.broadcast %add3A_278 : i32 to vector<16xi32>
        %add3A_280 = arith.addi %mul3A_219, %add3A_279 : vector<16xi32>
        %gather3A_281 = tpu.vector_load_idx %arg12[%add3A_280] : memref<2048xf32, #tpu.memory_space<vmem>>[vector<16xi32>], vector<16xf32>,
        %add3A_282 = arith.addf %add3A_277, %gather3A_281 : vector<16xf32>
        %add3A_283 = arith.constant 13 : i32
        %add3A_284 = vector.broadcast %add3A_283 : i32 to vector<16xi32>
        %add3A_285 = arith.addi %mul3A_219, %add3A_284 : vector<16xi32>
        %gather3A_286 = tpu.vector_load_idx %arg12[%add3A_285] : memref<2048xf32, #tpu.memory_space<vmem>>[vector<16xi32>], vector<16xf32>,
        %add3A_287 = arith.addf %add3A_282, %gather3A_286 : vector<16xf32>
        %add3A_288 = arith.constant 14 : i32
        %add3A_289 = vector.broadcast %add3A_288 : i32 to vector<16xi32>
        %add3A_290 = arith.addi %mul3A_219, %add3A_289 : vector<16xi32>
        %gather3A_291 = tpu.vector_load_idx %arg12[%add3A_290] : memref<2048xf32, #tpu.memory_space<vmem>>[vector<16xi32>], vector<16xf32>,
        %add3A_292 = arith.addf %add3A_287, %gather3A_291 : vector<16xf32>
        %add3A_293 = arith.constant 15 : i32
        %add3A_294 = vector.broadcast %add3A_293 : i32 to vector<16xi32>
        %add3A_295 = arith.addi %mul3A_219, %add3A_294 : vector<16xi32>
        %gather3A_296 = tpu.vector_load_idx %arg12[%add3A_295] : memref<2048xf32, #tpu.memory_space<vmem>>[vector<16xi32>], vector<16xf32>,
        %add3A_297 = arith.addf %add3A_292, %gather3A_296 : vector<16xf32>
        %mul3A_298 = arith.constant 16 : i32
        %mul3A_299 = arith.muli %scan3A_211, %mul3A_298 : i32
        %add3A_300 = arith.addi %mul3A_194, %mul3A_299 : i32
        %swap3A = arith.index_cast %add3A_300 : i32 to index
        %swap3A_301 = tpu.vector_load %arg13[%swap3A] {strides = array<i32>} : memref<10752xf32, #tpu.memory_space<vmem>>, vector<16xf32>,
        tpu.vector_store %arg13[%swap3A], %add3A_297 {strides = array<i32>} : memref<10752xf32, #tpu.memory_space<vmem>>, vector<16xf32>,
        %scan3A_302 = arith.constant 0 : i32
        scf.yield %scan3A_302 : i32
      }
      %scan3A_209 = arith.constant 8 : i32
      %scan3A_210 = arith.constant 0 : i32
      scf.yield %scan3A_210 : i32
    }
    %scan3A_27 = arith.constant 41 : i32
    %multiple_of3A_28 = arith.constant 10624 : i32
    %multiple_of3A_29 = tpu.assume_multiple %multiple_of3A_28, 128 : i32
    %add3A_30 = arith.constant 0 : i32
    %add3A_31 = arith.addi %multiple_of3A_29, %add3A_30 : i32
    %dma_start3A_32 = arith.constant 0 : i32
    %dma_start3A_33 = arith.constant 0 : i32
    %dma_start3A_34 = tpu.memref_slice %arg10[%dma_start3A_32, %dma_start3A_33] : memref<128x128xf32, #tpu.memory_space<vmem>> -> memref<128x128xf32, #tpu.memory_space<vmem>>
    %dma_start3A_35 = tpu.memref_slice %arg6[%add3A_31] : memref<10752xi32, #tpu.memory_space<vmem>> -> memref<128xi32, #tpu.memory_space<vmem>>
    %dma_start3A_36 = arith.constant 0 : i32
    %dma_start3A_37 = arith.constant 0 : i32
    %dma_start3A_38 = tpu.memref_slice %arg4[%dma_start3A_36, %dma_start3A_37] : memref<1000000x128xf32, #tpu.memory_space<hbm>> -> memref<1000000x128xf32, #tpu.memory_space<hbm>>
    tpu.enqueue_indirect_dma source(%dma_start3A_38 : memref<1000000x128xf32, #tpu.memory_space<hbm>>) target(%dma_start3A_34 : memref<128x128xf32, #tpu.memory_space<vmem>>) offsets(%dma_start3A_35 : memref<128xi32, #tpu.memory_space<vmem>>) semaphore(%arg15 : memref<!tpu.dma_semaphore, #tpu.memory_space<semaphore_mem>>)
    %add3A_39 = arith.constant 0 : i32
    %add3A_40 = arith.addi %multiple_of3A_29, %add3A_39 : i32
    %dma_start3A_41 = arith.constant 0 : i32
    %dma_start3A_42 = arith.constant 0 : i32
    %dma_start3A_43 = tpu.memref_slice %arg11[%dma_start3A_41, %dma_start3A_42] : memref<128x128xf32, #tpu.memory_space<vmem>> -> memref<128x128xf32, #tpu.memory_space<vmem>>
    %dma_start3A_44 = tpu.memref_slice %arg7[%add3A_40] : memref<10752xi32, #tpu.memory_space<vmem>> -> memref<128xi32, #tpu.memory_space<vmem>>
    %dma_start3A_45 = arith.constant 0 : i32
    %dma_start3A_46 = arith.constant 0 : i32
    %dma_start3A_47 = tpu.memref_slice %arg4[%dma_start3A_45, %dma_start3A_46] : memref<1000000x128xf32, #tpu.memory_space<hbm>> -> memref<1000000x128xf32, #tpu.memory_space<hbm>>
    tpu.enqueue_indirect_dma source(%dma_start3A_47 : memref<1000000x128xf32, #tpu.memory_space<hbm>>) target(%dma_start3A_43 : memref<128x128xf32, #tpu.memory_space<vmem>>) offsets(%dma_start3A_44 : memref<128xi32, #tpu.memory_space<vmem>>) semaphore(%arg15 : memref<!tpu.dma_semaphore, #tpu.memory_space<semaphore_mem>>)
    %dma_wait3A = arith.constant 0 : i32
    %dma_wait3A_48 = arith.constant 0 : i32
    %dma_wait3A_49 = tpu.memref_slice %arg4[%dma_wait3A, %dma_wait3A_48] : memref<1000000x128xf32, #tpu.memory_space<hbm>> -> memref<128x128xf32, #tpu.memory_space<hbm>>
    %dma_wait3A_50 = arith.constant 0 : i32
    %dma_wait3A_51 = arith.constant 0 : i32
    %dma_wait3A_52 = tpu.memref_slice %arg4[%dma_wait3A_50, %dma_wait3A_51] : memref<1000000x128xf32, #tpu.memory_space<hbm>> -> memref<128x128xf32, #tpu.memory_space<hbm>>
    tpu.wait_dma2 semaphore(%arg14 : memref<!tpu.dma_semaphore, #tpu.memory_space<semaphore_mem>>) src(%dma_wait3A_52 : memref<128x128xf32, #tpu.memory_space<hbm>>) dst(%arg8 : memref<128x128xf32, #tpu.memory_space<vmem>>)
    %dma_wait3A_53 = arith.constant 0 : i32
    %dma_wait3A_54 = arith.constant 0 : i32
    %dma_wait3A_55 = tpu.memref_slice %arg4[%dma_wait3A_53, %dma_wait3A_54] : memref<1000000x128xf32, #tpu.memory_space<hbm>> -> memref<128x128xf32, #tpu.memory_space<hbm>>
    %dma_wait3A_56 = arith.constant 0 : i32
    %dma_wait3A_57 = arith.constant 0 : i32
    %dma_wait3A_58 = tpu.memref_slice %arg4[%dma_wait3A_56, %dma_wait3A_57] : memref<1000000x128xf32, #tpu.memory_space<hbm>> -> memref<128x128xf32, #tpu.memory_space<hbm>>
    tpu.wait_dma2 semaphore(%arg14 : memref<!tpu.dma_semaphore, #tpu.memory_space<semaphore_mem>>) src(%dma_wait3A_58 : memref<128x128xf32, #tpu.memory_space<hbm>>) dst(%arg9 : memref<128x128xf32, #tpu.memory_space<vmem>>)
    %scan3A_59 = arith.constant 0 : i32
    %scan3A_60 = arith.constant 0 : i32
    %scan3A_61 = arith.constant 128 : i32
    %scan3A_62 = arith.addi %scan3A_60, %scan3A_61 : i32
    %scan3A_63 = arith.constant 8 : i32
    %scan3A_64 = scf.for %scan3A_100 = %scan3A_60 to %scan3A_62 step %scan3A_63 iter_args(%scan3A_101 = %scan3A_59) -> (i32)  : i32 {
      %get3A = arith.index_cast %scan3A_100 : i32 to index
      %get3A_102 = arith.constant 0 : index
      %get3A_103 = tpu.vector_load %arg8[%get3A, %get3A_102] {strides = array<i32>} : memref<128x128xf32, #tpu.memory_space<vmem>>, vector<16xf32>,
      %get3A_104 = arith.index_cast %scan3A_100 : i32 to index
      %get3A_105 = arith.constant 64 : index
      %get3A_106 = tpu.vector_load %arg9[%get3A_104, %get3A_105] {strides = array<i32>} : memref<128x128xf32, #tpu.memory_space<vmem>>, vector<16xf32>,
      %mul3A_107 = arith.mulf %get3A_103, %get3A_106 : vector<16xf32>
      %get3A_108 = arith.index_cast %scan3A_100 : i32 to index
      %get3A_109 = arith.constant 16 : index
      %get3A_110 = tpu.vector_load %arg8[%get3A_108, %get3A_109] {strides = array<i32>} : memref<128x128xf32, #tpu.memory_space<vmem>>, vector<16xf32>,
      %get3A_111 = arith.index_cast %scan3A_100 : i32 to index
      %get3A_112 = arith.constant 80 : index
      %get3A_113 = tpu.vector_load %arg9[%get3A_111, %get3A_112] {strides = array<i32>} : memref<128x128xf32, #tpu.memory_space<vmem>>, vector<16xf32>,
      %mul3A_114 = arith.mulf %get3A_110, %get3A_113 : vector<16xf32>
      %add3A_115 = arith.addf %mul3A_107, %mul3A_114 : vector<16xf32>
      %get3A_116 = arith.index_cast %scan3A_100 : i32 to index
      %get3A_117 = arith.constant 32 : index
      %get3A_118 = tpu.vector_load %arg8[%get3A_116, %get3A_117] {strides = array<i32>} : memref<128x128xf32, #tpu.memory_space<vmem>>, vector<16xf32>,
      %get3A_119 = arith.index_cast %scan3A_100 : i32 to index
      %get3A_120 = arith.constant 96 : index
      %get3A_121 = tpu.vector_load %arg9[%get3A_119, %get3A_120] {strides = array<i32>} : memref<128x128xf32, #tpu.memory_space<vmem>>, vector<16xf32>,
      %mul3A_122 = arith.mulf %get3A_118, %get3A_121 : vector<16xf32>
      %add3A_123 = arith.addf %add3A_115, %mul3A_122 : vector<16xf32>
      %get3A_124 = arith.index_cast %scan3A_100 : i32 to index
      %get3A_125 = arith.constant 48 : index
      %get3A_126 = tpu.vector_load %arg8[%get3A_124, %get3A_125] {strides = array<i32>} : memref<128x128xf32, #tpu.memory_space<vmem>>, vector<16xf32>,
      %get3A_127 = arith.index_cast %scan3A_100 : i32 to index
      %get3A_128 = arith.constant 112 : index
      %get3A_129 = tpu.vector_load %arg9[%get3A_127, %get3A_128] {strides = array<i32>} : memref<128x128xf32, #tpu.memory_space<vmem>>, vector<16xf32>,
      %mul3A_130 = arith.mulf %get3A_126, %get3A_129 : vector<16xf32>
      %add3A_131 = arith.addf %add3A_123, %mul3A_130 : vector<16xf32>
      %mul3A_132 = arith.constant 16 : i32
      %mul3A_133 = arith.muli %scan3A_100, %mul3A_132 : i32
      %swap3A = arith.index_cast %mul3A_133 : i32 to index
      %swap3A_134 = tpu.vector_load %arg12[%swap3A] {strides = array<i32>} : memref<2048xf32, #tpu.memory_space<vmem>>, vector<16xf32>,
      tpu.vector_store %arg12[%swap3A], %add3A_131 {strides = array<i32>} : memref<2048xf32, #tpu.memory_space<vmem>>, vector<16xf32>,
      %scan3A_135 = arith.constant 0 : i32
      %scan3A_136 = arith.constant 1 : i32
      %scan3A_137 = arith.addi %scan3A_100, %scan3A_136 : i32
      %get3A_138 = arith.index_cast %scan3A_137 : i32 to index
      %get3A_139 = arith.constant 0 : index
      %get3A_140 = tpu.vector_load %arg8[%get3A_138, %get3A_139] {strides = array<i32>} : memref<128x128xf32, #tpu.memory_space<vmem>>, vector<16xf32>,
      %get3A_141 = arith.index_cast %scan3A_137 : i32 to index
      %get3A_142 = arith.constant 64 : index
      %get3A_143 = tpu.vector_load %arg9[%get3A_141, %get3A_142] {strides = array<i32>} : memref<128x128xf32, #tpu.memory_space<vmem>>, vector<16xf32>,
      %mul3A_144 = arith.mulf %get3A_140, %get3A_143 : vector<16xf32>
      %get3A_145 = arith.index_cast %scan3A_137 : i32 to index
      %get3A_146 = arith.constant 16 : index
      %get3A_147 = tpu.vector_load %arg8[%get3A_145, %get3A_146] {strides = array<i32>} : memref<128x128xf32, #tpu.memory_space<vmem>>, vector<16xf32>,
      %get3A_148 = arith.index_cast %scan3A_137 : i32 to index
      %get3A_149 = arith.constant 80 : index
      %get3A_150 = tpu.vector_load %arg9[%get3A_148, %get3A_149] {strides = array<i32>} : memref<128x128xf32, #tpu.memory_space<vmem>>, vector<16xf32>,
      %mul3A_151 = arith.mulf %get3A_147, %get3A_150 : vector<16xf32>
      %add3A_152 = arith.addf %mul3A_144, %mul3A_151 : vector<16xf32>
      %get3A_153 = arith.index_cast %scan3A_137 : i32 to index
      %get3A_154 = arith.constant 32 : index
      %get3A_155 = tpu.vector_load %arg8[%get3A_153, %get3A_154] {strides = array<i32>} : memref<128x128xf32, #tpu.memory_space<vmem>>, vector<16xf32>,
      %get3A_156 = arith.index_cast %scan3A_137 : i32 to index
      %get3A_157 = arith.constant 96 : index
      %get3A_158 = tpu.vector_load %arg9[%get3A_156, %get3A_157] {strides = array<i32>} : memref<128x128xf32, #tpu.memory_space<vmem>>, vector<16xf32>,
      %mul3A_159 = arith.mulf %get3A_155, %get3A_158 : vector<16xf32>
      %add3A_160 = arith.addf %add3A_152, %mul3A_159 : vector<16xf32>
      %get3A_161 = arith.index_cast %scan3A_137 : i32 to index
      %get3A_162 = arith.constant 48 : index
      %get3A_163 = tpu.vector_load %arg8[%get3A_161, %get3A_162] {strides = array<i32>} : memref<128x128xf32, #tpu.memory_space<vmem>>, vector<16xf32>,
      %get3A_164 = arith.index_cast %scan3A_137 : i32 to index
      %get3A_165 = arith.constant 112 : index
      %get3A_166 = tpu.vector_load %arg9[%get3A_164, %get3A_165] {strides = array<i32>} : memref<128x128xf32, #tpu.memory_space<vmem>>, vector<16xf32>,
      %mul3A_167 = arith.mulf %get3A_163, %get3A_166 : vector<16xf32>
      %add3A_168 = arith.addf %add3A_160, %mul3A_167 : vector<16xf32>
      %mul3A_169 = arith.constant 16 : i32
      %mul3A_170 = arith.muli %scan3A_137, %mul3A_169 : i32
      %swap3A_171 = arith.index_cast %mul3A_170 : i32 to index
      %swap3A_172 = tpu.vector_load %arg12[%swap3A_171] {strides = array<i32>} : memref<2048xf32, #tpu.memory_space<vmem>>, vector<16xf32>,
      tpu.vector_store %arg12[%swap3A_171], %add3A_168 {strides = array<i32>} : memref<2048xf32, #tpu.memory_space<vmem>>, vector<16xf32>,
      %scan3A_173 = arith.constant 0 : i32
      %scan3A_174 = arith.constant 2 : i32
      %scan3A_175 = arith.addi %scan3A_100, %scan3A_174 : i32
      %get3A_176 = arith.index_cast %scan3A_175 : i32 to index
      %get3A_177 = arith.constant 0 : index
      %get3A_178 = tpu.vector_load %arg8[%get3A_176, %get3A_177] {strides = array<i32>} : memref<128x128xf32, #tpu.memory_space<vmem>>, vector<16xf32>,
      %get3A_179 = arith.index_cast %scan3A_175 : i32 to index
      %get3A_180 = arith.constant 64 : index
      %get3A_181 = tpu.vector_load %arg9[%get3A_179, %get3A_180] {strides = array<i32>} : memref<128x128xf32, #tpu.memory_space<vmem>>, vector<16xf32>,
      %mul3A_182 = arith.mulf %get3A_178, %get3A_181 : vector<16xf32>
      %get3A_183 = arith.index_cast %scan3A_175 : i32 to index
      %get3A_184 = arith.constant 16 : index
      %get3A_185 = tpu.vector_load %arg8[%get3A_183, %get3A_184] {strides = array<i32>} : memref<128x128xf32, #tpu.memory_space<vmem>>, vector<16xf32>,
      %get3A_186 = arith.index_cast %scan3A_175 : i32 to index
      %get3A_187 = arith.constant 80 : index
      %get3A_188 = tpu.vector_load %arg9[%get3A_186, %get3A_187] {strides = array<i32>} : memref<128x128xf32, #tpu.memory_space<vmem>>, vector<16xf32>,
      %mul3A_189 = arith.mulf %get3A_185, %get3A_188 : vector<16xf32>
      %add3A_190 = arith.addf %mul3A_182, %mul3A_189 : vector<16xf32>
      %get3A_191 = arith.index_cast %scan3A_175 : i32 to index
      %get3A_192 = arith.constant 32 : index
      %get3A_193 = tpu.vector_load %arg8[%get3A_191, %get3A_192] {strides = array<i32>} : memref<128x128xf32, #tpu.memory_space<vmem>>, vector<16xf32>,
      %get3A_194 = arith.index_cast %scan3A_175 : i32 to index
      %get3A_195 = arith.constant 96 : index
      %get3A_196 = tpu.vector_load %arg9[%get3A_194, %get3A_195] {strides = array<i32>} : memref<128x128xf32, #tpu.memory_space<vmem>>, vector<16xf32>,
      %mul3A_197 = arith.mulf %get3A_193, %get3A_196 : vector<16xf32>
      %add3A_198 = arith.addf %add3A_190, %mul3A_197 : vector<16xf32>
      %get3A_199 = arith.index_cast %scan3A_175 : i32 to index
      %get3A_200 = arith.constant 48 : index
      %get3A_201 = tpu.vector_load %arg8[%get3A_199, %get3A_200] {strides = array<i32>} : memref<128x128xf32, #tpu.memory_space<vmem>>, vector<16xf32>,
      %get3A_202 = arith.index_cast %scan3A_175 : i32 to index
      %get3A_203 = arith.constant 112 : index
      %get3A_204 = tpu.vector_load %arg9[%get3A_202, %get3A_203] {strides = array<i32>} : memref<128x128xf32, #tpu.memory_space<vmem>>, vector<16xf32>,
      %mul3A_205 = arith.mulf %get3A_201, %get3A_204 : vector<16xf32>
      %add3A_206 = arith.addf %add3A_198, %mul3A_205 : vector<16xf32>
      %mul3A_207 = arith.constant 16 : i32
      %mul3A_208 = arith.muli %scan3A_175, %mul3A_207 : i32
      %swap3A_209 = arith.index_cast %mul3A_208 : i32 to index
      %swap3A_210 = tpu.vector_load %arg12[%swap3A_209] {strides = array<i32>} : memref<2048xf32, #tpu.memory_space<vmem>>, vector<16xf32>,
      tpu.vector_store %arg12[%swap3A_209], %add3A_206 {strides = array<i32>} : memref<2048xf32, #tpu.memory_space<vmem>>, vector<16xf32>,
      %scan3A_211 = arith.constant 0 : i32
      %scan3A_212 = arith.constant 3 : i32
      %scan3A_213 = arith.addi %scan3A_100, %scan3A_212 : i32
      %get3A_214 = arith.index_cast %scan3A_213 : i32 to index
      %get3A_215 = arith.constant 0 : index
      %get3A_216 = tpu.vector_load %arg8[%get3A_214, %get3A_215] {strides = array<i32>} : memref<128x128xf32, #tpu.memory_space<vmem>>, vector<16xf32>,
      %get3A_217 = arith.index_cast %scan3A_213 : i32 to index
      %get3A_218 = arith.constant 64 : index
      %get3A_219 = tpu.vector_load %arg9[%get3A_217, %get3A_218] {strides = array<i32>} : memref<128x128xf32, #tpu.memory_space<vmem>>, vector<16xf32>,
      %mul3A_220 = arith.mulf %get3A_216, %get3A_219 : vector<16xf32>
      %get3A_221 = arith.index_cast %scan3A_213 : i32 to index
      %get3A_222 = arith.constant 16 : index
      %get3A_223 = tpu.vector_load %arg8[%get3A_221, %get3A_222] {strides = array<i32>} : memref<128x128xf32, #tpu.memory_space<vmem>>, vector<16xf32>,
      %get3A_224 = arith.index_cast %scan3A_213 : i32 to index
      %get3A_225 = arith.constant 80 : index
      %get3A_226 = tpu.vector_load %arg9[%get3A_224, %get3A_225] {strides = array<i32>} : memref<128x128xf32, #tpu.memory_space<vmem>>, vector<16xf32>,
      %mul3A_227 = arith.mulf %get3A_223, %get3A_226 : vector<16xf32>
      %add3A_228 = arith.addf %mul3A_220, %mul3A_227 : vector<16xf32>
      %get3A_229 = arith.index_cast %scan3A_213 : i32 to index
      %get3A_230 = arith.constant 32 : index
      %get3A_231 = tpu.vector_load %arg8[%get3A_229, %get3A_230] {strides = array<i32>} : memref<128x128xf32, #tpu.memory_space<vmem>>, vector<16xf32>,
      %get3A_232 = arith.index_cast %scan3A_213 : i32 to index
      %get3A_233 = arith.constant 96 : index
      %get3A_234 = tpu.vector_load %arg9[%get3A_232, %get3A_233] {strides = array<i32>} : memref<128x128xf32, #tpu.memory_space<vmem>>, vector<16xf32>,
      %mul3A_235 = arith.mulf %get3A_231, %get3A_234 : vector<16xf32>
      %add3A_236 = arith.addf %add3A_228, %mul3A_235 : vector<16xf32>
      %get3A_237 = arith.index_cast %scan3A_213 : i32 to index
      %get3A_238 = arith.constant 48 : index
      %get3A_239 = tpu.vector_load %arg8[%get3A_237, %get3A_238] {strides = array<i32>} : memref<128x128xf32, #tpu.memory_space<vmem>>, vector<16xf32>,
      %get3A_240 = arith.index_cast %scan3A_213 : i32 to index
      %get3A_241 = arith.constant 112 : index
      %get3A_242 = tpu.vector_load %arg9[%get3A_240, %get3A_241] {strides = array<i32>} : memref<128x128xf32, #tpu.memory_space<vmem>>, vector<16xf32>,
      %mul3A_243 = arith.mulf %get3A_239, %get3A_242 : vector<16xf32>
      %add3A_244 = arith.addf %add3A_236, %mul3A_243 : vector<16xf32>
      %mul3A_245 = arith.constant 16 : i32
      %mul3A_246 = arith.muli %scan3A_213, %mul3A_245 : i32
      %swap3A_247 = arith.index_cast %mul3A_246 : i32 to index
      %swap3A_248 = tpu.vector_load %arg12[%swap3A_247] {strides = array<i32>} : memref<2048xf32, #tpu.memory_space<vmem>>, vector<16xf32>,
      tpu.vector_store %arg12[%swap3A_247], %add3A_244 {strides = array<i32>} : memref<2048xf32, #tpu.memory_space<vmem>>, vector<16xf32>,
      %scan3A_249 = arith.constant 0 : i32
      %scan3A_250 = arith.constant 4 : i32
      %scan3A_251 = arith.addi %scan3A_100, %scan3A_250 : i32
      %get3A_252 = arith.index_cast %scan3A_251 : i32 to index
      %get3A_253 = arith.constant 0 : index
      %get3A_254 = tpu.vector_load %arg8[%get3A_252, %get3A_253] {strides = array<i32>} : memref<128x128xf32, #tpu.memory_space<vmem>>, vector<16xf32>,
      %get3A_255 = arith.index_cast %scan3A_251 : i32 to index
      %get3A_256 = arith.constant 64 : index
      %get3A_257 = tpu.vector_load %arg9[%get3A_255, %get3A_256] {strides = array<i32>} : memref<128x128xf32, #tpu.memory_space<vmem>>, vector<16xf32>,
      %mul3A_258 = arith.mulf %get3A_254, %get3A_257 : vector<16xf32>
      %get3A_259 = arith.index_cast %scan3A_251 : i32 to index
      %get3A_260 = arith.constant 16 : index
      %get3A_261 = tpu.vector_load %arg8[%get3A_259, %get3A_260] {strides = array<i32>} : memref<128x128xf32, #tpu.memory_space<vmem>>, vector<16xf32>,
      %get3A_262 = arith.index_cast %scan3A_251 : i32 to index
      %get3A_263 = arith.constant 80 : index
      %get3A_264 = tpu.vector_load %arg9[%get3A_262, %get3A_263] {strides = array<i32>} : memref<128x128xf32, #tpu.memory_space<vmem>>, vector<16xf32>,
      %mul3A_265 = arith.mulf %get3A_261, %get3A_264 : vector<16xf32>
      %add3A_266 = arith.addf %mul3A_258, %mul3A_265 : vector<16xf32>
      %get3A_267 = arith.index_cast %scan3A_251 : i32 to index
      %get3A_268 = arith.constant 32 : index
      %get3A_269 = tpu.vector_load %arg8[%get3A_267, %get3A_268] {strides = array<i32>} : memref<128x128xf32, #tpu.memory_space<vmem>>, vector<16xf32>,
      %get3A_270 = arith.index_cast %scan3A_251 : i32 to index
      %get3A_271 = arith.constant 96 : index
      %get3A_272 = tpu.vector_load %arg9[%get3A_270, %get3A_271] {strides = array<i32>} : memref<128x128xf32, #tpu.memory_space<vmem>>, vector<16xf32>,
      %mul3A_273 = arith.mulf %get3A_269, %get3A_272 : vector<16xf32>
      %add3A_274 = arith.addf %add3A_266, %mul3A_273 : vector<16xf32>
      %get3A_275 = arith.index_cast %scan3A_251 : i32 to index
      %get3A_276 = arith.constant 48 : index
      %get3A_277 = tpu.vector_load %arg8[%get3A_275, %get3A_276] {strides = array<i32>} : memref<128x128xf32, #tpu.memory_space<vmem>>, vector<16xf32>,
      %get3A_278 = arith.index_cast %scan3A_251 : i32 to index
      %get3A_279 = arith.constant 112 : index
      %get3A_280 = tpu.vector_load %arg9[%get3A_278, %get3A_279] {strides = array<i32>} : memref<128x128xf32, #tpu.memory_space<vmem>>, vector<16xf32>,
      %mul3A_281 = arith.mulf %get3A_277, %get3A_280 : vector<16xf32>
      %add3A_282 = arith.addf %add3A_274, %mul3A_281 : vector<16xf32>
      %mul3A_283 = arith.constant 16 : i32
      %mul3A_284 = arith.muli %scan3A_251, %mul3A_283 : i32
      %swap3A_285 = arith.index_cast %mul3A_284 : i32 to index
      %swap3A_286 = tpu.vector_load %arg12[%swap3A_285] {strides = array<i32>} : memref<2048xf32, #tpu.memory_space<vmem>>, vector<16xf32>,
      tpu.vector_store %arg12[%swap3A_285], %add3A_282 {strides = array<i32>} : memref<2048xf32, #tpu.memory_space<vmem>>, vector<16xf32>,
      %scan3A_287 = arith.constant 0 : i32
      %scan3A_288 = arith.constant 5 : i32
      %scan3A_289 = arith.addi %scan3A_100, %scan3A_288 : i32
      %get3A_290 = arith.index_cast %scan3A_289 : i32 to index
      %get3A_291 = arith.constant 0 : index
      %get3A_292 = tpu.vector_load %arg8[%get3A_290, %get3A_291] {strides = array<i32>} : memref<128x128xf32, #tpu.memory_space<vmem>>, vector<16xf32>,
      %get3A_293 = arith.index_cast %scan3A_289 : i32 to index
      %get3A_294 = arith.constant 64 : index
      %get3A_295 = tpu.vector_load %arg9[%get3A_293, %get3A_294] {strides = array<i32>} : memref<128x128xf32, #tpu.memory_space<vmem>>, vector<16xf32>,
      %mul3A_296 = arith.mulf %get3A_292, %get3A_295 : vector<16xf32>
      %get3A_297 = arith.index_cast %scan3A_289 : i32 to index
      %get3A_298 = arith.constant 16 : index
      %get3A_299 = tpu.vector_load %arg8[%get3A_297, %get3A_298] {strides = array<i32>} : memref<128x128xf32, #tpu.memory_space<vmem>>, vector<16xf32>,
      %get3A_300 = arith.index_cast %scan3A_289 : i32 to index
      %get3A_301 = arith.constant 80 : index
      %get3A_302 = tpu.vector_load %arg9[%get3A_300, %get3A_301] {strides = array<i32>} : memref<128x128xf32, #tpu.memory_space<vmem>>, vector<16xf32>,
      %mul3A_303 = arith.mulf %get3A_299, %get3A_302 : vector<16xf32>
      %add3A_304 = arith.addf %mul3A_296, %mul3A_303 : vector<16xf32>
      %get3A_305 = arith.index_cast %scan3A_289 : i32 to index
      %get3A_306 = arith.constant 32 : index
      %get3A_307 = tpu.vector_load %arg8[%get3A_305, %get3A_306] {strides = array<i32>} : memref<128x128xf32, #tpu.memory_space<vmem>>, vector<16xf32>,
      %get3A_308 = arith.index_cast %scan3A_289 : i32 to index
      %get3A_309 = arith.constant 96 : index
      %get3A_310 = tpu.vector_load %arg9[%get3A_308, %get3A_309] {strides = array<i32>} : memref<128x128xf32, #tpu.memory_space<vmem>>, vector<16xf32>,
      %mul3A_311 = arith.mulf %get3A_307, %get3A_310 : vector<16xf32>
      %add3A_312 = arith.addf %add3A_304, %mul3A_311 : vector<16xf32>
      %get3A_313 = arith.index_cast %scan3A_289 : i32 to index
      %get3A_314 = arith.constant 48 : index
      %get3A_315 = tpu.vector_load %arg8[%get3A_313, %get3A_314] {strides = array<i32>} : memref<128x128xf32, #tpu.memory_space<vmem>>, vector<16xf32>,
      %get3A_316 = arith.index_cast %scan3A_289 : i32 to index
      %get3A_317 = arith.constant 112 : index
      %get3A_318 = tpu.vector_load %arg9[%get3A_316, %get3A_317] {strides = array<i32>} : memref<128x128xf32, #tpu.memory_space<vmem>>, vector<16xf32>,
      %mul3A_319 = arith.mulf %get3A_315, %get3A_318 : vector<16xf32>
      %add3A_320 = arith.addf %add3A_312, %mul3A_319 : vector<16xf32>
      %mul3A_321 = arith.constant 16 : i32
      %mul3A_322 = arith.muli %scan3A_289, %mul3A_321 : i32
      %swap3A_323 = arith.index_cast %mul3A_322 : i32 to index
      %swap3A_324 = tpu.vector_load %arg12[%swap3A_323] {strides = array<i32>} : memref<2048xf32, #tpu.memory_space<vmem>>, vector<16xf32>,
      tpu.vector_store %arg12[%swap3A_323], %add3A_320 {strides = array<i32>} : memref<2048xf32, #tpu.memory_space<vmem>>, vector<16xf32>,
      %scan3A_325 = arith.constant 0 : i32
      %scan3A_326 = arith.constant 6 : i32
      %scan3A_327 = arith.addi %scan3A_100, %scan3A_326 : i32
      %get3A_328 = arith.index_cast %scan3A_327 : i32 to index
      %get3A_329 = arith.constant 0 : index
      %get3A_330 = tpu.vector_load %arg8[%get3A_328, %get3A_329] {strides = array<i32>} : memref<128x128xf32, #tpu.memory_space<vmem>>, vector<16xf32>,
      %get3A_331 = arith.index_cast %scan3A_327 : i32 to index
      %get3A_332 = arith.constant 64 : index
      %get3A_333 = tpu.vector_load %arg9[%get3A_331, %get3A_332] {strides = array<i32>} : memref<128x128xf32, #tpu.memory_space<vmem>>, vector<16xf32>,
      %mul3A_334 = arith.mulf %get3A_330, %get3A_333 : vector<16xf32>
      %get3A_335 = arith.index_cast %scan3A_327 : i32 to index
      %get3A_336 = arith.constant 16 : index
      %get3A_337 = tpu.vector_load %arg8[%get3A_335, %get3A_336] {strides = array<i32>} : memref<128x128xf32, #tpu.memory_space<vmem>>, vector<16xf32>,
      %get3A_338 = arith.index_cast %scan3A_327 : i32 to index
      %get3A_339 = arith.constant 80 : index
      %get3A_340 = tpu.vector_load %arg9[%get3A_338, %get3A_339] {strides = array<i32>} : memref<128x128xf32, #tpu.memory_space<vmem>>, vector<16xf32>,
      %mul3A_341 = arith.mulf %get3A_337, %get3A_340 : vector<16xf32>
      %add3A_342 = arith.addf %mul3A_334, %mul3A_341 : vector<16xf32>
      %get3A_343 = arith.index_cast %scan3A_327 : i32 to index
      %get3A_344 = arith.constant 32 : index
      %get3A_345 = tpu.vector_load %arg8[%get3A_343, %get3A_344] {strides = array<i32>} : memref<128x128xf32, #tpu.memory_space<vmem>>, vector<16xf32>,
      %get3A_346 = arith.index_cast %scan3A_327 : i32 to index
      %get3A_347 = arith.constant 96 : index
      %get3A_348 = tpu.vector_load %arg9[%get3A_346, %get3A_347] {strides = array<i32>} : memref<128x128xf32, #tpu.memory_space<vmem>>, vector<16xf32>,
      %mul3A_349 = arith.mulf %get3A_345, %get3A_348 : vector<16xf32>
      %add3A_350 = arith.addf %add3A_342, %mul3A_349 : vector<16xf32>
      %get3A_351 = arith.index_cast %scan3A_327 : i32 to index
      %get3A_352 = arith.constant 48 : index
      %get3A_353 = tpu.vector_load %arg8[%get3A_351, %get3A_352] {strides = array<i32>} : memref<128x128xf32, #tpu.memory_space<vmem>>, vector<16xf32>,
      %get3A_354 = arith.index_cast %scan3A_327 : i32 to index
      %get3A_355 = arith.constant 112 : index
      %get3A_356 = tpu.vector_load %arg9[%get3A_354, %get3A_355] {strides = array<i32>} : memref<128x128xf32, #tpu.memory_space<vmem>>, vector<16xf32>,
      %mul3A_357 = arith.mulf %get3A_353, %get3A_356 : vector<16xf32>
      %add3A_358 = arith.addf %add3A_350, %mul3A_357 : vector<16xf32>
      %mul3A_359 = arith.constant 16 : i32
      %mul3A_360 = arith.muli %scan3A_327, %mul3A_359 : i32
      %swap3A_361 = arith.index_cast %mul3A_360 : i32 to index
      %swap3A_362 = tpu.vector_load %arg12[%swap3A_361] {strides = array<i32>} : memref<2048xf32, #tpu.memory_space<vmem>>, vector<16xf32>,
      tpu.vector_store %arg12[%swap3A_361], %add3A_358 {strides = array<i32>} : memref<2048xf32, #tpu.memory_space<vmem>>, vector<16xf32>,
      %scan3A_363 = arith.constant 0 : i32
      %scan3A_364 = arith.constant 7 : i32
      %scan3A_365 = arith.addi %scan3A_100, %scan3A_364 : i32
      %get3A_366 = arith.index_cast %scan3A_365 : i32 to index
      %get3A_367 = arith.constant 0 : index
      %get3A_368 = tpu.vector_load %arg8[%get3A_366, %get3A_367] {strides = array<i32>} : memref<128x128xf32, #tpu.memory_space<vmem>>, vector<16xf32>,
      %get3A_369 = arith.index_cast %scan3A_365 : i32 to index
      %get3A_370 = arith.constant 64 : index
      %get3A_371 = tpu.vector_load %arg9[%get3A_369, %get3A_370] {strides = array<i32>} : memref<128x128xf32, #tpu.memory_space<vmem>>, vector<16xf32>,
      %mul3A_372 = arith.mulf %get3A_368, %get3A_371 : vector<16xf32>
      %get3A_373 = arith.index_cast %scan3A_365 : i32 to index
      %get3A_374 = arith.constant 16 : index
      %get3A_375 = tpu.vector_load %arg8[%get3A_373, %get3A_374] {strides = array<i32>} : memref<128x128xf32, #tpu.memory_space<vmem>>, vector<16xf32>,
      %get3A_376 = arith.index_cast %scan3A_365 : i32 to index
      %get3A_377 = arith.constant 80 : index
      %get3A_378 = tpu.vector_load %arg9[%get3A_376, %get3A_377] {strides = array<i32>} : memref<128x128xf32, #tpu.memory_space<vmem>>, vector<16xf32>,
      %mul3A_379 = arith.mulf %get3A_375, %get3A_378 : vector<16xf32>
      %add3A_380 = arith.addf %mul3A_372, %mul3A_379 : vector<16xf32>
      %get3A_381 = arith.index_cast %scan3A_365 : i32 to index
      %get3A_382 = arith.constant 32 : index
      %get3A_383 = tpu.vector_load %arg8[%get3A_381, %get3A_382] {strides = array<i32>} : memref<128x128xf32, #tpu.memory_space<vmem>>, vector<16xf32>,
      %get3A_384 = arith.index_cast %scan3A_365 : i32 to index
      %get3A_385 = arith.constant 96 : index
      %get3A_386 = tpu.vector_load %arg9[%get3A_384, %get3A_385] {strides = array<i32>} : memref<128x128xf32, #tpu.memory_space<vmem>>, vector<16xf32>,
      %mul3A_387 = arith.mulf %get3A_383, %get3A_386 : vector<16xf32>
      %add3A_388 = arith.addf %add3A_380, %mul3A_387 : vector<16xf32>
      %get3A_389 = arith.index_cast %scan3A_365 : i32 to index
      %get3A_390 = arith.constant 48 : index
      %get3A_391 = tpu.vector_load %arg8[%get3A_389, %get3A_390] {strides = array<i32>} : memref<128x128xf32, #tpu.memory_space<vmem>>, vector<16xf32>,
      %get3A_392 = arith.index_cast %scan3A_365 : i32 to index
      %get3A_393 = arith.constant 112 : index
      %get3A_394 = tpu.vector_load %arg9[%get3A_392, %get3A_393] {strides = array<i32>} : memref<128x128xf32, #tpu.memory_space<vmem>>, vector<16xf32>,
      %mul3A_395 = arith.mulf %get3A_391, %get3A_394 : vector<16xf32>
      %add3A_396 = arith.addf %add3A_388, %mul3A_395 : vector<16xf32>
      %mul3A_397 = arith.constant 16 : i32
      %mul3A_398 = arith.muli %scan3A_365, %mul3A_397 : i32
      %swap3A_399 = arith.index_cast %mul3A_398 : i32 to index
      %swap3A_400 = tpu.vector_load %arg12[%swap3A_399] {strides = array<i32>} : memref<2048xf32, #tpu.memory_space<vmem>>, vector<16xf32>,
      tpu.vector_store %arg12[%swap3A_399], %add3A_396 {strides = array<i32>} : memref<2048xf32, #tpu.memory_space<vmem>>, vector<16xf32>,
      %scan3A_401 = arith.constant 0 : i32
      scf.yield %scan3A_401 : i32
    }
    %scan3A_65 = arith.constant 128 : i32
    %iota3A = tpu.iota {dimensions = array<i32: 0>} : vector<16xi32>
    %scan3A_66 = arith.constant 0 : i32
    %scan3A_67 = arith.constant 0 : i32
    %scan3A_68 = arith.constant 8 : i32
    %scan3A_69 = arith.addi %scan3A_67, %scan3A_68 : i32
    %scan3A_70 = arith.constant 1 : i32
    %scan3A_71 = scf.for %scan3A_100 = %scan3A_67 to %scan3A_69 step %scan3A_70 iter_args(%scan3A_101 = %scan3A_66) -> (i32)  : i32 {
      %mul3A_102 = arith.constant 16 : i32
      %mul3A_103 = arith.muli %scan3A_100, %mul3A_102 : i32
      %add3A_104 = vector.broadcast %mul3A_103 : i32 to vector<16xi32>
      %add3A_105 = arith.addi %add3A_104, %iota3A : vector<16xi32>
      %mul3A_106 = arith.constant 16 : i32
      %mul3A_107 = vector.broadcast %mul3A_106 : i32 to vector<16xi32>
      %mul3A_108 = arith.muli %add3A_105, %mul3A_107 : vector<16xi32>
      %add3A_109 = arith.constant 0 : i32
      %add3A_110 = vector.broadcast %add3A_109 : i32 to vector<16xi32>
      %add3A_111 = arith.addi %mul3A_108, %add3A_110 : vector<16xi32>
      %gather3A = tpu.vector_load_idx %arg12[%add3A_111] : memref<2048xf32, #tpu.memory_space<vmem>>[vector<16xi32>], vector<16xf32>,
      %add3A_112 = arith.constant 1 : i32
      %add3A_113 = vector.broadcast %add3A_112 : i32 to vector<16xi32>
      %add3A_114 = arith.addi %mul3A_108, %add3A_113 : vector<16xi32>
      %gather3A_115 = tpu.vector_load_idx %arg12[%add3A_114] : memref<2048xf32, #tpu.memory_space<vmem>>[vector<16xi32>], vector<16xf32>,
      %add3A_116 = arith.addf %gather3A, %gather3A_115 : vector<16xf32>
      %add3A_117 = arith.constant 2 : i32
      %add3A_118 = vector.broadcast %add3A_117 : i32 to vector<16xi32>
      %add3A_119 = arith.addi %mul3A_108, %add3A_118 : vector<16xi32>
      %gather3A_120 = tpu.vector_load_idx %arg12[%add3A_119] : memref<2048xf32, #tpu.memory_space<vmem>>[vector<16xi32>], vector<16xf32>,
      %add3A_121 = arith.addf %add3A_116, %gather3A_120 : vector<16xf32>
      %add3A_122 = arith.constant 3 : i32
      %add3A_123 = vector.broadcast %add3A_122 : i32 to vector<16xi32>
      %add3A_124 = arith.addi %mul3A_108, %add3A_123 : vector<16xi32>
      %gather3A_125 = tpu.vector_load_idx %arg12[%add3A_124] : memref<2048xf32, #tpu.memory_space<vmem>>[vector<16xi32>], vector<16xf32>,
      %add3A_126 = arith.addf %add3A_121, %gather3A_125 : vector<16xf32>
      %add3A_127 = arith.constant 4 : i32
      %add3A_128 = vector.broadcast %add3A_127 : i32 to vector<16xi32>
      %add3A_129 = arith.addi %mul3A_108, %add3A_128 : vector<16xi32>
      %gather3A_130 = tpu.vector_load_idx %arg12[%add3A_129] : memref<2048xf32, #tpu.memory_space<vmem>>[vector<16xi32>], vector<16xf32>,
      %add3A_131 = arith.addf %add3A_126, %gather3A_130 : vector<16xf32>
      %add3A_132 = arith.constant 5 : i32
      %add3A_133 = vector.broadcast %add3A_132 : i32 to vector<16xi32>
      %add3A_134 = arith.addi %mul3A_108, %add3A_133 : vector<16xi32>
      %gather3A_135 = tpu.vector_load_idx %arg12[%add3A_134] : memref<2048xf32, #tpu.memory_space<vmem>>[vector<16xi32>], vector<16xf32>,
      %add3A_136 = arith.addf %add3A_131, %gather3A_135 : vector<16xf32>
      %add3A_137 = arith.constant 6 : i32
      %add3A_138 = vector.broadcast %add3A_137 : i32 to vector<16xi32>
      %add3A_139 = arith.addi %mul3A_108, %add3A_138 : vector<16xi32>
      %gather3A_140 = tpu.vector_load_idx %arg12[%add3A_139] : memref<2048xf32, #tpu.memory_space<vmem>>[vector<16xi32>], vector<16xf32>,
      %add3A_141 = arith.addf %add3A_136, %gather3A_140 : vector<16xf32>
      %add3A_142 = arith.constant 7 : i32
      %add3A_143 = vector.broadcast %add3A_142 : i32 to vector<16xi32>
      %add3A_144 = arith.addi %mul3A_108, %add3A_143 : vector<16xi32>
      %gather3A_145 = tpu.vector_load_idx %arg12[%add3A_144] : memref<2048xf32, #tpu.memory_space<vmem>>[vector<16xi32>], vector<16xf32>,
      %add3A_146 = arith.addf %add3A_141, %gather3A_145 : vector<16xf32>
      %add3A_147 = arith.constant 8 : i32
      %add3A_148 = vector.broadcast %add3A_147 : i32 to vector<16xi32>
      %add3A_149 = arith.addi %mul3A_108, %add3A_148 : vector<16xi32>
      %gather3A_150 = tpu.vector_load_idx %arg12[%add3A_149] : memref<2048xf32, #tpu.memory_space<vmem>>[vector<16xi32>], vector<16xf32>,
      %add3A_151 = arith.addf %add3A_146, %gather3A_150 : vector<16xf32>
      %add3A_152 = arith.constant 9 : i32
      %add3A_153 = vector.broadcast %add3A_152 : i32 to vector<16xi32>
      %add3A_154 = arith.addi %mul3A_108, %add3A_153 : vector<16xi32>
      %gather3A_155 = tpu.vector_load_idx %arg12[%add3A_154] : memref<2048xf32, #tpu.memory_space<vmem>>[vector<16xi32>], vector<16xf32>,
      %add3A_156 = arith.addf %add3A_151, %gather3A_155 : vector<16xf32>
      %add3A_157 = arith.constant 10 : i32
      %add3A_158 = vector.broadcast %add3A_157 : i32 to vector<16xi32>
      %add3A_159 = arith.addi %mul3A_108, %add3A_158 : vector<16xi32>
      %gather3A_160 = tpu.vector_load_idx %arg12[%add3A_159] : memref<2048xf32, #tpu.memory_space<vmem>>[vector<16xi32>], vector<16xf32>,
      %add3A_161 = arith.addf %add3A_156, %gather3A_160 : vector<16xf32>
      %add3A_162 = arith.constant 11 : i32
      %add3A_163 = vector.broadcast %add3A_162 : i32 to vector<16xi32>
      %add3A_164 = arith.addi %mul3A_108, %add3A_163 : vector<16xi32>
      %gather3A_165 = tpu.vector_load_idx %arg12[%add3A_164] : memref<2048xf32, #tpu.memory_space<vmem>>[vector<16xi32>], vector<16xf32>,
      %add3A_166 = arith.addf %add3A_161, %gather3A_165 : vector<16xf32>
      %add3A_167 = arith.constant 12 : i32
      %add3A_168 = vector.broadcast %add3A_167 : i32 to vector<16xi32>
      %add3A_169 = arith.addi %mul3A_108, %add3A_168 : vector<16xi32>
      %gather3A_170 = tpu.vector_load_idx %arg12[%add3A_169] : memref<2048xf32, #tpu.memory_space<vmem>>[vector<16xi32>], vector<16xf32>,
      %add3A_171 = arith.addf %add3A_166, %gather3A_170 : vector<16xf32>
      %add3A_172 = arith.constant 13 : i32
      %add3A_173 = vector.broadcast %add3A_172 : i32 to vector<16xi32>
      %add3A_174 = arith.addi %mul3A_108, %add3A_173 : vector<16xi32>
      %gather3A_175 = tpu.vector_load_idx %arg12[%add3A_174] : memref<2048xf32, #tpu.memory_space<vmem>>[vector<16xi32>], vector<16xf32>,
      %add3A_176 = arith.addf %add3A_171, %gather3A_175 : vector<16xf32>
      %add3A_177 = arith.constant 14 : i32
      %add3A_178 = vector.broadcast %add3A_177 : i32 to vector<16xi32>
      %add3A_179 = arith.addi %mul3A_108, %add3A_178 : vector<16xi32>
      %gather3A_180 = tpu.vector_load_idx %arg12[%add3A_179] : memref<2048xf32, #tpu.memory_space<vmem>>[vector<16xi32>], vector<16xf32>,
      %add3A_181 = arith.addf %add3A_176, %gather3A_180 : vector<16xf32>
      %add3A_182 = arith.constant 15 : i32
      %add3A_183 = vector.broadcast %add3A_182 : i32 to vector<16xi32>
      %add3A_184 = arith.addi %mul3A_108, %add3A_183 : vector<16xi32>
      %gather3A_185 = tpu.vector_load_idx %arg12[%add3A_184] : memref<2048xf32, #tpu.memory_space<vmem>>[vector<16xi32>], vector<16xf32>,
      %add3A_186 = arith.addf %add3A_181, %gather3A_185 : vector<16xf32>
      %mul3A_187 = arith.constant 16 : i32
      %mul3A_188 = arith.muli %scan3A_100, %mul3A_187 : i32
      %add3A_189 = arith.constant 10496 : i32
      %add3A_190 = arith.addi %add3A_189, %mul3A_188 : i32
      %swap3A = arith.index_cast %add3A_190 : i32 to index
      %swap3A_191 = tpu.vector_load %arg13[%swap3A] {strides = array<i32>} : memref<10752xf32, #tpu.memory_space<vmem>>, vector<16xf32>,
      tpu.vector_store %arg13[%swap3A], %add3A_186 {strides = array<i32>} : memref<10752xf32, #tpu.memory_space<vmem>>, vector<16xf32>,
      %scan3A_192 = arith.constant 0 : i32
      scf.yield %scan3A_192 : i32
    }
    %scan3A_72 = arith.constant 8 : i32
    %dma_wait3A_73 = arith.constant 0 : i32
    %dma_wait3A_74 = arith.constant 0 : i32
    %dma_wait3A_75 = tpu.memref_slice %arg4[%dma_wait3A_73, %dma_wait3A_74] : memref<1000000x128xf32, #tpu.memory_space<hbm>> -> memref<128x128xf32, #tpu.memory_space<hbm>>
    %dma_wait3A_76 = arith.constant 0 : i32
    %dma_wait3A_77 = arith.constant 0 : i32
    %dma_wait3A_78 = tpu.memref_slice %arg4[%dma_wait3A_76, %dma_wait3A_77] : memref<1000000x128xf32, #tpu.memory_space<hbm>> -> memref<128x128xf32, #tpu.memory_space<hbm>>
    tpu.wait_dma2 semaphore(%arg15 : memref<!tpu.dma_semaphore, #tpu.memory_space<semaphore_mem>>) src(%dma_wait3A_78 : memref<128x128xf32, #tpu.memory_space<hbm>>) dst(%arg10 : memref<128x128xf32, #tpu.memory_space<vmem>>)
    %dma_wait3A_79 = arith.constant 0 : i32
    %dma_wait3A_80 = arith.constant 0 : i32
    %dma_wait3A_81 = tpu.memref_slice %arg4[%dma_wait3A_79, %dma_wait3A_80] : memref<1000000x128xf32, #tpu.memory_space<hbm>> -> memref<128x128xf32, #tpu.memory_space<hbm>>
    %dma_wait3A_82 = arith.constant 0 : i32
    %dma_wait3A_83 = arith.constant 0 : i32
    %dma_wait3A_84 = tpu.memref_slice %arg4[%dma_wait3A_82, %dma_wait3A_83] : memref<1000000x128xf32, #tpu.memory_space<hbm>> -> memref<128x128xf32, #tpu.memory_space<hbm>>
    tpu.wait_dma2 semaphore(%arg15 : memref<!tpu.dma_semaphore, #tpu.memory_space<semaphore_mem>>) src(%dma_wait3A_84 : memref<128x128xf32, #tpu.memory_space<hbm>>) dst(%arg11 : memref<128x128xf32, #tpu.memory_space<vmem>>)
    %scan3A_85 = arith.constant 0 : i32
    %scan3A_86 = arith.constant 0 : i32
    %scan3A_87 = arith.constant 128 : i32
    %scan3A_88 = arith.addi %scan3A_86, %scan3A_87 : i32
    %scan3A_89 = arith.constant 8 : i32
    %scan3A_90 = scf.for %scan3A_100 = %scan3A_86 to %scan3A_88 step %scan3A_89 iter_args(%scan3A_101 = %scan3A_85) -> (i32)  : i32 {
      %get3A = arith.index_cast %scan3A_100 : i32 to index
      %get3A_102 = arith.constant 0 : index
      %get3A_103 = tpu.vector_load %arg10[%get3A, %get3A_102] {strides = array<i32>} : memref<128x128xf32, #tpu.memory_space<vmem>>, vector<16xf32>,
      %get3A_104 = arith.index_cast %scan3A_100 : i32 to index
      %get3A_105 = arith.constant 64 : index
      %get3A_106 = tpu.vector_load %arg11[%get3A_104, %get3A_105] {strides = array<i32>} : memref<128x128xf32, #tpu.memory_space<vmem>>, vector<16xf32>,
      %mul3A_107 = arith.mulf %get3A_103, %get3A_106 : vector<16xf32>
      %get3A_108 = arith.index_cast %scan3A_100 : i32 to index
      %get3A_109 = arith.constant 16 : index
      %get3A_110 = tpu.vector_load %arg10[%get3A_108, %get3A_109] {strides = array<i32>} : memref<128x128xf32, #tpu.memory_space<vmem>>, vector<16xf32>,
      %get3A_111 = arith.index_cast %scan3A_100 : i32 to index
      %get3A_112 = arith.constant 80 : index
      %get3A_113 = tpu.vector_load %arg11[%get3A_111, %get3A_112] {strides = array<i32>} : memref<128x128xf32, #tpu.memory_space<vmem>>, vector<16xf32>,
      %mul3A_114 = arith.mulf %get3A_110, %get3A_113 : vector<16xf32>
      %add3A_115 = arith.addf %mul3A_107, %mul3A_114 : vector<16xf32>
      %get3A_116 = arith.index_cast %scan3A_100 : i32 to index
      %get3A_117 = arith.constant 32 : index
      %get3A_118 = tpu.vector_load %arg10[%get3A_116, %get3A_117] {strides = array<i32>} : memref<128x128xf32, #tpu.memory_space<vmem>>, vector<16xf32>,
      %get3A_119 = arith.index_cast %scan3A_100 : i32 to index
      %get3A_120 = arith.constant 96 : index
      %get3A_121 = tpu.vector_load %arg11[%get3A_119, %get3A_120] {strides = array<i32>} : memref<128x128xf32, #tpu.memory_space<vmem>>, vector<16xf32>,
      %mul3A_122 = arith.mulf %get3A_118, %get3A_121 : vector<16xf32>
      %add3A_123 = arith.addf %add3A_115, %mul3A_122 : vector<16xf32>
      %get3A_124 = arith.index_cast %scan3A_100 : i32 to index
      %get3A_125 = arith.constant 48 : index
      %get3A_126 = tpu.vector_load %arg10[%get3A_124, %get3A_125] {strides = array<i32>} : memref<128x128xf32, #tpu.memory_space<vmem>>, vector<16xf32>,
      %get3A_127 = arith.index_cast %scan3A_100 : i32 to index
      %get3A_128 = arith.constant 112 : index
      %get3A_129 = tpu.vector_load %arg11[%get3A_127, %get3A_128] {strides = array<i32>} : memref<128x128xf32, #tpu.memory_space<vmem>>, vector<16xf32>,
      %mul3A_130 = arith.mulf %get3A_126, %get3A_129 : vector<16xf32>
      %add3A_131 = arith.addf %add3A_123, %mul3A_130 : vector<16xf32>
      %mul3A_132 = arith.constant 16 : i32
      %mul3A_133 = arith.muli %scan3A_100, %mul3A_132 : i32
      %swap3A = arith.index_cast %mul3A_133 : i32 to index
      %swap3A_134 = tpu.vector_load %arg12[%swap3A] {strides = array<i32>} : memref<2048xf32, #tpu.memory_space<vmem>>, vector<16xf32>,
      tpu.vector_store %arg12[%swap3A], %add3A_131 {strides = array<i32>} : memref<2048xf32, #tpu.memory_space<vmem>>, vector<16xf32>,
      %scan3A_135 = arith.constant 0 : i32
      %scan3A_136 = arith.constant 1 : i32
      %scan3A_137 = arith.addi %scan3A_100, %scan3A_136 : i32
      %get3A_138 = arith.index_cast %scan3A_137 : i32 to index
      %get3A_139 = arith.constant 0 : index
      %get3A_140 = tpu.vector_load %arg10[%get3A_138, %get3A_139] {strides = array<i32>} : memref<128x128xf32, #tpu.memory_space<vmem>>, vector<16xf32>,
      %get3A_141 = arith.index_cast %scan3A_137 : i32 to index
      %get3A_142 = arith.constant 64 : index
      %get3A_143 = tpu.vector_load %arg11[%get3A_141, %get3A_142] {strides = array<i32>} : memref<128x128xf32, #tpu.memory_space<vmem>>, vector<16xf32>,
      %mul3A_144 = arith.mulf %get3A_140, %get3A_143 : vector<16xf32>
      %get3A_145 = arith.index_cast %scan3A_137 : i32 to index
      %get3A_146 = arith.constant 16 : index
      %get3A_147 = tpu.vector_load %arg10[%get3A_145, %get3A_146] {strides = array<i32>} : memref<128x128xf32, #tpu.memory_space<vmem>>, vector<16xf32>,
      %get3A_148 = arith.index_cast %scan3A_137 : i32 to index
      %get3A_149 = arith.constant 80 : index
      %get3A_150 = tpu.vector_load %arg11[%get3A_148, %get3A_149] {strides = array<i32>} : memref<128x128xf32, #tpu.memory_space<vmem>>, vector<16xf32>,
      %mul3A_151 = arith.mulf %get3A_147, %get3A_150 : vector<16xf32>
      %add3A_152 = arith.addf %mul3A_144, %mul3A_151 : vector<16xf32>
      %get3A_153 = arith.index_cast %scan3A_137 : i32 to index
      %get3A_154 = arith.constant 32 : index
      %get3A_155 = tpu.vector_load %arg10[%get3A_153, %get3A_154] {strides = array<i32>} : memref<128x128xf32, #tpu.memory_space<vmem>>, vector<16xf32>,
      %get3A_156 = arith.index_cast %scan3A_137 : i32 to index
      %get3A_157 = arith.constant 96 : index
      %get3A_158 = tpu.vector_load %arg11[%get3A_156, %get3A_157] {strides = array<i32>} : memref<128x128xf32, #tpu.memory_space<vmem>>, vector<16xf32>,
      %mul3A_159 = arith.mulf %get3A_155, %get3A_158 : vector<16xf32>
      %add3A_160 = arith.addf %add3A_152, %mul3A_159 : vector<16xf32>
      %get3A_161 = arith.index_cast %scan3A_137 : i32 to index
      %get3A_162 = arith.constant 48 : index
      %get3A_163 = tpu.vector_load %arg10[%get3A_161, %get3A_162] {strides = array<i32>} : memref<128x128xf32, #tpu.memory_space<vmem>>, vector<16xf32>,
      %get3A_164 = arith.index_cast %scan3A_137 : i32 to index
      %get3A_165 = arith.constant 112 : index
      %get3A_166 = tpu.vector_load %arg11[%get3A_164, %get3A_165] {strides = array<i32>} : memref<128x128xf32, #tpu.memory_space<vmem>>, vector<16xf32>,
      %mul3A_167 = arith.mulf %get3A_163, %get3A_166 : vector<16xf32>
      %add3A_168 = arith.addf %add3A_160, %mul3A_167 : vector<16xf32>
      %mul3A_169 = arith.constant 16 : i32
      %mul3A_170 = arith.muli %scan3A_137, %mul3A_169 : i32
      %swap3A_171 = arith.index_cast %mul3A_170 : i32 to index
      %swap3A_172 = tpu.vector_load %arg12[%swap3A_171] {strides = array<i32>} : memref<2048xf32, #tpu.memory_space<vmem>>, vector<16xf32>,
      tpu.vector_store %arg12[%swap3A_171], %add3A_168 {strides = array<i32>} : memref<2048xf32, #tpu.memory_space<vmem>>, vector<16xf32>,
      %scan3A_173 = arith.constant 0 : i32
      %scan3A_174 = arith.constant 2 : i32
      %scan3A_175 = arith.addi %scan3A_100, %scan3A_174 : i32
      %get3A_176 = arith.index_cast %scan3A_175 : i32 to index
      %get3A_177 = arith.constant 0 : index
      %get3A_178 = tpu.vector_load %arg10[%get3A_176, %get3A_177] {strides = array<i32>} : memref<128x128xf32, #tpu.memory_space<vmem>>, vector<16xf32>,
      %get3A_179 = arith.index_cast %scan3A_175 : i32 to index
      %get3A_180 = arith.constant 64 : index
      %get3A_181 = tpu.vector_load %arg11[%get3A_179, %get3A_180] {strides = array<i32>} : memref<128x128xf32, #tpu.memory_space<vmem>>, vector<16xf32>,
      %mul3A_182 = arith.mulf %get3A_178, %get3A_181 : vector<16xf32>
      %get3A_183 = arith.index_cast %scan3A_175 : i32 to index
      %get3A_184 = arith.constant 16 : index
      %get3A_185 = tpu.vector_load %arg10[%get3A_183, %get3A_184] {strides = array<i32>} : memref<128x128xf32, #tpu.memory_space<vmem>>, vector<16xf32>,
      %get3A_186 = arith.index_cast %scan3A_175 : i32 to index
      %get3A_187 = arith.constant 80 : index
      %get3A_188 = tpu.vector_load %arg11[%get3A_186, %get3A_187] {strides = array<i32>} : memref<128x128xf32, #tpu.memory_space<vmem>>, vector<16xf32>,
      %mul3A_189 = arith.mulf %get3A_185, %get3A_188 : vector<16xf32>
      %add3A_190 = arith.addf %mul3A_182, %mul3A_189 : vector<16xf32>
      %get3A_191 = arith.index_cast %scan3A_175 : i32 to index
      %get3A_192 = arith.constant 32 : index
      %get3A_193 = tpu.vector_load %arg10[%get3A_191, %get3A_192] {strides = array<i32>} : memref<128x128xf32, #tpu.memory_space<vmem>>, vector<16xf32>,
      %get3A_194 = arith.index_cast %scan3A_175 : i32 to index
      %get3A_195 = arith.constant 96 : index
      %get3A_196 = tpu.vector_load %arg11[%get3A_194, %get3A_195] {strides = array<i32>} : memref<128x128xf32, #tpu.memory_space<vmem>>, vector<16xf32>,
      %mul3A_197 = arith.mulf %get3A_193, %get3A_196 : vector<16xf32>
      %add3A_198 = arith.addf %add3A_190, %mul3A_197 : vector<16xf32>
      %get3A_199 = arith.index_cast %scan3A_175 : i32 to index
      %get3A_200 = arith.constant 48 : index
      %get3A_201 = tpu.vector_load %arg10[%get3A_199, %get3A_200] {strides = array<i32>} : memref<128x128xf32, #tpu.memory_space<vmem>>, vector<16xf32>,
      %get3A_202 = arith.index_cast %scan3A_175 : i32 to index
      %get3A_203 = arith.constant 112 : index
      %get3A_204 = tpu.vector_load %arg11[%get3A_202, %get3A_203] {strides = array<i32>} : memref<128x128xf32, #tpu.memory_space<vmem>>, vector<16xf32>,
      %mul3A_205 = arith.mulf %get3A_201, %get3A_204 : vector<16xf32>
      %add3A_206 = arith.addf %add3A_198, %mul3A_205 : vector<16xf32>
      %mul3A_207 = arith.constant 16 : i32
      %mul3A_208 = arith.muli %scan3A_175, %mul3A_207 : i32
      %swap3A_209 = arith.index_cast %mul3A_208 : i32 to index
      %swap3A_210 = tpu.vector_load %arg12[%swap3A_209] {strides = array<i32>} : memref<2048xf32, #tpu.memory_space<vmem>>, vector<16xf32>,
      tpu.vector_store %arg12[%swap3A_209], %add3A_206 {strides = array<i32>} : memref<2048xf32, #tpu.memory_space<vmem>>, vector<16xf32>,
      %scan3A_211 = arith.constant 0 : i32
      %scan3A_212 = arith.constant 3 : i32
      %scan3A_213 = arith.addi %scan3A_100, %scan3A_212 : i32
      %get3A_214 = arith.index_cast %scan3A_213 : i32 to index
      %get3A_215 = arith.constant 0 : index
      %get3A_216 = tpu.vector_load %arg10[%get3A_214, %get3A_215] {strides = array<i32>} : memref<128x128xf32, #tpu.memory_space<vmem>>, vector<16xf32>,
      %get3A_217 = arith.index_cast %scan3A_213 : i32 to index
      %get3A_218 = arith.constant 64 : index
      %get3A_219 = tpu.vector_load %arg11[%get3A_217, %get3A_218] {strides = array<i32>} : memref<128x128xf32, #tpu.memory_space<vmem>>, vector<16xf32>,
      %mul3A_220 = arith.mulf %get3A_216, %get3A_219 : vector<16xf32>
      %get3A_221 = arith.index_cast %scan3A_213 : i32 to index
      %get3A_222 = arith.constant 16 : index
      %get3A_223 = tpu.vector_load %arg10[%get3A_221, %get3A_222] {strides = array<i32>} : memref<128x128xf32, #tpu.memory_space<vmem>>, vector<16xf32>,
      %get3A_224 = arith.index_cast %scan3A_213 : i32 to index
      %get3A_225 = arith.constant 80 : index
      %get3A_226 = tpu.vector_load %arg11[%get3A_224, %get3A_225] {strides = array<i32>} : memref<128x128xf32, #tpu.memory_space<vmem>>, vector<16xf32>,
      %mul3A_227 = arith.mulf %get3A_223, %get3A_226 : vector<16xf32>
      %add3A_228 = arith.addf %mul3A_220, %mul3A_227 : vector<16xf32>
      %get3A_229 = arith.index_cast %scan3A_213 : i32 to index
      %get3A_230 = arith.constant 32 : index
      %get3A_231 = tpu.vector_load %arg10[%get3A_229, %get3A_230] {strides = array<i32>} : memref<128x128xf32, #tpu.memory_space<vmem>>, vector<16xf32>,
      %get3A_232 = arith.index_cast %scan3A_213 : i32 to index
      %get3A_233 = arith.constant 96 : index
      %get3A_234 = tpu.vector_load %arg11[%get3A_232, %get3A_233] {strides = array<i32>} : memref<128x128xf32, #tpu.memory_space<vmem>>, vector<16xf32>,
      %mul3A_235 = arith.mulf %get3A_231, %get3A_234 : vector<16xf32>
      %add3A_236 = arith.addf %add3A_228, %mul3A_235 : vector<16xf32>
      %get3A_237 = arith.index_cast %scan3A_213 : i32 to index
      %get3A_238 = arith.constant 48 : index
      %get3A_239 = tpu.vector_load %arg10[%get3A_237, %get3A_238] {strides = array<i32>} : memref<128x128xf32, #tpu.memory_space<vmem>>, vector<16xf32>,
      %get3A_240 = arith.index_cast %scan3A_213 : i32 to index
      %get3A_241 = arith.constant 112 : index
      %get3A_242 = tpu.vector_load %arg11[%get3A_240, %get3A_241] {strides = array<i32>} : memref<128x128xf32, #tpu.memory_space<vmem>>, vector<16xf32>,
      %mul3A_243 = arith.mulf %get3A_239, %get3A_242 : vector<16xf32>
      %add3A_244 = arith.addf %add3A_236, %mul3A_243 : vector<16xf32>
      %mul3A_245 = arith.constant 16 : i32
      %mul3A_246 = arith.muli %scan3A_213, %mul3A_245 : i32
      %swap3A_247 = arith.index_cast %mul3A_246 : i32 to index
      %swap3A_248 = tpu.vector_load %arg12[%swap3A_247] {strides = array<i32>} : memref<2048xf32, #tpu.memory_space<vmem>>, vector<16xf32>,
      tpu.vector_store %arg12[%swap3A_247], %add3A_244 {strides = array<i32>} : memref<2048xf32, #tpu.memory_space<vmem>>, vector<16xf32>,
      %scan3A_249 = arith.constant 0 : i32
      %scan3A_250 = arith.constant 4 : i32
      %scan3A_251 = arith.addi %scan3A_100, %scan3A_250 : i32
      %get3A_252 = arith.index_cast %scan3A_251 : i32 to index
      %get3A_253 = arith.constant 0 : index
      %get3A_254 = tpu.vector_load %arg10[%get3A_252, %get3A_253] {strides = array<i32>} : memref<128x128xf32, #tpu.memory_space<vmem>>, vector<16xf32>,
      %get3A_255 = arith.index_cast %scan3A_251 : i32 to index
      %get3A_256 = arith.constant 64 : index
      %get3A_257 = tpu.vector_load %arg11[%get3A_255, %get3A_256] {strides = array<i32>} : memref<128x128xf32, #tpu.memory_space<vmem>>, vector<16xf32>,
      %mul3A_258 = arith.mulf %get3A_254, %get3A_257 : vector<16xf32>
      %get3A_259 = arith.index_cast %scan3A_251 : i32 to index
      %get3A_260 = arith.constant 16 : index
      %get3A_261 = tpu.vector_load %arg10[%get3A_259, %get3A_260] {strides = array<i32>} : memref<128x128xf32, #tpu.memory_space<vmem>>, vector<16xf32>,
      %get3A_262 = arith.index_cast %scan3A_251 : i32 to index
      %get3A_263 = arith.constant 80 : index
      %get3A_264 = tpu.vector_load %arg11[%get3A_262, %get3A_263] {strides = array<i32>} : memref<128x128xf32, #tpu.memory_space<vmem>>, vector<16xf32>,
      %mul3A_265 = arith.mulf %get3A_261, %get3A_264 : vector<16xf32>
      %add3A_266 = arith.addf %mul3A_258, %mul3A_265 : vector<16xf32>
      %get3A_267 = arith.index_cast %scan3A_251 : i32 to index
      %get3A_268 = arith.constant 32 : index
      %get3A_269 = tpu.vector_load %arg10[%get3A_267, %get3A_268] {strides = array<i32>} : memref<128x128xf32, #tpu.memory_space<vmem>>, vector<16xf32>,
      %get3A_270 = arith.index_cast %scan3A_251 : i32 to index
      %get3A_271 = arith.constant 96 : index
      %get3A_272 = tpu.vector_load %arg11[%get3A_270, %get3A_271] {strides = array<i32>} : memref<128x128xf32, #tpu.memory_space<vmem>>, vector<16xf32>,
      %mul3A_273 = arith.mulf %get3A_269, %get3A_272 : vector<16xf32>
      %add3A_274 = arith.addf %add3A_266, %mul3A_273 : vector<16xf32>
      %get3A_275 = arith.index_cast %scan3A_251 : i32 to index
      %get3A_276 = arith.constant 48 : index
      %get3A_277 = tpu.vector_load %arg10[%get3A_275, %get3A_276] {strides = array<i32>} : memref<128x128xf32, #tpu.memory_space<vmem>>, vector<16xf32>,
      %get3A_278 = arith.index_cast %scan3A_251 : i32 to index
      %get3A_279 = arith.constant 112 : index
      %get3A_280 = tpu.vector_load %arg11[%get3A_278, %get3A_279] {strides = array<i32>} : memref<128x128xf32, #tpu.memory_space<vmem>>, vector<16xf32>,
      %mul3A_281 = arith.mulf %get3A_277, %get3A_280 : vector<16xf32>
      %add3A_282 = arith.addf %add3A_274, %mul3A_281 : vector<16xf32>
      %mul3A_283 = arith.constant 16 : i32
      %mul3A_284 = arith.muli %scan3A_251, %mul3A_283 : i32
      %swap3A_285 = arith.index_cast %mul3A_284 : i32 to index
      %swap3A_286 = tpu.vector_load %arg12[%swap3A_285] {strides = array<i32>} : memref<2048xf32, #tpu.memory_space<vmem>>, vector<16xf32>,
      tpu.vector_store %arg12[%swap3A_285], %add3A_282 {strides = array<i32>} : memref<2048xf32, #tpu.memory_space<vmem>>, vector<16xf32>,
      %scan3A_287 = arith.constant 0 : i32
      %scan3A_288 = arith.constant 5 : i32
      %scan3A_289 = arith.addi %scan3A_100, %scan3A_288 : i32
      %get3A_290 = arith.index_cast %scan3A_289 : i32 to index
      %get3A_291 = arith.constant 0 : index
      %get3A_292 = tpu.vector_load %arg10[%get3A_290, %get3A_291] {strides = array<i32>} : memref<128x128xf32, #tpu.memory_space<vmem>>, vector<16xf32>,
      %get3A_293 = arith.index_cast %scan3A_289 : i32 to index
      %get3A_294 = arith.constant 64 : index
      %get3A_295 = tpu.vector_load %arg11[%get3A_293, %get3A_294] {strides = array<i32>} : memref<128x128xf32, #tpu.memory_space<vmem>>, vector<16xf32>,
      %mul3A_296 = arith.mulf %get3A_292, %get3A_295 : vector<16xf32>
      %get3A_297 = arith.index_cast %scan3A_289 : i32 to index
      %get3A_298 = arith.constant 16 : index
      %get3A_299 = tpu.vector_load %arg10[%get3A_297, %get3A_298] {strides = array<i32>} : memref<128x128xf32, #tpu.memory_space<vmem>>, vector<16xf32>,
      %get3A_300 = arith.index_cast %scan3A_289 : i32 to index
      %get3A_301 = arith.constant 80 : index
      %get3A_302 = tpu.vector_load %arg11[%get3A_300, %get3A_301] {strides = array<i32>} : memref<128x128xf32, #tpu.memory_space<vmem>>, vector<16xf32>,
      %mul3A_303 = arith.mulf %get3A_299, %get3A_302 : vector<16xf32>
      %add3A_304 = arith.addf %mul3A_296, %mul3A_303 : vector<16xf32>
      %get3A_305 = arith.index_cast %scan3A_289 : i32 to index
      %get3A_306 = arith.constant 32 : index
      %get3A_307 = tpu.vector_load %arg10[%get3A_305, %get3A_306] {strides = array<i32>} : memref<128x128xf32, #tpu.memory_space<vmem>>, vector<16xf32>,
      %get3A_308 = arith.index_cast %scan3A_289 : i32 to index
      %get3A_309 = arith.constant 96 : index
      %get3A_310 = tpu.vector_load %arg11[%get3A_308, %get3A_309] {strides = array<i32>} : memref<128x128xf32, #tpu.memory_space<vmem>>, vector<16xf32>,
      %mul3A_311 = arith.mulf %get3A_307, %get3A_310 : vector<16xf32>
      %add3A_312 = arith.addf %add3A_304, %mul3A_311 : vector<16xf32>
      %get3A_313 = arith.index_cast %scan3A_289 : i32 to index
      %get3A_314 = arith.constant 48 : index
      %get3A_315 = tpu.vector_load %arg10[%get3A_313, %get3A_314] {strides = array<i32>} : memref<128x128xf32, #tpu.memory_space<vmem>>, vector<16xf32>,
      %get3A_316 = arith.index_cast %scan3A_289 : i32 to index
      %get3A_317 = arith.constant 112 : index
      %get3A_318 = tpu.vector_load %arg11[%get3A_316, %get3A_317] {strides = array<i32>} : memref<128x128xf32, #tpu.memory_space<vmem>>, vector<16xf32>,
      %mul3A_319 = arith.mulf %get3A_315, %get3A_318 : vector<16xf32>
      %add3A_320 = arith.addf %add3A_312, %mul3A_319 : vector<16xf32>
      %mul3A_321 = arith.constant 16 : i32
      %mul3A_322 = arith.muli %scan3A_289, %mul3A_321 : i32
      %swap3A_323 = arith.index_cast %mul3A_322 : i32 to index
      %swap3A_324 = tpu.vector_load %arg12[%swap3A_323] {strides = array<i32>} : memref<2048xf32, #tpu.memory_space<vmem>>, vector<16xf32>,
      tpu.vector_store %arg12[%swap3A_323], %add3A_320 {strides = array<i32>} : memref<2048xf32, #tpu.memory_space<vmem>>, vector<16xf32>,
      %scan3A_325 = arith.constant 0 : i32
      %scan3A_326 = arith.constant 6 : i32
      %scan3A_327 = arith.addi %scan3A_100, %scan3A_326 : i32
      %get3A_328 = arith.index_cast %scan3A_327 : i32 to index
      %get3A_329 = arith.constant 0 : index
      %get3A_330 = tpu.vector_load %arg10[%get3A_328, %get3A_329] {strides = array<i32>} : memref<128x128xf32, #tpu.memory_space<vmem>>, vector<16xf32>,
      %get3A_331 = arith.index_cast %scan3A_327 : i32 to index
      %get3A_332 = arith.constant 64 : index
      %get3A_333 = tpu.vector_load %arg11[%get3A_331, %get3A_332] {strides = array<i32>} : memref<128x128xf32, #tpu.memory_space<vmem>>, vector<16xf32>,
      %mul3A_334 = arith.mulf %get3A_330, %get3A_333 : vector<16xf32>
      %get3A_335 = arith.index_cast %scan3A_327 : i32 to index
      %get3A_336 = arith.constant 16 : index
      %get3A_337 = tpu.vector_load %arg10[%get3A_335, %get3A_336] {strides = array<i32>} : memref<128x128xf32, #tpu.memory_space<vmem>>, vector<16xf32>,
      %get3A_338 = arith.index_cast %scan3A_327 : i32 to index
      %get3A_339 = arith.constant 80 : index
      %get3A_340 = tpu.vector_load %arg11[%get3A_338, %get3A_339] {strides = array<i32>} : memref<128x128xf32, #tpu.memory_space<vmem>>, vector<16xf32>,
      %mul3A_341 = arith.mulf %get3A_337, %get3A_340 : vector<16xf32>
      %add3A_342 = arith.addf %mul3A_334, %mul3A_341 : vector<16xf32>
      %get3A_343 = arith.index_cast %scan3A_327 : i32 to index
      %get3A_344 = arith.constant 32 : index
      %get3A_345 = tpu.vector_load %arg10[%get3A_343, %get3A_344] {strides = array<i32>} : memref<128x128xf32, #tpu.memory_space<vmem>>, vector<16xf32>,
      %get3A_346 = arith.index_cast %scan3A_327 : i32 to index
      %get3A_347 = arith.constant 96 : index
      %get3A_348 = tpu.vector_load %arg11[%get3A_346, %get3A_347] {strides = array<i32>} : memref<128x128xf32, #tpu.memory_space<vmem>>, vector<16xf32>,
      %mul3A_349 = arith.mulf %get3A_345, %get3A_348 : vector<16xf32>
      %add3A_350 = arith.addf %add3A_342, %mul3A_349 : vector<16xf32>
      %get3A_351 = arith.index_cast %scan3A_327 : i32 to index
      %get3A_352 = arith.constant 48 : index
      %get3A_353 = tpu.vector_load %arg10[%get3A_351, %get3A_352] {strides = array<i32>} : memref<128x128xf32, #tpu.memory_space<vmem>>, vector<16xf32>,
      %get3A_354 = arith.index_cast %scan3A_327 : i32 to index
      %get3A_355 = arith.constant 112 : index
      %get3A_356 = tpu.vector_load %arg11[%get3A_354, %get3A_355] {strides = array<i32>} : memref<128x128xf32, #tpu.memory_space<vmem>>, vector<16xf32>,
      %mul3A_357 = arith.mulf %get3A_353, %get3A_356 : vector<16xf32>
      %add3A_358 = arith.addf %add3A_350, %mul3A_357 : vector<16xf32>
      %mul3A_359 = arith.constant 16 : i32
      %mul3A_360 = arith.muli %scan3A_327, %mul3A_359 : i32
      %swap3A_361 = arith.index_cast %mul3A_360 : i32 to index
      %swap3A_362 = tpu.vector_load %arg12[%swap3A_361] {strides = array<i32>} : memref<2048xf32, #tpu.memory_space<vmem>>, vector<16xf32>,
      tpu.vector_store %arg12[%swap3A_361], %add3A_358 {strides = array<i32>} : memref<2048xf32, #tpu.memory_space<vmem>>, vector<16xf32>,
      %scan3A_363 = arith.constant 0 : i32
      %scan3A_364 = arith.constant 7 : i32
      %scan3A_365 = arith.addi %scan3A_100, %scan3A_364 : i32
      %get3A_366 = arith.index_cast %scan3A_365 : i32 to index
      %get3A_367 = arith.constant 0 : index
      %get3A_368 = tpu.vector_load %arg10[%get3A_366, %get3A_367] {strides = array<i32>} : memref<128x128xf32, #tpu.memory_space<vmem>>, vector<16xf32>,
      %get3A_369 = arith.index_cast %scan3A_365 : i32 to index
      %get3A_370 = arith.constant 64 : index
      %get3A_371 = tpu.vector_load %arg11[%get3A_369, %get3A_370] {strides = array<i32>} : memref<128x128xf32, #tpu.memory_space<vmem>>, vector<16xf32>,
      %mul3A_372 = arith.mulf %get3A_368, %get3A_371 : vector<16xf32>
      %get3A_373 = arith.index_cast %scan3A_365 : i32 to index
      %get3A_374 = arith.constant 16 : index
      %get3A_375 = tpu.vector_load %arg10[%get3A_373, %get3A_374] {strides = array<i32>} : memref<128x128xf32, #tpu.memory_space<vmem>>, vector<16xf32>,
      %get3A_376 = arith.index_cast %scan3A_365 : i32 to index
      %get3A_377 = arith.constant 80 : index
      %get3A_378 = tpu.vector_load %arg11[%get3A_376, %get3A_377] {strides = array<i32>} : memref<128x128xf32, #tpu.memory_space<vmem>>, vector<16xf32>,
      %mul3A_379 = arith.mulf %get3A_375, %get3A_378 : vector<16xf32>
      %add3A_380 = arith.addf %mul3A_372, %mul3A_379 : vector<16xf32>
      %get3A_381 = arith.index_cast %scan3A_365 : i32 to index
      %get3A_382 = arith.constant 32 : index
      %get3A_383 = tpu.vector_load %arg10[%get3A_381, %get3A_382] {strides = array<i32>} : memref<128x128xf32, #tpu.memory_space<vmem>>, vector<16xf32>,
      %get3A_384 = arith.index_cast %scan3A_365 : i32 to index
      %get3A_385 = arith.constant 96 : index
      %get3A_386 = tpu.vector_load %arg11[%get3A_384, %get3A_385] {strides = array<i32>} : memref<128x128xf32, #tpu.memory_space<vmem>>, vector<16xf32>,
      %mul3A_387 = arith.mulf %get3A_383, %get3A_386 : vector<16xf32>
      %add3A_388 = arith.addf %add3A_380, %mul3A_387 : vector<16xf32>
      %get3A_389 = arith.index_cast %scan3A_365 : i32 to index
      %get3A_390 = arith.constant 48 : index
      %get3A_391 = tpu.vector_load %arg10[%get3A_389, %get3A_390] {strides = array<i32>} : memref<128x128xf32, #tpu.memory_space<vmem>>, vector<16xf32>,
      %get3A_392 = arith.index_cast %scan3A_365 : i32 to index
      %get3A_393 = arith.constant 112 : index
      %get3A_394 = tpu.vector_load %arg11[%get3A_392, %get3A_393] {strides = array<i32>} : memref<128x128xf32, #tpu.memory_space<vmem>>, vector<16xf32>,
      %mul3A_395 = arith.mulf %get3A_391, %get3A_394 : vector<16xf32>
      %add3A_396 = arith.addf %add3A_388, %mul3A_395 : vector<16xf32>
      %mul3A_397 = arith.constant 16 : i32
      %mul3A_398 = arith.muli %scan3A_365, %mul3A_397 : i32
      %swap3A_399 = arith.index_cast %mul3A_398 : i32 to index
      %swap3A_400 = tpu.vector_load %arg12[%swap3A_399] {strides = array<i32>} : memref<2048xf32, #tpu.memory_space<vmem>>, vector<16xf32>,
      tpu.vector_store %arg12[%swap3A_399], %add3A_396 {strides = array<i32>} : memref<2048xf32, #tpu.memory_space<vmem>>, vector<16xf32>,
      %scan3A_401 = arith.constant 0 : i32
      scf.yield %scan3A_401 : i32
    }
    %scan3A_91 = arith.constant 128 : i32
    %iota3A_92 = tpu.iota {dimensions = array<i32: 0>} : vector<16xi32>
    %scan3A_93 = arith.constant 0 : i32
    %scan3A_94 = arith.constant 0 : i32
    %scan3A_95 = arith.constant 8 : i32
    %scan3A_96 = arith.addi %scan3A_94, %scan3A_95 : i32
    %scan3A_97 = arith.constant 1 : i32
    %scan3A_98 = scf.for %scan3A_100 = %scan3A_94 to %scan3A_96 step %scan3A_97 iter_args(%scan3A_101 = %scan3A_93) -> (i32)  : i32 {
      %mul3A_102 = arith.constant 16 : i32
      %mul3A_103 = arith.muli %scan3A_100, %mul3A_102 : i32
      %add3A_104 = vector.broadcast %mul3A_103 : i32 to vector<16xi32>
      %add3A_105 = arith.addi %add3A_104, %iota3A_92 : vector<16xi32>
      %mul3A_106 = arith.constant 16 : i32
      %mul3A_107 = vector.broadcast %mul3A_106 : i32 to vector<16xi32>
      %mul3A_108 = arith.muli %add3A_105, %mul3A_107 : vector<16xi32>
      %add3A_109 = arith.constant 0 : i32
      %add3A_110 = vector.broadcast %add3A_109 : i32 to vector<16xi32>
      %add3A_111 = arith.addi %mul3A_108, %add3A_110 : vector<16xi32>
      %gather3A = tpu.vector_load_idx %arg12[%add3A_111] : memref<2048xf32, #tpu.memory_space<vmem>>[vector<16xi32>], vector<16xf32>,
      %add3A_112 = arith.constant 1 : i32
      %add3A_113 = vector.broadcast %add3A_112 : i32 to vector<16xi32>
      %add3A_114 = arith.addi %mul3A_108, %add3A_113 : vector<16xi32>
      %gather3A_115 = tpu.vector_load_idx %arg12[%add3A_114] : memref<2048xf32, #tpu.memory_space<vmem>>[vector<16xi32>], vector<16xf32>,
      %add3A_116 = arith.addf %gather3A, %gather3A_115 : vector<16xf32>
      %add3A_117 = arith.constant 2 : i32
      %add3A_118 = vector.broadcast %add3A_117 : i32 to vector<16xi32>
      %add3A_119 = arith.addi %mul3A_108, %add3A_118 : vector<16xi32>
      %gather3A_120 = tpu.vector_load_idx %arg12[%add3A_119] : memref<2048xf32, #tpu.memory_space<vmem>>[vector<16xi32>], vector<16xf32>,
      %add3A_121 = arith.addf %add3A_116, %gather3A_120 : vector<16xf32>
      %add3A_122 = arith.constant 3 : i32
      %add3A_123 = vector.broadcast %add3A_122 : i32 to vector<16xi32>
      %add3A_124 = arith.addi %mul3A_108, %add3A_123 : vector<16xi32>
      %gather3A_125 = tpu.vector_load_idx %arg12[%add3A_124] : memref<2048xf32, #tpu.memory_space<vmem>>[vector<16xi32>], vector<16xf32>,
      %add3A_126 = arith.addf %add3A_121, %gather3A_125 : vector<16xf32>
      %add3A_127 = arith.constant 4 : i32
      %add3A_128 = vector.broadcast %add3A_127 : i32 to vector<16xi32>
      %add3A_129 = arith.addi %mul3A_108, %add3A_128 : vector<16xi32>
      %gather3A_130 = tpu.vector_load_idx %arg12[%add3A_129] : memref<2048xf32, #tpu.memory_space<vmem>>[vector<16xi32>], vector<16xf32>,
      %add3A_131 = arith.addf %add3A_126, %gather3A_130 : vector<16xf32>
      %add3A_132 = arith.constant 5 : i32
      %add3A_133 = vector.broadcast %add3A_132 : i32 to vector<16xi32>
      %add3A_134 = arith.addi %mul3A_108, %add3A_133 : vector<16xi32>
      %gather3A_135 = tpu.vector_load_idx %arg12[%add3A_134] : memref<2048xf32, #tpu.memory_space<vmem>>[vector<16xi32>], vector<16xf32>,
      %add3A_136 = arith.addf %add3A_131, %gather3A_135 : vector<16xf32>
      %add3A_137 = arith.constant 6 : i32
      %add3A_138 = vector.broadcast %add3A_137 : i32 to vector<16xi32>
      %add3A_139 = arith.addi %mul3A_108, %add3A_138 : vector<16xi32>
      %gather3A_140 = tpu.vector_load_idx %arg12[%add3A_139] : memref<2048xf32, #tpu.memory_space<vmem>>[vector<16xi32>], vector<16xf32>,
      %add3A_141 = arith.addf %add3A_136, %gather3A_140 : vector<16xf32>
      %add3A_142 = arith.constant 7 : i32
      %add3A_143 = vector.broadcast %add3A_142 : i32 to vector<16xi32>
      %add3A_144 = arith.addi %mul3A_108, %add3A_143 : vector<16xi32>
      %gather3A_145 = tpu.vector_load_idx %arg12[%add3A_144] : memref<2048xf32, #tpu.memory_space<vmem>>[vector<16xi32>], vector<16xf32>,
      %add3A_146 = arith.addf %add3A_141, %gather3A_145 : vector<16xf32>
      %add3A_147 = arith.constant 8 : i32
      %add3A_148 = vector.broadcast %add3A_147 : i32 to vector<16xi32>
      %add3A_149 = arith.addi %mul3A_108, %add3A_148 : vector<16xi32>
      %gather3A_150 = tpu.vector_load_idx %arg12[%add3A_149] : memref<2048xf32, #tpu.memory_space<vmem>>[vector<16xi32>], vector<16xf32>,
      %add3A_151 = arith.addf %add3A_146, %gather3A_150 : vector<16xf32>
      %add3A_152 = arith.constant 9 : i32
      %add3A_153 = vector.broadcast %add3A_152 : i32 to vector<16xi32>
      %add3A_154 = arith.addi %mul3A_108, %add3A_153 : vector<16xi32>
      %gather3A_155 = tpu.vector_load_idx %arg12[%add3A_154] : memref<2048xf32, #tpu.memory_space<vmem>>[vector<16xi32>], vector<16xf32>,
      %add3A_156 = arith.addf %add3A_151, %gather3A_155 : vector<16xf32>
      %add3A_157 = arith.constant 10 : i32
      %add3A_158 = vector.broadcast %add3A_157 : i32 to vector<16xi32>
      %add3A_159 = arith.addi %mul3A_108, %add3A_158 : vector<16xi32>
      %gather3A_160 = tpu.vector_load_idx %arg12[%add3A_159] : memref<2048xf32, #tpu.memory_space<vmem>>[vector<16xi32>], vector<16xf32>,
      %add3A_161 = arith.addf %add3A_156, %gather3A_160 : vector<16xf32>
      %add3A_162 = arith.constant 11 : i32
      %add3A_163 = vector.broadcast %add3A_162 : i32 to vector<16xi32>
      %add3A_164 = arith.addi %mul3A_108, %add3A_163 : vector<16xi32>
      %gather3A_165 = tpu.vector_load_idx %arg12[%add3A_164] : memref<2048xf32, #tpu.memory_space<vmem>>[vector<16xi32>], vector<16xf32>,
      %add3A_166 = arith.addf %add3A_161, %gather3A_165 : vector<16xf32>
      %add3A_167 = arith.constant 12 : i32
      %add3A_168 = vector.broadcast %add3A_167 : i32 to vector<16xi32>
      %add3A_169 = arith.addi %mul3A_108, %add3A_168 : vector<16xi32>
      %gather3A_170 = tpu.vector_load_idx %arg12[%add3A_169] : memref<2048xf32, #tpu.memory_space<vmem>>[vector<16xi32>], vector<16xf32>,
      %add3A_171 = arith.addf %add3A_166, %gather3A_170 : vector<16xf32>
      %add3A_172 = arith.constant 13 : i32
      %add3A_173 = vector.broadcast %add3A_172 : i32 to vector<16xi32>
      %add3A_174 = arith.addi %mul3A_108, %add3A_173 : vector<16xi32>
      %gather3A_175 = tpu.vector_load_idx %arg12[%add3A_174] : memref<2048xf32, #tpu.memory_space<vmem>>[vector<16xi32>], vector<16xf32>,
      %add3A_176 = arith.addf %add3A_171, %gather3A_175 : vector<16xf32>
      %add3A_177 = arith.constant 14 : i32
      %add3A_178 = vector.broadcast %add3A_177 : i32 to vector<16xi32>
      %add3A_179 = arith.addi %mul3A_108, %add3A_178 : vector<16xi32>
      %gather3A_180 = tpu.vector_load_idx %arg12[%add3A_179] : memref<2048xf32, #tpu.memory_space<vmem>>[vector<16xi32>], vector<16xf32>,
      %add3A_181 = arith.addf %add3A_176, %gather3A_180 : vector<16xf32>
      %add3A_182 = arith.constant 15 : i32
      %add3A_183 = vector.broadcast %add3A_182 : i32 to vector<16xi32>
      %add3A_184 = arith.addi %mul3A_108, %add3A_183 : vector<16xi32>
      %gather3A_185 = tpu.vector_load_idx %arg12[%add3A_184] : memref<2048xf32, #tpu.memory_space<vmem>>[vector<16xi32>], vector<16xf32>,
      %add3A_186 = arith.addf %add3A_181, %gather3A_185 : vector<16xf32>
      %mul3A_187 = arith.constant 16 : i32
      %mul3A_188 = arith.muli %scan3A_100, %mul3A_187 : i32
      %add3A_189 = arith.constant 10624 : i32
      %add3A_190 = arith.addi %add3A_189, %mul3A_188 : i32
      %swap3A = arith.index_cast %add3A_190 : i32 to index
      %swap3A_191 = tpu.vector_load %arg13[%swap3A] {strides = array<i32>} : memref<10752xf32, #tpu.memory_space<vmem>>, vector<16xf32>,
      tpu.vector_store %arg13[%swap3A], %add3A_186 {strides = array<i32>} : memref<10752xf32, #tpu.memory_space<vmem>>, vector<16xf32>,
      %scan3A_192 = arith.constant 0 : i32
      scf.yield %scan3A_192 : i32
    }
    %scan3A_99 = arith.constant 8 : i32
    "tpu.region"() ({
      %run_scoped3A = tpu.sem_alloc : memref<!tpu.dma_semaphore, #tpu.memory_space<semaphore_mem>>
      %dma_start3A_100 = tpu.memref_slice %arg5[%multiple_of3A] : memref<344064xf32, #tpu.memory_space<hbm>> -> memref<10752xf32, #tpu.memory_space<hbm>>
      %dma_start3A_101 = tpu.memref_slice %arg5[%multiple_of3A] : memref<344064xf32, #tpu.memory_space<hbm>> -> memref<10752xf32, #tpu.memory_space<hbm>>
      tpu.enqueue_dma source(%arg13 : memref<10752xf32, #tpu.memory_space<vmem>>) target(%dma_start3A_101 : memref<10752xf32, #tpu.memory_space<hbm>>) target_semaphore(%run_scoped3A : memref<!tpu.dma_semaphore, #tpu.memory_space<semaphore_mem>>)
      %dma_wait3A_102 = tpu.memref_slice %arg5[%multiple_of3A] : memref<344064xf32, #tpu.memory_space<hbm>> -> memref<10752xf32, #tpu.memory_space<hbm>>
      %dma_wait3A_103 = tpu.memref_slice %arg5[%multiple_of3A] : memref<344064xf32, #tpu.memory_space<hbm>> -> memref<10752xf32, #tpu.memory_space<hbm>>
      tpu.wait_dma2 semaphore(%run_scoped3A : memref<!tpu.dma_semaphore, #tpu.memory_space<semaphore_mem>>) src(%arg13 : memref<10752xf32, #tpu.memory_space<vmem>>) dst(%dma_wait3A_103 : memref<10752xf32, #tpu.memory_space<hbm>>)
      tpu.yield
    }) : () -> ()
    return
  }
}

</mosaic_0001>

<sc_bundles>
// kernel: kernel.3.cloned.1.call-start
scs
__scs_entry_jumppad:
0x0: {  	(pc) =	sbr.rel $0x88, $3  }
0x1: {  	(tag) =	ssettag $0x0;
	lr =	simm.s32 $0x1  }
0x2: {  	[smem:$0x3F9E] =	sst lr;
	_ =	strace $0xD0000000  }
0x3: {  	_ = 	snop  }
0x4: {  	_ = 	snop  }
0x5: {  	_ = 	snop  }
0x6: {  	_ = 	snop  }
0x7: {  	_ = 	snop  }
__scs_overlays_trampoline_lowered:
0x8: {  	[smem:$0x3FAD] =	sst s0  }
0x9: {  	[smem:$0x3FAE] =	sst s1  }
0xa: {  	[smem:$0x3FAF] =	sst s2  }
0xb: {  	[smem:$0x3FB0] =	sst s3  }
0xc: {  	[smem:$0x3FB1] =	sst s4  }
0xd: {  	[smem:$0x3FB2] =	sst s5  }
0xe: {  	[smem:$0x3FB3] =	sst s6  }
0xf: {  	[smem:$0x3FB4] =	sst s7  }
0x10: {  	[smem:$0x3FB5] =	sst s8  }
0x11: {  	[smem:$0x3FB6] =	sst s9;
	s0 =	simm.s32 @!p0 $0x0  }
0x12: {  	s1 =	sld [smem:$0x3F9C];
	s0 =	simm.s32 @p0 $0x1  }
0x13: {  	[smem:$0x3FB7] =	sst s0;
	s0 =	simm.s32 @!p1 $0x0  }
0x14: {  	s2 =	sld [smem:$0x3F9B];
	s0 =	simm.s32 @p1 $0x1  }
0x15: {  	[smem:$0x3FB8] =	sst s0;
	s0 =	simm.s32 @!p2 $0x0  }
0x16: {  	s3 =	sld [smem:$0x3FDB];
	s0 =	simm.s32 @p2 $0x1  }
0x17: {  	s4 =	simm.s32 $0x1BF5;
	[smem:$0x3FBA] =	sst s0  }
0x18: {  	s0 =	sld [smem:$0x3F9D];
	_ =	swait.ge [sflag:s4], $0x0  }
0x19: {  	s7 =	sld [smem:$0x3F9E]  }
0x1a: {  	s8 =	sadd.s32 $0xFFFFE003, lr  }
0x1b: {  	s9 =	sadd.s32 $0xFFFFFEF7, lr;
	s5 =	simm.s32 $0xFFFFFFFF;
	p2 =	slt.u32 s8, $0xFFFFF086  }
0x1c: {  	p1 =	slt.u32 s9, $0xF7A;
	s5 =	simm.s32 @!p2 $0x0  }
0x1d: {  	s5 =	simm.s32 @p1 $0x1;
	p0 =	seq.s32 s7, s2  }
0x1e: {  	s7 =	smul.u32 @!p0 $0xF7A, s2;
	p2 =	seq.s32 @!p0 s5, $0x0  }
0x1f: {  	s9 =	smul.u32 $0xF7A, s1;
	s8 =	simm.s32 @!p0 $0x1BF5;
	p2 =	por !p2, p0  }
0x20: {  	[sflag:s8] =	ssyncset.s32 @!p0 $0xFFFFF086;
	s6 =	sadd.s32 @!p0 s3, s7;
	s7 =	simm.s32 @!p0 $0x108  }
0x21: {  	s3 =	sadd.s32 s3, s9;
	s6 =	sadd.s32 @!p0 $0x88, s6;
	s7 =	simm.s32 @p2 $0x1082  }
0x22: {  	[simem:s7], [sflag:s8] =	dma.local @!p0 [hbm:s6], $0xF7A  }
0x23: {  	s9 =	sor.u32 $0xD0000000, s2;
	s6 =	simm.s32 $0x108;
	_ =	swait.ge @!p0 [sflag:s8], $0x0  }
0x24: {  	s3 =	sadd.s32 $0x88, s3;
	s6 =	simm.s32 @!p1 $0x1082;
	[sflag:s4] =	ssyncset.s32 $0xFFFFF086  }
0x25: {  	[simem:s6], [sflag:s4] =	dma.local [hbm:s3], $0xF7A  }
0x26: {  	[smem:$0x3F9E] =	sst s1;
	(tag) =	ssettag s2;
	_ =	strace s9  }
0x27: {  	s1 =	sld [smem:$0x3FAE]  }
0x28: {  	s2 =	sld [smem:$0x3FAF]  }
0x29: {  	s4 =	sld [smem:$0x3FB1]  }
0x2a: {  	p0 =	seq.s32 s5, $0x0;
	s5 =	sld [smem:$0x3FB2]  }
0x2b: {  	s6 =	sld [smem:$0x3FB3]  }
0x2c: {  	s7 =	sld [smem:$0x3FB4]  }
0x2d: {  	s3 =	simm.s32 $0x108;
	s8 =	sld [smem:$0x3FB5]  }
0x2e: {  	s3 =	simm.s32 @!p0 $0x1082;
	s9 =	sld [smem:$0x3FB6]  }
0x2f: {  	lr =	sadd.s32 s0, s3;
	s0 =	sld [smem:$0x3FAD]  }
0x30: {  	s3 =	sld [smem:$0x3FB0]  }
0x31: {  	[smem:$0x3FB9] =	sst s10  }
0x32: {  	s10 =	sld [smem:$0x3FB7];
	_ =	sdelay $0x3  }
0x33: {  	p0 =	seq.s32 s10, $0x1;
	s10 =	sld [smem:$0x3FB9];
	_ =	sdelay $0x3  }
0x34: {  	[smem:$0x3FB9] =	sst s10  }
0x35: {  	s10 =	sld [smem:$0x3FB8];
	_ =	sdelay $0x3  }
0x36: {  	p1 =	seq.s32 s10, $0x1;
	s10 =	sld [smem:$0x3FB9];
	_ =	sdelay $0x3  }
0x37: {  	[smem:$0x3FB9] =	sst s10  }
0x38: {  	s10 =	sld [smem:$0x3FBA]  }
0x39: {  	_ = 	snop;
	(pc) =	sbr.ind lr, $3  }
0x3a: {  	_ = 	snop  }
0x3b: {  	_ = 	snop  }
0x3c: {  	p2 =	seq.s32 s10, $0x1;
	s10 =	sld [smem:$0x3FB9]  }
0x3d: {  	_ =	shalt  }
0x3e: {  	_ =	shalt  }
0x3f: {  	_ =	shalt  }
0x40: {  	_ =	shalt  }
0x41: {  	_ =	shalt  }
0x42: {  	_ =	shalt  }
0x43: {  	_ =	shalt  }
0x44: {  	_ =	shalt  }
0x45: {  	_ =	shalt  }
0x46: {  	_ =	shalt  }
0x47: {  	_ =	shalt  }
0x48: {  	_ =	shalt  }
0x49: {  	_ =	shalt  }
0x4a: {  	_ =	shalt  }
0x4b: {  	_ =	shalt  }
0x4c: {  	_ =	shalt  }
0x4d: {  	_ =	shalt  }
0x4e: {  	_ =	shalt  }
0x4f: {  	_ =	shalt  }
0x50: {  	_ =	shalt  }
0x51: {  	_ =	shalt  }
0x52: {  	_ =	shalt  }
0x53: {  	_ =	shalt  }
0x54: {  	_ =	shalt  }
0x55: {  	_ =	shalt  }
0x56: {  	_ =	shalt  }
0x57: {  	_ =	shalt  }
0x58: {  	_ =	shalt  }
0x59: {  	_ =	shalt  }
0x5a: {  	_ =	shalt  }
0x5b: {  	_ =	shalt  }
0x5c: {  	_ =	shalt  }
0x5d: {  	_ =	shalt  }
0x5e: {  	_ =	shalt  }
0x5f: {  	_ =	shalt  }
0x60: {  	_ =	shalt  }
0x61: {  	_ =	shalt  }
0x62: {  	_ =	shalt  }
0x63: {  	_ =	shalt  }
0x64: {  	_ =	shalt  }
0x65: {  	_ =	shalt  }
0x66: {  	_ =	shalt  }
0x67: {  	_ =	shalt  }
0x68: {  	_ =	shalt  }
0x69: {  	_ =	shalt  }
0x6a: {  	_ =	shalt  }
0x6b: {  	_ =	shalt  }
0x6c: {  	_ =	shalt  }
0x6d: {  	_ =	shalt  }
0x6e: {  	_ =	shalt  }
0x6f: {  	_ =	shalt  }
0x70: {  	_ =	shalt  }
0x71: {  	_ =	shalt  }
0x72: {  	_ =	shalt  }
0x73: {  	_ =	shalt  }
0x74: {  	_ =	shalt  }
0x75: {  	_ =	shalt  }
0x76: {  	_ =	shalt  }
0x77: {  	_ =	shalt  }
0x78: {  	_ =	shalt  }
0x79: {  	_ =	shalt  }
0x7a: {  	_ =	shalt  }
0x7b: {  	_ =	shalt  }
0x7c: {  	_ =	shalt  }
0x7d: {  	_ =	shalt  }
0x7e: {  	_ =	shalt  }
0x7f: {  	_ =	shalt  }
0x80: {  	_ =	shalt  }
0x81: {  	_ =	shalt  }
0x82: {  	_ =	shalt  }
0x83: {  	_ =	shalt  }
0x84: {  	_ =	shalt  }
0x85: {  	_ =	shalt  }
0x86: {  	_ =	shalt  }
0x87: {  	_ =	shalt  }
.Lfunc_end0:
.L_simem_size_0:
called_computation_lowered:
.L_overlay_start_0:
0x88: {  	s2 =	sld [smem:$0x3FD9]  }
0x89: {  	s3 =	sld [smem:$0x3FFE];
	_ =	sdelay $0x1  }
0x8a: {  	s1 =	srdreg.scid  }
0x8b: {  	s0 =	sand.u32 $0x1, s1  }
0x8c: {  	s17 =	sshll.u32 s0, $0xA;
	s2 =	sadd.s32 s3, s2  }
0x8d: {  	s2 =	sadd.s32 s2, s17  }
0x8e: {  	[smem:$0x3FC5] =	sst s2  }
0x8f: {  	_ = 	snop  }
0x90: {  	s2 =	sld [smem:$0x3FD0];
	(tm) =	ssettm $0x1  }
0x91: {  	s18 =	sld [smem:$0x3FFB];
	_ =	sdelay $0x3  }
0x92: {  	_ =	strace s18  }
0x93: {  	s3 =	sld [smem:$0x3FFC];
	_ =	sdelay $0x3  }
0x94: {  	_ =	strace s3  }
0x95: {  	s3 =	sld [smem:$0x3FFD];
	_ =	sdelay $0x3  }
0x96: {  	_ =	strace s3  }
0x97: {  	_ =	strace $0x8FFFFFFF  }
0x98: {  	s19 =	sld [smem:$0x3FDB];
	_ =	sdelay $0x1  }
0x99: {  	s4 =	simm.s32 $_scs_section_size  }
0x9a: {  	s5 =	simm.s32 $_size__tile_overlayer_lowered;
	s6 =	simm.s32 $_tile_overlayer_lowered  }
0x9b: {  	s22 =	simm.s32 $0x1BFF;
	s21 =	sshll.u32 s6, $0x1;
	s3 =	sadd.s32 s4, s19  }
0x9c: {  	s7 =	simm.s32 $0x0;
	s20 =	sshll.u32 s5, $0x1;
	s5 =	sadd.s32 s21, s3  }
0x9d: {  	[timem:s7], [sflag:s22] =	dma.local [hbm:s5], s20  }
0x9e: {  	_ =	swait.ge [sflag:s22], s20  }
0x9f: {  	s4 =	ssub.s32 $0x0, s20;
	[sflag:s22] =	ssyncset.done $0x0  }
0xa0: {  	[sflag:s22] =	ssyncadd.s32 s4;
	_ =	sdelay $0x1  }
0xa1: {  	s23 =	simm.s32 $0x1B8B  }
0xa2: {  	_ =	swait.ge [sflag:s23], $0x1  }
0xa3: {  	[sflag:s23] =	ssyncset.done $0x0  }
0xa4: {  	s25 =	simm.s32 $0x1B8E;
	s24 =	sld [smem:$0x3FFE];
	[sflag:s23] =	ssyncadd.s32 $0xFFFFFFFF  }
0xa5: {  	s26 =	simm.s32 $execute0_lowered;
	[smem:$0x3FD2] =	sst s25  }
0xa6: {  	s5 =	sshll.u32 s26, $0x1;
	_ =	strace $0x80000046;
	[dreg:$0x1] =	wrdreg $0xFFFFFFFF  }
0xa7: {  	s28 =	simm.s32 $_size_execute0_lowered;
	s3 =	sadd.s32 s3, s5;
	[dreg:$0x0] =	wrdreg $0x0  }
0xa8: {  	s5 =	sshll.u32 s28, $0x1;
	[dreg:$0x2] =	wrdreg s3  }
0xa9: {  	[dreg:$0x3] =	wrdreg s5  }
0xaa: {  	[dreg:$0x4] =	wrdreg $0xC0  }
0xab: {  	_ =	task [dreg:s7], $0x5FFFF  }
0xac: {  	[dreg:$0x1] =	wrdreg $0xFFFFFFFF  }
0xad: {  	[dreg:$0x0] =	wrdreg $0x60  }
0xae: {  	[dreg:$0x2] =	wrdreg s2  }
0xaf: {  	[dreg:$0x3] =	wrdreg s24  }
0xb0: {  	[dreg:$0x4] =	wrdreg $0x9  }
0xb1: {  	_ =	task.clear_ibuf [dreg:s7], $0x5FFFF;
	_ =	strace $0x90000046  }
0xb2: {  	s29 =	simm.s32 $0x9;
	_ =	strace $0x80000048  }
0xb3: {  	_ =	swait.ge [sflag:s29], $0x1  }
0xb4: {  	[sflag:s29] =	ssyncadd.s32 $0xFFFFFFFF  }
0xb5: {  	_ =	strace $0x90000048  }
0xb6: {  	_ =	sfence  }
0xb7: {  	s30 =	sld [smem:$0x0];
	_ =	sdelay $0x2  }
0xb8: {  	s31 =	sshll.u32 s1, $0xD;
	s1 =	sshrl.u32 s1, $0x2  }
0xb9: {  	s3 =	sand.u32 $0x4000, s31;
	s1 =	sadd.s32 s1, s30  }
0xba: {  	s0 =	sor.u32 s3, s0;
	s1 =	sshll.u32 s1, $0x11  }
0xbb: {  	s0 =	sor.u32 s1, s0  }
0xbc: {  	s0 =	sadd.s32 $0x8F2B, s0  }
0xbd: {  	[sflag:s0] =	ssyncadd.remote.s32 $0x1  }
0xbe: {  	_ =	sfence.sel $0xFFFF  }
0xbf: {  	[dreg:$0x0] =	wrdreg $0xFFFFFFFF;
	(pc) =	sbr.abs _section_cstart, $3  }
0xc0: {  	[dreg:$0x1] =	wrdreg $0xFFFFFFFF  }
0xc1: {  	_ =	task.clear_ibuf [dreg:s7], $0x2FFFF;
	_ =	strace $0x9FFFFFFF  }
0xc2: {  	(tm) =	ssettm $0x7FFFFFFF  }
0xc3: {  	_ =	shalt  }
tec
execute0_lowered:
.L_overlay_start_1:
0x0: {  	(tag) =	ssettag $0x1  }
0x1: {  	s0 =	rddreg [dreg:$0x0]  }
0x2: {  	s1 =	srdreg.scid;
	s2 =	stileid.u32  }
0x3: {  	s4 =	rddreg [dreg:$0x1];
	s8 =	simm.s32 $0x3;
	s9 =	simm.s32 $0x2A00  }
0x4: {  	s10 =	simm.s32 $0x80;
	s11 =	simm.s32 $0x5400;
	s12 =	simm.s32 $0x9400  }
0x5: {  	s13 =	simm.s32 $0xD400;
	s14 =	simm.s32 $0x11400;
	s15 =	simm.s32 $0x1  }
0x6: {  	s16 =	simm.s32 $0x15400;
	s17 =	simm.s32 $0x2;
	s19 =	simm.s32 $0x5380  }
0x7: {  	s20 =	simm.s32 $0x15C00;
	s1 =	sand.u32 $0x1, s1;
	s3 =	sshll.u32 s2, $0x1  }
0x8: {  	s21 =	simm.s32 $0x0;
	s2 =	simm.s32 $0x0;
	s3 =	sor.u32 s1, s3  }
0x9: {  	[smem:$0x7FF] =	sst s2;
	s1 =	ssub.s32 $0x2, s1;
	s5 =	smul.u32 $0x540, s3  }
0xa: {  	v0 =	vlaneseq.u32;
	_ =	strace $0x80000047;
	s6 =	sshrl.u32 s1, $0x1;
	s3 =	sadd.s32 $0x1E8F600, s4  }
0xb: {  	v0 =	vmul.u32 $0x10, v0;
	s1 =	ssub.s32 s1, s6;
	s7 =	sadd.s32 s5, s4;
	s4 =	sadd.s32 s0, s5  }
0xc: {  	s5 =	sadd.s32 $0x600, s7;
	s6 =	sadd.s32 $0xAE00, s7;
	s7 =	smax.u32 s1, $0x1  }
.LBB2_1:
0xd: {  	[tilespmem:s2], [sflag:$0x3] =	stream.linear.gather [hbm4b:s4+s2], $0x2A00, $0x38;
	[tilespmem:$0x18600] =	vst v63  }
0xe: {  	_ =	swait.ge [sflag:s8], $0x2A00  }
0xf: {  	[sflag:s8] =	ssyncset.done $0x0  }
0x10: {  	[sflag:s8] =	ssyncadd.s32 $0xFFFFD600  }
0x11: {  	[tilespmem:s9], [sflag:$0x3] =	stream.linear.gather [hbm4b:s5+s2], $0x2A00, $0x38;
	[tilespmem:$0x18600] =	vst v63  }
0x12: {  	_ =	swait.ge [sflag:s8], $0x2A00  }
0x13: {  	[sflag:s8] =	ssyncset.done $0x0  }
0x14: {  	[sflag:s8] =	ssyncadd.s32 $0xFFFFD600  }
0x15: {  	[tilespmem:s11], [sflag:$0x1] =	stream.indirect.gather [hbm4b:s3+s10], $0x80, s2, s10, $0xb8;
	[tilespmem:$0x18600] =	vst v63  }
0x16: {  	s22 =	simm.s32 $0x15C80;
	s23 =	simm.s32 $0x15C00;
	s24 =	simm.s32 $0x0  }
0x17: {  	[tilespmem:s12], [sflag:$0x1] =	stream.indirect.gather [hbm4b:s3+s10], $0x80, s9, s10, $0xb8;
	[tilespmem:$0x18600] =	vst v63  }
.LBB2_2:
0x18: {  	s25 =	sshll.u32 s24, $0x8  }
0x19: {  	s0 =	sor.u32 $0x80, s25  }
0x1a: {  	[tilespmem:s13], [sflag:$0x2] =	stream.indirect.gather [hbm4b:s3+s10], $0x80, s0, s10, $0xb8;
	[tilespmem:$0x18600] =	vst v63  }
0x1b: {  	s26 =	sadd.s32 $0x2A80, s25  }
0x1c: {  	[tilespmem:s14], [sflag:$0x2] =	stream.indirect.gather [hbm4b:s3+s10], $0x80, s26, s10, $0xb8;
	[tilespmem:$0x18600] =	vst v63  }
0x1d: {  	_ =	swait.ge [sflag:s15], $0x4000  }
0x1e: {  	[sflag:s15] =	ssyncset.done $0x0  }
0x1f: {  	[sflag:s15] =	ssyncadd.s32 $0xFFFFC000  }
0x20: {  	_ =	swait.ge [sflag:s15], $0x4000  }
0x21: {  	[sflag:s15] =	ssyncset.done $0x0  }
0x22: {  	s28 =	simm.s32 $0x5600;
	[sflag:s15] =	ssyncadd.s32 $0xFFFFC000  }
0x23: {  	s29 =	simm.s32 $0x9640;
	v1 =	vld [tilespmem:s28+$0xFFFFFE00]  }
0x24: {  	v2 =	vld [tilespmem:s29+$0xFFFFFE10]  }
0x25: {  	v3 =	vld [tilespmem:s28+$0xFFFFFE10]  }
0x26: {  	v4 =	vld [tilespmem:s29+$0xFFFFFE00]  }
0x27: {  	v5 =	vld [tilespmem:s29+$0xFFFFFE20]  }
0x28: {  	v6 =	vld [tilespmem:s28+$0xFFFFFE20]  }
0x29: {  	v7 =	vld [tilespmem:s29+$0xFFFFFE30]  }
0x2a: {  	v8 =	vld [tilespmem:s28+$0xFFFFFE30]  }
0x2b: {  	v2 =	vmul.f32 v2, v3;
	v1 =	vmul.f32 v4, v1;
	_ =	sdelay $0x1  }
0x2c: {  	v1 =	vadd.f32 v2, v1;
	v2 =	vmul.f32 v5, v6;
	_ =	sdelay $0x1  }
0x2d: {  	v1 =	vadd.f32 v2, v1;
	v2 =	vmul.f32 v7, v8;
	_ =	sdelay $0x1  }
0x2e: {  	v1 =	vadd.f32 v2, v1  }
0x2f: {  	s26 =	simm.s32 $0x15440  }
0x30: {  	[tilespmem:s26+$0xFFFFFFC0] =	vst v1  }
0x31: {  	v1 =	vld [tilespmem:s29+$0xFFFFFE90]  }
0x32: {  	v2 =	vld [tilespmem:s28+$0xFFFFFE80]  }
0x33: {  	v3 =	vld [tilespmem:s28+$0xFFFFFE90]  }
0x34: {  	v4 =	vld [tilespmem:s29+$0xFFFFFE80]  }
0x35: {  	v5 =	vld [tilespmem:s29+$0xFFFFFEA0]  }
0x36: {  	v6 =	vld [tilespmem:s28+$0xFFFFFEA0]  }
0x37: {  	v7 =	vld [tilespmem:s29+$0xFFFFFEB0]  }
0x38: {  	v59 =	vld [tilespmem:s28+$0xFFFFFEB0]  }
0x39: {  	v1 =	vmul.f32 v1, v3;
	v2 =	vmul.f32 v4, v2;
	_ =	sdelay $0x1  }
0x3a: {  	v1 =	vadd.f32 v1, v2;
	v2 =	vmul.f32 v5, v6;
	_ =	sdelay $0x1  }
0x3b: {  	v1 =	vadd.f32 v2, v1;
	v2 =	vmul.f32 v7, v59;
	_ =	sdelay $0x1  }
0x3c: {  	v1 =	vadd.f32 v2, v1;
	_ =	sdelay $0x1  }
0x3d: {  	[tilespmem:s26+$0xFFFFFFD0] =	vst v1  }
0x3e: {  	v1 =	vld [tilespmem:s28+$0xFFFFFF00]  }
0x3f: {  	v2 =	vld [tilespmem:s29+$0xFFFFFF00]  }
0x40: {  	v3 =	vld [tilespmem:s29+$0xFFFFFF10]  }
0x41: {  	v4 =	vld [tilespmem:s28+$0xFFFFFF10]  }
0x42: {  	v5 =	vld [tilespmem:s29+$0xFFFFFF20]  }
0x43: {  	v6 =	vld [tilespmem:s28+$0xFFFFFF20]  }
0x44: {  	v7 =	vld [tilespmem:s29+$0xFFFFFF30]  }
0x45: {  	v60 =	vld [tilespmem:s28+$0xFFFFFF30]  }
0x46: {  	v1 =	vmul.f32 v2, v1;
	v2 =	vmul.f32 v3, v4;
	_ =	sdelay $0x1  }
0x47: {  	v1 =	vadd.f32 v2, v1;
	v2 =	vmul.f32 v5, v6;
	_ =	sdelay $0x1  }
0x48: {  	v1 =	vadd.f32 v2, v1;
	v2 =	vmul.f32 v7, v60;
	_ =	sdelay $0x1  }
0x49: {  	v1 =	vadd.f32 v2, v1;
	_ =	sdelay $0x1  }
0x4a: {  	[tilespmem:s26+$0xFFFFFFE0] =	vst v1  }
0x4b: {  	v1 =	vld [tilespmem:s29+$0xFFFFFF80]  }
0x4c: {  	v2 =	vld [tilespmem:s28+$0xFFFFFF80]  }
0x4d: {  	v3 =	vld [tilespmem:s28+$0xFFFFFF90]  }
0x4e: {  	v4 =	vld [tilespmem:s29+$0xFFFFFF90]  }
0x4f: {  	v5 =	vld [tilespmem:s28+$0xFFFFFFA0]  }
0x50: {  	v6 =	vld [tilespmem:s29+$0xFFFFFFA0]  }
0x51: {  	v7 =	vld [tilespmem:s29+$0xFFFFFFB0]  }
0x52: {  	v61 =	vld [tilespmem:s28+$0xFFFFFFB0]  }
0x53: {  	v1 =	vmul.f32 v1, v2;
	v2 =	vmul.f32 v4, v3;
	_ =	sdelay $0x1  }
0x54: {  	v1 =	vadd.f32 v2, v1;
	v2 =	vmul.f32 v6, v5;
	_ =	sdelay $0x1  }
0x55: {  	v1 =	vadd.f32 v2, v1;
	v2 =	vmul.f32 v7, v61;
	_ =	sdelay $0x1  }
0x56: {  	v1 =	vadd.f32 v2, v1;
	_ =	sdelay $0x1  }
0x57: {  	[tilespmem:s26+$0xFFFFFFF0] =	vst v1  }
0x58: {  	v1 =	vld [tilespmem:s29+$0x10]  }
0x59: {  	v2 =	vld [tilespmem:s28+$0x0]  }
0x5a: {  	v3 =	vld [tilespmem:s29+$0x0]  }
0x5b: {  	v4 =	vld [tilespmem:s28+$0x10]  }
0x5c: {  	v5 =	vld [tilespmem:s29+$0x20]  }
0x5d: {  	v6 =	vld [tilespmem:s28+$0x20]  }
0x5e: {  	v7 =	vld [tilespmem:s29+$0x30]  }
0x5f: {  	v62 =	vld [tilespmem:s28+$0x30]  }
0x60: {  	v2 =	vmul.f32 v3, v2;
	v1 =	vmul.f32 v1, v4;
	_ =	sdelay $0x1  }
0x61: {  	v1 =	vadd.f32 v1, v2;
	v2 =	vmul.f32 v5, v6;
	_ =	sdelay $0x1  }
0x62: {  	v1 =	vadd.f32 v2, v1;
	v2 =	vmul.f32 v7, v62;
	_ =	sdelay $0x1  }
0x63: {  	v1 =	vadd.f32 v2, v1;
	_ =	sdelay $0x1  }
0x64: {  	[tilespmem:s26+$0x0] =	vst v1  }
0x65: {  	v1 =	vld [tilespmem:s29+$0x90]  }
0x66: {  	v2 =	vld [tilespmem:s28+$0x80]  }
0x67: {  	v3 =	vld [tilespmem:s29+$0x80]  }
0x68: {  	v4 =	vld [tilespmem:s28+$0x90]  }
0x69: {  	v5 =	vld [tilespmem:s28+$0xA0]  }
0x6a: {  	v6 =	vld [tilespmem:s29+$0xA0]  }
0x6b: {  	v7 =	vld [tilespmem:s28+$0xB0]  }
0x6c: {  	v63 =	vld [tilespmem:s29+$0xB0]  }
0x6d: {  	v2 =	vmul.f32 v3, v2;
	v1 =	vmul.f32 v1, v4;
	_ =	sdelay $0x1  }
0x6e: {  	v1 =	vadd.f32 v1, v2;
	v2 =	vmul.f32 v6, v5;
	_ =	sdelay $0x1  }
0x6f: {  	v1 =	vadd.f32 v2, v1;
	v2 =	vmul.f32 v63, v7;
	_ =	sdelay $0x1  }
0x70: {  	v1 =	vadd.f32 v2, v1;
	_ =	sdelay $0x1  }
0x71: {  	[tilespmem:s26+$0x10] =	vst v1  }
0x72: {  	v1 =	vld [tilespmem:s29+$0x100]  }
0x73: {  	v2 =	vld [tilespmem:s28+$0x100]  }
0x74: {  	v3 =	vld [tilespmem:s29+$0x110]  }
0x75: {  	v4 =	vld [tilespmem:s28+$0x110]  }
0x76: {  	v5 =	vld [tilespmem:s28+$0x120]  }
0x77: {  	v6 =	vld [tilespmem:s29+$0x120]  }
0x78: {  	v7 =	vmul.f32 v1, v2;
	v1 =	vld [tilespmem:s28+$0x130]  }
0x79: {  	v2 =	vld [tilespmem:s29+$0x130]  }
0x7a: {  	v3 =	vmul.f32 v3, v4  }
0x7b: {  	s1 =	simm.s32 $0x0  }
0x7c: {  	s30 =	simm.s32 $0x5600;
	s31 =	simm.s32 $0x9640;
	s0 =	simm.s32 $0x154C0;
	v4 =	vmul.f32 v6, v5;
	v3 =	vadd.f32 v3, v7  }
.LBB2_3:
0x7d: {  	s1 =	sadd.s32 $0x8, s1;
	s29 =	sadd.s32 $0x400, s29;
	s28 =	sadd.s32 $0x400, s28  }
0x7e: {  	v3 =	vadd.f32 v4, v3;
	v1 =	vmul.f32 v2, v1;
	p0 =	slt.u32 s1, $0x78;
	_ =	sdelay $0x1  }
0x7f: {  	v1 =	vadd.f32 v1, v3;
	_ =	sdelay $0x1  }
0x80: {  	[tilespmem:s26+$0x20] =	vst v1  }
0x81: {  	v1 =	vld [tilespmem:s30+$0x1A0]  }
0x82: {  	v2 =	vld [tilespmem:s31+$0x1A0]  }
0x83: {  	v3 =	vld [tilespmem:s30+$0x180]  }
0x84: {  	v4 =	vld [tilespmem:s31+$0x190]  }
0x85: {  	v5 =	vld [tilespmem:s30+$0x190]  }
0x86: {  	v6 =	vld [tilespmem:s31+$0x180]  }
0x87: {  	v7 =	vld [tilespmem:s30+$0x1B0];
	s30 =	smov.u32 s28  }
0x88: {  	v8 =	vld [tilespmem:s31+$0x1B0];
	s31 =	smov.u32 s29;
	_ =	sdelay $0x1  }
0x89: {  	v1 =	vmul.f32 v2, v1;
	v4 =	vmul.f32 v4, v5  }
0x8a: {  	v2 =	vmul.f32 v6, v3;
	_ =	sdelay $0x1  }
0x8b: {  	v2 =	vadd.f32 v4, v2  }
0x8c: {  	v3 =	vmul.f32 v8, v7  }
0x8d: {  	v1 =	vadd.f32 v1, v2;
	_ =	sdelay $0x1  }
0x8e: {  	v1 =	vadd.f32 v3, v1;
	_ =	sdelay $0x1  }
0x8f: {  	[tilespmem:s26+$0x30] =	vst v1;
	s26 =	smov.u32 s0  }
0x90: {  	v1 =	vld [tilespmem:s28+$0xFFFFFE00]  }
0x91: {  	v2 =	vld [tilespmem:s29+$0xFFFFFE10]  }
0x92: {  	v3 =	vld [tilespmem:s28+$0xFFFFFE10]  }
0x93: {  	v4 =	vld [tilespmem:s29+$0xFFFFFE00]  }
0x94: {  	v5 =	vld [tilespmem:s29+$0xFFFFFE20]  }
0x95: {  	v6 =	vld [tilespmem:s28+$0xFFFFFE20]  }
0x96: {  	v7 =	vld [tilespmem:s29+$0xFFFFFE30]  }
0x97: {  	v2 =	vmul.f32 v2, v3;
	v3 =	vld [tilespmem:s28+$0xFFFFFE30]  }
0x98: {  	v1 =	vmul.f32 v4, v1;
	_ =	sdelay $0x1  }
0x99: {  	v1 =	vadd.f32 v2, v1;
	v2 =	vmul.f32 v5, v6;
	_ =	sdelay $0x1  }
0x9a: {  	v1 =	vadd.f32 v2, v1;
	v2 =	vmul.f32 v7, v3;
	_ =	sdelay $0x1  }
0x9b: {  	v1 =	vadd.f32 v2, v1;
	_ =	sdelay $0x1  }
0x9c: {  	[tilespmem:s0+$0xFFFFFFC0] =	vst v1  }
0x9d: {  	v1 =	vld [tilespmem:s29+$0xFFFFFE90]  }
0x9e: {  	v2 =	vld [tilespmem:s28+$0xFFFFFE80]  }
0x9f: {  	v3 =	vld [tilespmem:s28+$0xFFFFFE90]  }
0xa0: {  	v4 =	vld [tilespmem:s29+$0xFFFFFE80]  }
0xa1: {  	v5 =	vld [tilespmem:s29+$0xFFFFFEA0]  }
0xa2: {  	v6 =	vld [tilespmem:s28+$0xFFFFFEA0]  }
0xa3: {  	v7 =	vld [tilespmem:s29+$0xFFFFFEB0]  }
0xa4: {  	v1 =	vmul.f32 v1, v3;
	v3 =	vld [tilespmem:s28+$0xFFFFFEB0]  }
0xa5: {  	v2 =	vmul.f32 v4, v2;
	_ =	sdelay $0x1  }
0xa6: {  	v1 =	vadd.f32 v1, v2;
	v2 =	vmul.f32 v5, v6;
	_ =	sdelay $0x1  }
0xa7: {  	v1 =	vadd.f32 v2, v1;
	v2 =	vmul.f32 v7, v3;
	_ =	sdelay $0x1  }
0xa8: {  	v1 =	vadd.f32 v2, v1;
	_ =	sdelay $0x1  }
0xa9: {  	[tilespmem:s0+$0xFFFFFFD0] =	vst v1  }
0xaa: {  	v1 =	vld [tilespmem:s28+$0xFFFFFF00]  }
0xab: {  	v2 =	vld [tilespmem:s29+$0xFFFFFF00]  }
0xac: {  	v3 =	vld [tilespmem:s29+$0xFFFFFF10]  }
0xad: {  	v4 =	vld [tilespmem:s28+$0xFFFFFF10]  }
0xae: {  	v5 =	vld [tilespmem:s29+$0xFFFFFF20]  }
0xaf: {  	v6 =	vld [tilespmem:s28+$0xFFFFFF20]  }
0xb0: {  	v1 =	vmul.f32 v2, v1;
	v2 =	vld [tilespmem:s29+$0xFFFFFF30]  }
0xb1: {  	v7 =	vld [tilespmem:s28+$0xFFFFFF30]  }
0xb2: {  	v3 =	vmul.f32 v3, v4;
	_ =	sdelay $0x1  }
0xb3: {  	v1 =	vadd.f32 v3, v1;
	v3 =	vmul.f32 v5, v6;
	_ =	sdelay $0x1  }
0xb4: {  	v1 =	vadd.f32 v3, v1;
	v2 =	vmul.f32 v2, v7;
	_ =	sdelay $0x1  }
0xb5: {  	v1 =	vadd.f32 v2, v1;
	_ =	sdelay $0x1  }
0xb6: {  	[tilespmem:s0+$0xFFFFFFE0] =	vst v1  }
0xb7: {  	v1 =	vld [tilespmem:s29+$0xFFFFFF80]  }
0xb8: {  	v2 =	vld [tilespmem:s28+$0xFFFFFF80]  }
0xb9: {  	v3 =	vld [tilespmem:s28+$0xFFFFFF90]  }
0xba: {  	v4 =	vld [tilespmem:s29+$0xFFFFFF90]  }
0xbb: {  	v5 =	vld [tilespmem:s28+$0xFFFFFFA0]  }
0xbc: {  	v6 =	vld [tilespmem:s29+$0xFFFFFFA0]  }
0xbd: {  	v1 =	vmul.f32 v1, v2;
	v2 =	vld [tilespmem:s29+$0xFFFFFFB0]  }
0xbe: {  	v7 =	vld [tilespmem:s28+$0xFFFFFFB0]  }
0xbf: {  	v3 =	vmul.f32 v4, v3;
	_ =	sdelay $0x1  }
0xc0: {  	v1 =	vadd.f32 v3, v1;
	v3 =	vmul.f32 v6, v5;
	_ =	sdelay $0x1  }
0xc1: {  	v1 =	vadd.f32 v3, v1;
	v2 =	vmul.f32 v2, v7;
	_ =	sdelay $0x1  }
0xc2: {  	v1 =	vadd.f32 v2, v1;
	_ =	sdelay $0x1  }
0xc3: {  	[tilespmem:s0+$0xFFFFFFF0] =	vst v1  }
0xc4: {  	v1 =	vld [tilespmem:s29+$0x10]  }
0xc5: {  	v2 =	vld [tilespmem:s28+$0x0]  }
0xc6: {  	v3 =	vld [tilespmem:s29+$0x0]  }
0xc7: {  	v4 =	vld [tilespmem:s28+$0x10]  }
0xc8: {  	v5 =	vld [tilespmem:s29+$0x20]  }
0xc9: {  	v6 =	vld [tilespmem:s28+$0x20]  }
0xca: {  	v7 =	vld [tilespmem:s29+$0x30]  }
0xcb: {  	v2 =	vmul.f32 v3, v2;
	v3 =	vld [tilespmem:s28+$0x30]  }
0xcc: {  	v1 =	vmul.f32 v1, v4;
	_ =	sdelay $0x1  }
0xcd: {  	v1 =	vadd.f32 v1, v2;
	v2 =	vmul.f32 v5, v6;
	_ =	sdelay $0x1  }
0xce: {  	v1 =	vadd.f32 v2, v1;
	v2 =	vmul.f32 v7, v3;
	_ =	sdelay $0x1  }
0xcf: {  	v1 =	vadd.f32 v2, v1;
	_ =	sdelay $0x1  }
0xd0: {  	[tilespmem:s0+$0x0] =	vst v1  }
0xd1: {  	v1 =	vld [tilespmem:s29+$0x90]  }
0xd2: {  	v2 =	vld [tilespmem:s28+$0x80]  }
0xd3: {  	v3 =	vld [tilespmem:s29+$0x80]  }
0xd4: {  	v4 =	vld [tilespmem:s28+$0x90]  }
0xd5: {  	v5 =	vld [tilespmem:s28+$0xA0]  }
0xd6: {  	v6 =	vld [tilespmem:s29+$0xA0]  }
0xd7: {  	v7 =	vld [tilespmem:s28+$0xB0]  }
0xd8: {  	v2 =	vmul.f32 v3, v2;
	v3 =	vld [tilespmem:s29+$0xB0]  }
0xd9: {  	v1 =	vmul.f32 v1, v4;
	_ =	sdelay $0x1  }
0xda: {  	v1 =	vadd.f32 v1, v2;
	v2 =	vmul.f32 v6, v5;
	_ =	sdelay $0x1  }
0xdb: {  	v1 =	vadd.f32 v2, v1;
	v2 =	vmul.f32 v3, v7;
	_ =	sdelay $0x1  }
0xdc: {  	v1 =	vadd.f32 v2, v1;
	_ =	sdelay $0x1  }
0xdd: {  	[tilespmem:s0+$0x10] =	vst v1  }
0xde: {  	v1 =	vld [tilespmem:s29+$0x100]  }
0xdf: {  	v2 =	vld [tilespmem:s28+$0x100]  }
0xe0: {  	v3 =	vld [tilespmem:s29+$0x110]  }
0xe1: {  	v4 =	vld [tilespmem:s28+$0x110]  }
0xe2: {  	v5 =	vld [tilespmem:s28+$0x120]  }
0xe3: {  	v6 =	vld [tilespmem:s29+$0x120]  }
0xe4: {  	v7 =	vmul.f32 v1, v2;
	v1 =	vld [tilespmem:s28+$0x130]  }
.Ltmp0:
0xe5: {  	v2 =	vld [tilespmem:s29+$0x130];
	(pc) =	sbr.rel @p0 .LBB2_3-.Ltmp0, $3  }
0xe6: {  	v3 =	vmul.f32 v3, v4;
	_ =	sdelay $0x1  }
0xe7: {  	v3 =	vadd.f32 v3, v7;
	v4 =	vmul.f32 v6, v5  }
0xe8: {  	s18 =	simm.s32 $0x0;
	s0 =	sadd.s32 $0x80, s0  }
0xe9: {  	v3 =	vadd.f32 v4, v3;
	v1 =	vmul.f32 v2, v1;
	_ =	sdelay $0x1  }
0xea: {  	v1 =	vadd.f32 v1, v3;
	_ =	sdelay $0x1  }
0xeb: {  	[tilespmem:s26+$0x20] =	vst v1  }
0xec: {  	v1 =	vld [tilespmem:s30+$0x180]  }
0xed: {  	v2 =	vld [tilespmem:s31+$0x190]  }
0xee: {  	v3 =	vld [tilespmem:s30+$0x190]  }
0xef: {  	v4 =	vld [tilespmem:s31+$0x180]  }
0xf0: {  	v5 =	vld [tilespmem:s30+$0x1A0]  }
0xf1: {  	v6 =	vld [tilespmem:s31+$0x1A0]  }
0xf2: {  	v7 =	vld [tilespmem:s30+$0x1B0]  }
0xf3: {  	v8 =	vld [tilespmem:s31+$0x1B0]  }
0xf4: {  	v2 =	vmul.f32 v2, v3;
	v1 =	vmul.f32 v4, v1  }
0xf5: {  	v3 =	vmov s18  }
0xf6: {  	v4 =	vmul.f32 v6, v5;
	v1 =	vadd.f32 v2, v1;
	v2 =	vshll.u32 v3, $0x4  }
0xf7: {  	v2 =	vor.u32 v0, v2  }
0xf8: {  	v3 =	vmul.f32 v8, v7;
	v1 =	vadd.f32 v4, v1;
	v4 =	vor.u32 $0x1, v2;
	_ =	sdelay $0x1  }
0xf9: {  	v1 =	vadd.f32 v3, v1  }
0xfa: {  	v3 =	vor.u32 $0x2, v2  }
0xfb: {  	[tilespmem:s26+$0x30] =	vst v1  }
0xfc: {  	v1 =	vld.idx.msk [tilespmem:v4+s16+$0x0], $0xffff;
	v4 =	vor.u32 $0x3, v2  }
0xfd: {  	v5 =	vld.idx.msk [tilespmem:v2+s16+$0x0], $0xffff  }
0xfe: {  	v6 =	vor.u32 $0x4, v2  }
0xff: {  	v3 =	vld.idx.msk [tilespmem:v3+s16+$0x0], $0xffff  }
0x100: {  	v7 =	vor.u32 $0x5, v2  }
0x101: {  	v4 =	vld.idx.msk [tilespmem:v4+s16+$0x0], $0xffff  }
0x102: {  	v58 =	vor.u32 $0x6, v2;
	v1 =	vadd.f32 v1, v5  }
0x103: {  	v5 =	vld.idx.msk [tilespmem:v6+s16+$0x0], $0xffff  }
0x104: {  	v6 =	vor.u32 $0x7, v2;
	v1 =	vadd.f32 v3, v1  }
0x105: {  	v3 =	vld.idx.msk [tilespmem:v7+s16+$0x0], $0xffff  }
0x106: {  	v7 =	vor.u32 $0x8, v2;
	v1 =	vadd.f32 v4, v1  }
0x107: {  	v4 =	vld.idx.msk [tilespmem:v58+s16+$0x0], $0xffff  }
0x108: {  	v59 =	vor.u32 $0x9, v2;
	v1 =	vadd.f32 v5, v1  }
0x109: {  	v5 =	vld.idx.msk [tilespmem:v6+s16+$0x0], $0xffff  }
0x10a: {  	v6 =	vor.u32 $0xA, v2;
	v1 =	vadd.f32 v3, v1  }
0x10b: {  	v3 =	vld.idx.msk [tilespmem:v7+s16+$0x0], $0xffff  }
0x10c: {  	v7 =	vor.u32 $0xB, v2;
	v1 =	vadd.f32 v4, v1  }
0x10d: {  	v4 =	vld.idx.msk [tilespmem:v59+s16+$0x0], $0xffff  }
0x10e: {  	v60 =	vor.u32 $0xC, v2;
	v1 =	vadd.f32 v5, v1  }
0x10f: {  	v5 =	vld.idx.msk [tilespmem:v6+s16+$0x0], $0xffff  }
0x110: {  	v6 =	vor.u32 $0xD, v2;
	v1 =	vadd.f32 v3, v1  }
0x111: {  	v3 =	vld.idx.msk [tilespmem:v7+s16+$0x0], $0xffff  }
0x112: {  	v7 =	vor.u32 $0xE, v2;
	v1 =	vadd.f32 v4, v1  }
0x113: {  	v4 =	vld.idx.msk [tilespmem:v60+s16+$0x0], $0xffff  }
0x114: {  	v2 =	vor.u32 $0xF, v2;
	v1 =	vadd.f32 v5, v1  }
0x115: {  	v5 =	vld.idx.msk [tilespmem:v6+s16+$0x0], $0xffff  }
0x116: {  	v1 =	vadd.f32 v3, v1  }
0x117: {  	v3 =	vld.idx.msk [tilespmem:v7+s16+$0x0], $0xffff  }
0x118: {  	s0 =	simm.s32 $0x10;
	v1 =	vadd.f32 v4, v1  }
0x119: {  	v2 =	vld.idx.msk [tilespmem:v2+s16+$0x0], $0xffff;
	v4 =	vmov s0  }
0x11a: {  	v4 =	vshll.u32 v4, $0x4;
	v1 =	vadd.f32 v5, v1  }
0x11b: {  	v4 =	vor.u32 v0, v4  }
0x11c: {  	v5 =	vor.u32 $0x1, v4;
	v1 =	vadd.f32 v3, v1;
	_ =	sdelay $0x1  }
0x11d: {  	v1 =	vadd.f32 v2, v1  }
0x11e: {  	v2 =	vor.u32 $0x2, v4  }
0x11f: {  	[tilespmem:s23+$0x0] =	vst v1  }
0x120: {  	v3 =	vor.u32 $0x3, v4;
	v1 =	vld.idx.msk [tilespmem:v5+s16+$0x0], $0xffff  }
0x121: {  	v5 =	vld.idx.msk [tilespmem:v4+s16+$0x0], $0xffff  }
0x122: {  	v6 =	vor.u32 $0x4, v4  }
0x123: {  	v2 =	vld.idx.msk [tilespmem:v2+s16+$0x0], $0xffff  }
0x124: {  	v7 =	vor.u32 $0x5, v4  }
0x125: {  	v3 =	vld.idx.msk [tilespmem:v3+s16+$0x0], $0xffff  }
0x126: {  	v61 =	vor.u32 $0x6, v4;
	v1 =	vadd.f32 v1, v5  }
0x127: {  	v5 =	vld.idx.msk [tilespmem:v6+s16+$0x0], $0xffff  }
0x128: {  	v6 =	vor.u32 $0x7, v4;
	v1 =	vadd.f32 v2, v1  }
0x129: {  	v2 =	vld.idx.msk [tilespmem:v7+s16+$0x0], $0xffff  }
0x12a: {  	v7 =	vor.u32 $0x8, v4;
	v1 =	vadd.f32 v3, v1  }
0x12b: {  	v3 =	vld.idx.msk [tilespmem:v61+s16+$0x0], $0xffff  }
0x12c: {  	v62 =	vor.u32 $0x9, v4;
	v1 =	vadd.f32 v5, v1  }
0x12d: {  	v5 =	vld.idx.msk [tilespmem:v6+s16+$0x0], $0xffff  }
0x12e: {  	v6 =	vor.u32 $0xA, v4;
	v1 =	vadd.f32 v2, v1  }
0x12f: {  	v2 =	vld.idx.msk [tilespmem:v7+s16+$0x0], $0xffff  }
0x130: {  	v7 =	vor.u32 $0xB, v4;
	v1 =	vadd.f32 v3, v1  }
0x131: {  	v3 =	vld.idx.msk [tilespmem:v62+s16+$0x0], $0xffff  }
0x132: {  	v63 =	vor.u32 $0xC, v4;
	v1 =	vadd.f32 v5, v1  }
0x133: {  	v5 =	vld.idx.msk [tilespmem:v6+s16+$0x0], $0xffff  }
0x134: {  	v1 =	vadd.f32 v2, v1  }
0x135: {  	v6 =	vor.u32 $0xD, v4;
	v2 =	vld.idx.msk [tilespmem:v7+s16+$0x0], $0xffff  }
0x136: {  	v1 =	vadd.f32 v3, v1  }
0x137: {  	v7 =	vor.u32 $0xE, v4;
	v3 =	vld.idx.msk [tilespmem:v63+s16+$0x0], $0xffff  }
0x138: {  	v1 =	vadd.f32 v5, v1  }
0x139: {  	v4 =	vor.u32 $0xF, v4  }
0x13a: {  	v5 =	vld.idx.msk [tilespmem:v6+s16+$0x0], $0xffff;
	v1 =	vadd.f32 v2, v1;
	_ =	sdelay $0x1  }
0x13b: {  	v3 =	vadd.f32 v3, v1;
	v1 =	vld.idx.msk [tilespmem:v7+s16+$0x0], $0xffff  }
0x13c: {  	s31 =	simm.s32 $0x20  }
0x13d: {  	v6 =	vmov s31;
	v2 =	vld.idx.msk [tilespmem:v4+s16+$0x0], $0xffff  }
0x13e: {  	s1 =	simm.s32 $0x30;
	s0 =	smov.u32 s23;
	v4 =	vshll.u32 v6, $0x4;
	v3 =	vadd.f32 v5, v3  }
.LBB2_5:
0x13f: {  	p0 =	sne.s32 s1, $0x70;
	v4 =	vor.u32 v0, v4  }
0x140: {  	v5 =	vor.u32 $0x1, v4;
	v1 =	vadd.f32 v1, v3;
	_ =	sdelay $0x1  }
0x141: {  	v1 =	vadd.f32 v2, v1  }
0x142: {  	s0 =	sadd.s32 $0x10, s0;
	v2 =	vor.u32 $0x2, v4  }
0x143: {  	[tilespmem:s0+$0x0] =	vst v1  }
0x144: {  	v3 =	vor.u32 $0x3, v4;
	v1 =	vld.idx.msk [tilespmem:v5+s16+$0x0], $0xffff  }
0x145: {  	v5 =	vld.idx.msk [tilespmem:v4+s16+$0x0], $0xffff  }
0x146: {  	v6 =	vor.u32 $0x4, v4  }
0x147: {  	v2 =	vld.idx.msk [tilespmem:v2+s16+$0x0], $0xffff  }
0x148: {  	v7 =	vor.u32 $0x5, v4  }
0x149: {  	v3 =	vld.idx.msk [tilespmem:v3+s16+$0x0], $0xffff  }
0x14a: {  	v8 =	vor.u32 $0x6, v4  }
0x14b: {  	v1 =	vadd.f32 v1, v5;
	v5 =	vld.idx.msk [tilespmem:v6+s16+$0x0], $0xffff  }
0x14c: {  	v6 =	vor.u32 $0x7, v4  }
0x14d: {  	v1 =	vadd.f32 v2, v1;
	v2 =	vld.idx.msk [tilespmem:v7+s16+$0x0], $0xffff  }
0x14e: {  	v7 =	vor.u32 $0x8, v4  }
0x14f: {  	v1 =	vadd.f32 v3, v1;
	v3 =	vld.idx.msk [tilespmem:v8+s16+$0x0], $0xffff  }
0x150: {  	v8 =	vor.u32 $0x9, v4  }
0x151: {  	v1 =	vadd.f32 v5, v1;
	v5 =	vld.idx.msk [tilespmem:v6+s16+$0x0], $0xffff  }
0x152: {  	v6 =	vor.u32 $0xA, v4  }
0x153: {  	v1 =	vadd.f32 v2, v1;
	v2 =	vld.idx.msk [tilespmem:v7+s16+$0x0], $0xffff  }
0x154: {  	v7 =	vor.u32 $0xB, v4  }
0x155: {  	v1 =	vadd.f32 v3, v1;
	v3 =	vld.idx.msk [tilespmem:v8+s16+$0x0], $0xffff  }
0x156: {  	v8 =	vor.u32 $0xC, v4  }
0x157: {  	v1 =	vadd.f32 v5, v1;
	v5 =	vld.idx.msk [tilespmem:v6+s16+$0x0], $0xffff  }
0x158: {  	v6 =	vor.u32 $0xD, v4  }
0x159: {  	v1 =	vadd.f32 v2, v1;
	v2 =	vld.idx.msk [tilespmem:v7+s16+$0x0], $0xffff  }
0x15a: {  	v7 =	vor.u32 $0xE, v4  }
0x15b: {  	v1 =	vadd.f32 v3, v1;
	v3 =	vld.idx.msk [tilespmem:v8+s16+$0x0], $0xffff  }
0x15c: {  	v4 =	vor.u32 $0xF, v4  }
0x15d: {  	v1 =	vadd.f32 v5, v1;
	v5 =	vld.idx.msk [tilespmem:v6+s16+$0x0], $0xffff;
	_ =	sdelay $0x1  }
.Ltmp1:
0x15e: {  	v2 =	vadd.f32 v2, v1;
	v1 =	vld.idx.msk [tilespmem:v7+s16+$0x0], $0xffff;
	(pc) =	sbr.rel @p0 .LBB2_5-.Ltmp1, $4  }
0x15f: {  	_ = 	snop  }
0x160: {  	v3 =	vadd.f32 v3, v2;
	v2 =	vld.idx.msk [tilespmem:v4+s16+$0x0], $0xffff  }
0x161: {  	v4 =	vmov s1  }
0x162: {  	s1 =	sadd.s32 $0x10, s1;
	v4 =	vshll.u32 v4, $0x4;
	v3 =	vadd.f32 v5, v3  }
0x163: {  	v4 =	vor.u32 v0, v4  }
0x164: {  	v5 =	vor.u32 $0x1, v4;
	v1 =	vadd.f32 v1, v3;
	_ =	sdelay $0x1  }
0x165: {  	v1 =	vadd.f32 v2, v1  }
0x166: {  	s0 =	sadd.s32 $0x10, s0;
	v2 =	vor.u32 $0x2, v4  }
0x167: {  	[tilespmem:s0+$0x0] =	vst v1  }
0x168: {  	v3 =	vor.u32 $0x3, v4;
	v1 =	vld.idx.msk [tilespmem:v5+s16+$0x0], $0xffff  }
0x169: {  	v5 =	vld.idx.msk [tilespmem:v4+s16+$0x0], $0xffff  }
0x16a: {  	v6 =	vor.u32 $0x4, v4  }
0x16b: {  	v2 =	vld.idx.msk [tilespmem:v2+s16+$0x0], $0xffff  }
0x16c: {  	v7 =	vor.u32 $0x5, v4  }
0x16d: {  	v3 =	vld.idx.msk [tilespmem:v3+s16+$0x0], $0xffff  }
0x16e: {  	v8 =	vor.u32 $0x6, v4;
	v1 =	vadd.f32 v1, v5  }
0x16f: {  	v5 =	vld.idx.msk [tilespmem:v6+s16+$0x0], $0xffff  }
0x170: {  	v6 =	vor.u32 $0x7, v4;
	v1 =	vadd.f32 v2, v1  }
0x171: {  	v2 =	vld.idx.msk [tilespmem:v7+s16+$0x0], $0xffff  }
0x172: {  	v7 =	vor.u32 $0x8, v4;
	v1 =	vadd.f32 v3, v1  }
0x173: {  	v3 =	vld.idx.msk [tilespmem:v8+s16+$0x0], $0xffff  }
0x174: {  	v56 =	vor.u32 $0x9, v4;
	v1 =	vadd.f32 v5, v1  }
0x175: {  	v5 =	vld.idx.msk [tilespmem:v6+s16+$0x0], $0xffff  }
0x176: {  	v6 =	vor.u32 $0xA, v4;
	v1 =	vadd.f32 v2, v1  }
0x177: {  	v2 =	vld.idx.msk [tilespmem:v7+s16+$0x0], $0xffff  }
0x178: {  	v7 =	vor.u32 $0xB, v4;
	v1 =	vadd.f32 v3, v1  }
0x179: {  	v3 =	vld.idx.msk [tilespmem:v56+s16+$0x0], $0xffff  }
0x17a: {  	v57 =	vor.u32 $0xC, v4;
	v1 =	vadd.f32 v5, v1  }
0x17b: {  	v5 =	vld.idx.msk [tilespmem:v6+s16+$0x0], $0xffff  }
0x17c: {  	v6 =	vor.u32 $0xD, v4;
	v1 =	vadd.f32 v2, v1  }
0x17d: {  	v2 =	vld.idx.msk [tilespmem:v7+s16+$0x0], $0xffff  }
0x17e: {  	v7 =	vor.u32 $0xE, v4;
	v1 =	vadd.f32 v3, v1  }
0x17f: {  	v3 =	vld.idx.msk [tilespmem:v57+s16+$0x0], $0xffff  }
0x180: {  	v4 =	vor.u32 $0xF, v4;
	v1 =	vadd.f32 v5, v1  }
0x181: {  	v5 =	vld.idx.msk [tilespmem:v6+s16+$0x0], $0xffff  }
0x182: {  	v1 =	vadd.f32 v2, v1  }
0x183: {  	v2 =	vld.idx.msk [tilespmem:v7+s16+$0x0], $0xffff  }
0x184: {  	v1 =	vadd.f32 v3, v1  }
0x185: {  	v3 =	vld.idx.msk [tilespmem:v4+s16+$0x0], $0xffff  }
0x186: {  	v1 =	vadd.f32 v5, v1;
	_ =	sdelay $0x1  }
0x187: {  	v1 =	vadd.f32 v2, v1;
	_ =	sdelay $0x1  }
0x188: {  	v1 =	vadd.f32 v3, v1  }
0x189: {  	s0 =	sadd.s32 $0x10, s0  }
0x18a: {  	s26 =	sadd.s32 $0x100, s25;
	[tilespmem:s0+$0x0] =	vst v1  }
0x18b: {  	[tilespmem:s11], [sflag:$0x1] =	stream.indirect.gather [hbm4b:s3+s10], $0x80, s26, s10, $0xb8;
	[tilespmem:$0x18600] =	vst v63  }
0x18c: {  	s31 =	sadd.s32 $0x2B00, s25  }
0x18d: {  	[tilespmem:s12], [sflag:$0x1] =	stream.indirect.gather [hbm4b:s3+s10], $0x80, s31, s10, $0xb8;
	[tilespmem:$0x18600] =	vst v63  }
0x18e: {  	_ =	swait.ge [sflag:s17], $0x4000  }
0x18f: {  	[sflag:s17] =	ssyncset.done $0x0  }
0x190: {  	[sflag:s17] =	ssyncadd.s32 $0xFFFFC000  }
0x191: {  	_ =	swait.ge [sflag:s17], $0x4000  }
0x192: {  	[sflag:s17] =	ssyncset.done $0x0  }
0x193: {  	s26 =	simm.s32 $0xD600;
	[sflag:s17] =	ssyncadd.s32 $0xFFFFC000  }
0x194: {  	s28 =	simm.s32 $0x11640;
	v1 =	vld [tilespmem:s26+$0xFFFFFE00]  }
0x195: {  	v2 =	vld [tilespmem:s28+$0xFFFFFE10]  }
0x196: {  	v3 =	vld [tilespmem:s26+$0xFFFFFE10]  }
0x197: {  	v4 =	vld [tilespmem:s28+$0xFFFFFE00]  }
0x198: {  	v5 =	vld [tilespmem:s28+$0xFFFFFE20]  }
0x199: {  	v6 =	vld [tilespmem:s26+$0xFFFFFE20]  }
0x19a: {  	v7 =	vld [tilespmem:s28+$0xFFFFFE30]  }
0x19b: {  	v58 =	vld [tilespmem:s26+$0xFFFFFE30]  }
0x19c: {  	v2 =	vmul.f32 v2, v3;
	v1 =	vmul.f32 v4, v1;
	_ =	sdelay $0x1  }
0x19d: {  	v1 =	vadd.f32 v2, v1;
	v2 =	vmul.f32 v5, v6;
	_ =	sdelay $0x1  }
0x19e: {  	v1 =	vadd.f32 v2, v1;
	v2 =	vmul.f32 v7, v58;
	_ =	sdelay $0x1  }
0x19f: {  	v1 =	vadd.f32 v2, v1  }
0x1a0: {  	s25 =	simm.s32 $0x15440  }
0x1a1: {  	[tilespmem:s25+$0xFFFFFFC0] =	vst v1  }
0x1a2: {  	v1 =	vld [tilespmem:s28+$0xFFFFFE90]  }
0x1a3: {  	v2 =	vld [tilespmem:s26+$0xFFFFFE80]  }
0x1a4: {  	v3 =	vld [tilespmem:s26+$0xFFFFFE90]  }
0x1a5: {  	v4 =	vld [tilespmem:s28+$0xFFFFFE80]  }
0x1a6: {  	v5 =	vld [tilespmem:s28+$0xFFFFFEA0]  }
0x1a7: {  	v6 =	vld [tilespmem:s26+$0xFFFFFEA0]  }
0x1a8: {  	v7 =	vld [tilespmem:s28+$0xFFFFFEB0]  }
0x1a9: {  	v59 =	vld [tilespmem:s26+$0xFFFFFEB0]  }
0x1aa: {  	v1 =	vmul.f32 v1, v3;
	v2 =	vmul.f32 v4, v2;
	_ =	sdelay $0x1  }
0x1ab: {  	v1 =	vadd.f32 v1, v2;
	v2 =	vmul.f32 v5, v6;
	_ =	sdelay $0x1  }
0x1ac: {  	v1 =	vadd.f32 v2, v1;
	v2 =	vmul.f32 v7, v59;
	_ =	sdelay $0x1  }
0x1ad: {  	v1 =	vadd.f32 v2, v1;
	_ =	sdelay $0x1  }
0x1ae: {  	[tilespmem:s25+$0xFFFFFFD0] =	vst v1  }
0x1af: {  	v1 =	vld [tilespmem:s26+$0xFFFFFF00]  }
0x1b0: {  	v2 =	vld [tilespmem:s28+$0xFFFFFF00]  }
0x1b1: {  	v3 =	vld [tilespmem:s28+$0xFFFFFF10]  }
0x1b2: {  	v4 =	vld [tilespmem:s26+$0xFFFFFF10]  }
0x1b3: {  	v5 =	vld [tilespmem:s28+$0xFFFFFF20]  }
0x1b4: {  	v6 =	vld [tilespmem:s26+$0xFFFFFF20]  }
0x1b5: {  	v7 =	vld [tilespmem:s28+$0xFFFFFF30]  }
0x1b6: {  	v60 =	vld [tilespmem:s26+$0xFFFFFF30]  }
0x1b7: {  	v1 =	vmul.f32 v2, v1;
	v2 =	vmul.f32 v3, v4;
	_ =	sdelay $0x1  }
0x1b8: {  	v1 =	vadd.f32 v2, v1;
	v2 =	vmul.f32 v5, v6;
	_ =	sdelay $0x1  }
0x1b9: {  	v1 =	vadd.f32 v2, v1;
	v2 =	vmul.f32 v7, v60;
	_ =	sdelay $0x1  }
0x1ba: {  	v1 =	vadd.f32 v2, v1;
	_ =	sdelay $0x1  }
0x1bb: {  	[tilespmem:s25+$0xFFFFFFE0] =	vst v1  }
0x1bc: {  	v1 =	vld [tilespmem:s28+$0xFFFFFF80]  }
0x1bd: {  	v2 =	vld [tilespmem:s26+$0xFFFFFF80]  }
0x1be: {  	v3 =	vld [tilespmem:s26+$0xFFFFFF90]  }
0x1bf: {  	v4 =	vld [tilespmem:s28+$0xFFFFFF90]  }
0x1c0: {  	v5 =	vld [tilespmem:s26+$0xFFFFFFA0]  }
0x1c1: {  	v6 =	vld [tilespmem:s28+$0xFFFFFFA0]  }
0x1c2: {  	v7 =	vld [tilespmem:s28+$0xFFFFFFB0]  }
0x1c3: {  	v61 =	vld [tilespmem:s26+$0xFFFFFFB0]  }
0x1c4: {  	v1 =	vmul.f32 v1, v2;
	v2 =	vmul.f32 v4, v3;
	_ =	sdelay $0x1  }
0x1c5: {  	v1 =	vadd.f32 v2, v1;
	v2 =	vmul.f32 v6, v5;
	_ =	sdelay $0x1  }
0x1c6: {  	v1 =	vadd.f32 v2, v1;
	v2 =	vmul.f32 v7, v61;
	_ =	sdelay $0x1  }
0x1c7: {  	v1 =	vadd.f32 v2, v1;
	_ =	sdelay $0x1  }
0x1c8: {  	[tilespmem:s25+$0xFFFFFFF0] =	vst v1  }
0x1c9: {  	v1 =	vld [tilespmem:s28+$0x10]  }
0x1ca: {  	v2 =	vld [tilespmem:s26+$0x0]  }
0x1cb: {  	v3 =	vld [tilespmem:s28+$0x0]  }
0x1cc: {  	v4 =	vld [tilespmem:s26+$0x10]  }
0x1cd: {  	v5 =	vld [tilespmem:s28+$0x20]  }
0x1ce: {  	v6 =	vld [tilespmem:s26+$0x20]  }
0x1cf: {  	v7 =	vld [tilespmem:s28+$0x30]  }
0x1d0: {  	v62 =	vld [tilespmem:s26+$0x30]  }
0x1d1: {  	v2 =	vmul.f32 v3, v2;
	v1 =	vmul.f32 v1, v4;
	_ =	sdelay $0x1  }
0x1d2: {  	v1 =	vadd.f32 v1, v2;
	v2 =	vmul.f32 v5, v6;
	_ =	sdelay $0x1  }
0x1d3: {  	v1 =	vadd.f32 v2, v1;
	v2 =	vmul.f32 v7, v62;
	_ =	sdelay $0x1  }
0x1d4: {  	v1 =	vadd.f32 v2, v1;
	_ =	sdelay $0x1  }
0x1d5: {  	[tilespmem:s25+$0x0] =	vst v1  }
0x1d6: {  	v1 =	vld [tilespmem:s28+$0x90]  }
0x1d7: {  	v2 =	vld [tilespmem:s26+$0x80]  }
0x1d8: {  	v3 =	vld [tilespmem:s28+$0x80]  }
0x1d9: {  	v4 =	vld [tilespmem:s26+$0x90]  }
0x1da: {  	v5 =	vld [tilespmem:s26+$0xA0]  }
0x1db: {  	v6 =	vld [tilespmem:s28+$0xA0]  }
0x1dc: {  	v7 =	vld [tilespmem:s26+$0xB0]  }
0x1dd: {  	v63 =	vld [tilespmem:s28+$0xB0]  }
0x1de: {  	v2 =	vmul.f32 v3, v2;
	v1 =	vmul.f32 v1, v4;
	_ =	sdelay $0x1  }
0x1df: {  	v1 =	vadd.f32 v1, v2;
	v2 =	vmul.f32 v6, v5;
	_ =	sdelay $0x1  }
0x1e0: {  	v1 =	vadd.f32 v2, v1;
	v2 =	vmul.f32 v63, v7;
	_ =	sdelay $0x1  }
0x1e1: {  	v1 =	vadd.f32 v2, v1;
	_ =	sdelay $0x1  }
0x1e2: {  	[tilespmem:s25+$0x10] =	vst v1  }
0x1e3: {  	v1 =	vld [tilespmem:s28+$0x100]  }
0x1e4: {  	v2 =	vld [tilespmem:s26+$0x100]  }
0x1e5: {  	v3 =	vld [tilespmem:s28+$0x110]  }
0x1e6: {  	v4 =	vld [tilespmem:s26+$0x110]  }
0x1e7: {  	v5 =	vld [tilespmem:s26+$0x120]  }
0x1e8: {  	v6 =	vld [tilespmem:s28+$0x120]  }
0x1e9: {  	v7 =	vmul.f32 v1, v2;
	v1 =	vld [tilespmem:s26+$0x130]  }
0x1ea: {  	v2 =	vld [tilespmem:s28+$0x130]  }
0x1eb: {  	v3 =	vmul.f32 v3, v4  }
0x1ec: {  	s1 =	simm.s32 $0x0  }
0x1ed: {  	s29 =	simm.s32 $0xD600;
	s30 =	simm.s32 $0x11640;
	s0 =	simm.s32 $0x154C0;
	v4 =	vmul.f32 v6, v5;
	v3 =	vadd.f32 v3, v7  }
.LBB2_7:
0x1ee: {  	s1 =	sadd.s32 $0x8, s1;
	s28 =	sadd.s32 $0x400, s28;
	s26 =	sadd.s32 $0x400, s26  }
0x1ef: {  	v3 =	vadd.f32 v4, v3;
	v1 =	vmul.f32 v2, v1;
	p0 =	slt.u32 s1, $0x78;
	_ =	sdelay $0x1  }
0x1f0: {  	v1 =	vadd.f32 v1, v3;
	_ =	sdelay $0x1  }
0x1f1: {  	[tilespmem:s25+$0x20] =	vst v1  }
0x1f2: {  	v1 =	vld [tilespmem:s29+$0x1A0]  }
0x1f3: {  	v2 =	vld [tilespmem:s30+$0x1A0]  }
0x1f4: {  	v3 =	vld [tilespmem:s29+$0x180]  }
0x1f5: {  	v4 =	vld [tilespmem:s30+$0x190]  }
0x1f6: {  	v5 =	vld [tilespmem:s29+$0x190]  }
0x1f7: {  	v6 =	vld [tilespmem:s30+$0x180]  }
0x1f8: {  	v7 =	vld [tilespmem:s29+$0x1B0];
	s29 =	smov.u32 s26  }
0x1f9: {  	v8 =	vld [tilespmem:s30+$0x1B0];
	s30 =	smov.u32 s28;
	_ =	sdelay $0x1  }
0x1fa: {  	v1 =	vmul.f32 v2, v1;
	v4 =	vmul.f32 v4, v5  }
0x1fb: {  	v2 =	vmul.f32 v6, v3;
	_ =	sdelay $0x1  }
0x1fc: {  	v2 =	vadd.f32 v4, v2  }
0x1fd: {  	v3 =	vmul.f32 v8, v7  }
0x1fe: {  	v1 =	vadd.f32 v1, v2;
	_ =	sdelay $0x1  }
0x1ff: {  	v1 =	vadd.f32 v3, v1;
	_ =	sdelay $0x1  }
0x200: {  	[tilespmem:s25+$0x30] =	vst v1;
	s25 =	smov.u32 s0  }
0x201: {  	v1 =	vld [tilespmem:s26+$0xFFFFFE00]  }
0x202: {  	v2 =	vld [tilespmem:s28+$0xFFFFFE10]  }
0x203: {  	v3 =	vld [tilespmem:s26+$0xFFFFFE10]  }
0x204: {  	v4 =	vld [tilespmem:s28+$0xFFFFFE00]  }
0x205: {  	v5 =	vld [tilespmem:s28+$0xFFFFFE20]  }
0x206: {  	v6 =	vld [tilespmem:s26+$0xFFFFFE20]  }
0x207: {  	v7 =	vld [tilespmem:s28+$0xFFFFFE30]  }
0x208: {  	v2 =	vmul.f32 v2, v3;
	v3 =	vld [tilespmem:s26+$0xFFFFFE30]  }
0x209: {  	v1 =	vmul.f32 v4, v1;
	_ =	sdelay $0x1  }
0x20a: {  	v1 =	vadd.f32 v2, v1;
	v2 =	vmul.f32 v5, v6;
	_ =	sdelay $0x1  }
0x20b: {  	v1 =	vadd.f32 v2, v1;
	v2 =	vmul.f32 v7, v3;
	_ =	sdelay $0x1  }
0x20c: {  	v1 =	vadd.f32 v2, v1;
	_ =	sdelay $0x1  }
0x20d: {  	[tilespmem:s0+$0xFFFFFFC0] =	vst v1  }
0x20e: {  	v1 =	vld [tilespmem:s28+$0xFFFFFE90]  }
0x20f: {  	v2 =	vld [tilespmem:s26+$0xFFFFFE80]  }
0x210: {  	v3 =	vld [tilespmem:s26+$0xFFFFFE90]  }
0x211: {  	v4 =	vld [tilespmem:s28+$0xFFFFFE80]  }
0x212: {  	v5 =	vld [tilespmem:s28+$0xFFFFFEA0]  }
0x213: {  	v6 =	vld [tilespmem:s26+$0xFFFFFEA0]  }
0x214: {  	v7 =	vld [tilespmem:s28+$0xFFFFFEB0]  }
0x215: {  	v1 =	vmul.f32 v1, v3;
	v3 =	vld [tilespmem:s26+$0xFFFFFEB0]  }
0x216: {  	v2 =	vmul.f32 v4, v2;
	_ =	sdelay $0x1  }
0x217: {  	v1 =	vadd.f32 v1, v2;
	v2 =	vmul.f32 v5, v6;
	_ =	sdelay $0x1  }
0x218: {  	v1 =	vadd.f32 v2, v1;
	v2 =	vmul.f32 v7, v3;
	_ =	sdelay $0x1  }
0x219: {  	v1 =	vadd.f32 v2, v1;
	_ =	sdelay $0x1  }
0x21a: {  	[tilespmem:s0+$0xFFFFFFD0] =	vst v1  }
0x21b: {  	v1 =	vld [tilespmem:s26+$0xFFFFFF00]  }
0x21c: {  	v2 =	vld [tilespmem:s28+$0xFFFFFF00]  }
0x21d: {  	v3 =	vld [tilespmem:s28+$0xFFFFFF10]  }
0x21e: {  	v4 =	vld [tilespmem:s26+$0xFFFFFF10]  }
0x21f: {  	v5 =	vld [tilespmem:s28+$0xFFFFFF20]  }
0x220: {  	v6 =	vld [tilespmem:s26+$0xFFFFFF20]  }
0x221: {  	v1 =	vmul.f32 v2, v1;
	v2 =	vld [tilespmem:s28+$0xFFFFFF30]  }
0x222: {  	v7 =	vld [tilespmem:s26+$0xFFFFFF30]  }
0x223: {  	v3 =	vmul.f32 v3, v4;
	_ =	sdelay $0x1  }
0x224: {  	v1 =	vadd.f32 v3, v1;
	v3 =	vmul.f32 v5, v6;
	_ =	sdelay $0x1  }
0x225: {  	v1 =	vadd.f32 v3, v1;
	v2 =	vmul.f32 v2, v7;
	_ =	sdelay $0x1  }
0x226: {  	v1 =	vadd.f32 v2, v1;
	_ =	sdelay $0x1  }
0x227: {  	[tilespmem:s0+$0xFFFFFFE0] =	vst v1  }
0x228: {  	v1 =	vld [tilespmem:s28+$0xFFFFFF80]  }
0x229: {  	v2 =	vld [tilespmem:s26+$0xFFFFFF80]  }
0x22a: {  	v3 =	vld [tilespmem:s26+$0xFFFFFF90]  }
0x22b: {  	v4 =	vld [tilespmem:s28+$0xFFFFFF90]  }
0x22c: {  	v5 =	vld [tilespmem:s26+$0xFFFFFFA0]  }
0x22d: {  	v6 =	vld [tilespmem:s28+$0xFFFFFFA0]  }
0x22e: {  	v1 =	vmul.f32 v1, v2;
	v2 =	vld [tilespmem:s28+$0xFFFFFFB0]  }
0x22f: {  	v7 =	vld [tilespmem:s26+$0xFFFFFFB0]  }
0x230: {  	v3 =	vmul.f32 v4, v3;
	_ =	sdelay $0x1  }
0x231: {  	v1 =	vadd.f32 v3, v1;
	v3 =	vmul.f32 v6, v5;
	_ =	sdelay $0x1  }
0x232: {  	v1 =	vadd.f32 v3, v1;
	v2 =	vmul.f32 v2, v7;
	_ =	sdelay $0x1  }
0x233: {  	v1 =	vadd.f32 v2, v1;
	_ =	sdelay $0x1  }
0x234: {  	[tilespmem:s0+$0xFFFFFFF0] =	vst v1  }
0x235: {  	v1 =	vld [tilespmem:s28+$0x10]  }
0x236: {  	v2 =	vld [tilespmem:s26+$0x0]  }
0x237: {  	v3 =	vld [tilespmem:s28+$0x0]  }
0x238: {  	v4 =	vld [tilespmem:s26+$0x10]  }
0x239: {  	v5 =	vld [tilespmem:s28+$0x20]  }
0x23a: {  	v6 =	vld [tilespmem:s26+$0x20]  }
0x23b: {  	v7 =	vld [tilespmem:s28+$0x30]  }
0x23c: {  	v2 =	vmul.f32 v3, v2;
	v3 =	vld [tilespmem:s26+$0x30]  }
0x23d: {  	v1 =	vmul.f32 v1, v4;
	_ =	sdelay $0x1  }
0x23e: {  	v1 =	vadd.f32 v1, v2;
	v2 =	vmul.f32 v5, v6;
	_ =	sdelay $0x1  }
0x23f: {  	v1 =	vadd.f32 v2, v1;
	v2 =	vmul.f32 v7, v3;
	_ =	sdelay $0x1  }
0x240: {  	v1 =	vadd.f32 v2, v1;
	_ =	sdelay $0x1  }
0x241: {  	[tilespmem:s0+$0x0] =	vst v1  }
0x242: {  	v1 =	vld [tilespmem:s28+$0x90]  }
0x243: {  	v2 =	vld [tilespmem:s26+$0x80]  }
0x244: {  	v3 =	vld [tilespmem:s28+$0x80]  }
0x245: {  	v4 =	vld [tilespmem:s26+$0x90]  }
0x246: {  	v5 =	vld [tilespmem:s26+$0xA0]  }
0x247: {  	v6 =	vld [tilespmem:s28+$0xA0]  }
0x248: {  	v7 =	vld [tilespmem:s26+$0xB0]  }
0x249: {  	v2 =	vmul.f32 v3, v2;
	v3 =	vld [tilespmem:s28+$0xB0]  }
0x24a: {  	v1 =	vmul.f32 v1, v4;
	_ =	sdelay $0x1  }
0x24b: {  	v1 =	vadd.f32 v1, v2;
	v2 =	vmul.f32 v6, v5;
	_ =	sdelay $0x1  }
0x24c: {  	v1 =	vadd.f32 v2, v1;
	v2 =	vmul.f32 v3, v7;
	_ =	sdelay $0x1  }
0x24d: {  	v1 =	vadd.f32 v2, v1;
	_ =	sdelay $0x1  }
0x24e: {  	[tilespmem:s0+$0x10] =	vst v1  }
0x24f: {  	v1 =	vld [tilespmem:s28+$0x100]  }
0x250: {  	v2 =	vld [tilespmem:s26+$0x100]  }
0x251: {  	v3 =	vld [tilespmem:s28+$0x110]  }
0x252: {  	v4 =	vld [tilespmem:s26+$0x110]  }
0x253: {  	v5 =	vld [tilespmem:s26+$0x120]  }
0x254: {  	v6 =	vld [tilespmem:s28+$0x120]  }
0x255: {  	v7 =	vmul.f32 v1, v2;
	v1 =	vld [tilespmem:s26+$0x130]  }
.Ltmp2:
0x256: {  	v2 =	vld [tilespmem:s28+$0x130];
	(pc) =	sbr.rel @p0 .LBB2_7-.Ltmp2, $3  }
0x257: {  	v3 =	vmul.f32 v3, v4;
	_ =	sdelay $0x1  }
0x258: {  	v3 =	vadd.f32 v3, v7;
	v4 =	vmul.f32 v6, v5  }
0x259: {  	s18 =	simm.s32 $0x0;
	s0 =	sadd.s32 $0x80, s0  }
0x25a: {  	v3 =	vadd.f32 v4, v3;
	v1 =	vmul.f32 v2, v1;
	_ =	sdelay $0x1  }
0x25b: {  	v1 =	vadd.f32 v1, v3;
	_ =	sdelay $0x1  }
0x25c: {  	[tilespmem:s25+$0x20] =	vst v1  }
0x25d: {  	v1 =	vld [tilespmem:s29+$0x180]  }
0x25e: {  	v2 =	vld [tilespmem:s30+$0x190]  }
0x25f: {  	v3 =	vld [tilespmem:s29+$0x190]  }
0x260: {  	v4 =	vld [tilespmem:s30+$0x180]  }
0x261: {  	v5 =	vld [tilespmem:s29+$0x1A0]  }
0x262: {  	v6 =	vld [tilespmem:s30+$0x1A0]  }
0x263: {  	v7 =	vld [tilespmem:s29+$0x1B0]  }
0x264: {  	v8 =	vld [tilespmem:s30+$0x1B0]  }
0x265: {  	v2 =	vmul.f32 v2, v3;
	v1 =	vmul.f32 v4, v1  }
0x266: {  	v3 =	vmov s18  }
0x267: {  	v4 =	vmul.f32 v6, v5;
	v1 =	vadd.f32 v2, v1;
	v2 =	vshll.u32 v3, $0x4  }
0x268: {  	v2 =	vor.u32 v0, v2  }
0x269: {  	v3 =	vmul.f32 v8, v7;
	v1 =	vadd.f32 v4, v1;
	v4 =	vor.u32 $0x1, v2;
	_ =	sdelay $0x1  }
0x26a: {  	v1 =	vadd.f32 v3, v1  }
0x26b: {  	v3 =	vor.u32 $0x2, v2  }
0x26c: {  	[tilespmem:s25+$0x30] =	vst v1  }
0x26d: {  	v1 =	vld.idx.msk [tilespmem:v4+s16+$0x0], $0xffff;
	v4 =	vor.u32 $0x3, v2  }
0x26e: {  	v5 =	vld.idx.msk [tilespmem:v2+s16+$0x0], $0xffff  }
0x26f: {  	v6 =	vor.u32 $0x4, v2  }
0x270: {  	v3 =	vld.idx.msk [tilespmem:v3+s16+$0x0], $0xffff  }
0x271: {  	v7 =	vor.u32 $0x5, v2  }
0x272: {  	v4 =	vld.idx.msk [tilespmem:v4+s16+$0x0], $0xffff  }
0x273: {  	v58 =	vor.u32 $0x6, v2;
	v1 =	vadd.f32 v1, v5  }
0x274: {  	v5 =	vld.idx.msk [tilespmem:v6+s16+$0x0], $0xffff  }
0x275: {  	v6 =	vor.u32 $0x7, v2;
	v1 =	vadd.f32 v3, v1  }
0x276: {  	v3 =	vld.idx.msk [tilespmem:v7+s16+$0x0], $0xffff  }
0x277: {  	v7 =	vor.u32 $0x8, v2;
	v1 =	vadd.f32 v4, v1  }
0x278: {  	v4 =	vld.idx.msk [tilespmem:v58+s16+$0x0], $0xffff  }
0x279: {  	v59 =	vor.u32 $0x9, v2;
	v1 =	vadd.f32 v5, v1  }
0x27a: {  	v5 =	vld.idx.msk [tilespmem:v6+s16+$0x0], $0xffff  }
0x27b: {  	v6 =	vor.u32 $0xA, v2;
	v1 =	vadd.f32 v3, v1  }
0x27c: {  	v3 =	vld.idx.msk [tilespmem:v7+s16+$0x0], $0xffff  }
0x27d: {  	v7 =	vor.u32 $0xB, v2;
	v1 =	vadd.f32 v4, v1  }
0x27e: {  	v4 =	vld.idx.msk [tilespmem:v59+s16+$0x0], $0xffff  }
0x27f: {  	v60 =	vor.u32 $0xC, v2;
	v1 =	vadd.f32 v5, v1  }
0x280: {  	v5 =	vld.idx.msk [tilespmem:v6+s16+$0x0], $0xffff  }
0x281: {  	v6 =	vor.u32 $0xD, v2;
	v1 =	vadd.f32 v3, v1  }
0x282: {  	v3 =	vld.idx.msk [tilespmem:v7+s16+$0x0], $0xffff  }
0x283: {  	v7 =	vor.u32 $0xE, v2;
	v1 =	vadd.f32 v4, v1  }
0x284: {  	v4 =	vld.idx.msk [tilespmem:v60+s16+$0x0], $0xffff  }
0x285: {  	v2 =	vor.u32 $0xF, v2;
	v1 =	vadd.f32 v5, v1  }
0x286: {  	v5 =	vld.idx.msk [tilespmem:v6+s16+$0x0], $0xffff  }
0x287: {  	v1 =	vadd.f32 v3, v1  }
0x288: {  	v3 =	vld.idx.msk [tilespmem:v7+s16+$0x0], $0xffff  }
0x289: {  	s0 =	simm.s32 $0x10;
	v1 =	vadd.f32 v4, v1  }
0x28a: {  	v2 =	vld.idx.msk [tilespmem:v2+s16+$0x0], $0xffff;
	v4 =	vmov s0  }
0x28b: {  	v4 =	vshll.u32 v4, $0x4;
	v1 =	vadd.f32 v5, v1  }
0x28c: {  	v4 =	vor.u32 v0, v4  }
0x28d: {  	v5 =	vor.u32 $0x1, v4;
	v1 =	vadd.f32 v3, v1;
	_ =	sdelay $0x1  }
0x28e: {  	v1 =	vadd.f32 v2, v1  }
0x28f: {  	v2 =	vor.u32 $0x2, v4  }
0x290: {  	[tilespmem:s22+$0x0] =	vst v1  }
0x291: {  	v3 =	vor.u32 $0x3, v4;
	v1 =	vld.idx.msk [tilespmem:v5+s16+$0x0], $0xffff  }
0x292: {  	v5 =	vld.idx.msk [tilespmem:v4+s16+$0x0], $0xffff  }
0x293: {  	v6 =	vor.u32 $0x4, v4  }
0x294: {  	v2 =	vld.idx.msk [tilespmem:v2+s16+$0x0], $0xffff  }
0x295: {  	v7 =	vor.u32 $0x5, v4  }
0x296: {  	v3 =	vld.idx.msk [tilespmem:v3+s16+$0x0], $0xffff  }
0x297: {  	v61 =	vor.u32 $0x6, v4;
	v1 =	vadd.f32 v1, v5  }
0x298: {  	v5 =	vld.idx.msk [tilespmem:v6+s16+$0x0], $0xffff  }
0x299: {  	v6 =	vor.u32 $0x7, v4;
	v1 =	vadd.f32 v2, v1  }
0x29a: {  	v2 =	vld.idx.msk [tilespmem:v7+s16+$0x0], $0xffff  }
0x29b: {  	v7 =	vor.u32 $0x8, v4;
	v1 =	vadd.f32 v3, v1  }
0x29c: {  	v3 =	vld.idx.msk [tilespmem:v61+s16+$0x0], $0xffff  }
0x29d: {  	v62 =	vor.u32 $0x9, v4;
	v1 =	vadd.f32 v5, v1  }
0x29e: {  	v5 =	vld.idx.msk [tilespmem:v6+s16+$0x0], $0xffff  }
0x29f: {  	v6 =	vor.u32 $0xA, v4;
	v1 =	vadd.f32 v2, v1  }
0x2a0: {  	v2 =	vld.idx.msk [tilespmem:v7+s16+$0x0], $0xffff  }
0x2a1: {  	v7 =	vor.u32 $0xB, v4;
	v1 =	vadd.f32 v3, v1  }
0x2a2: {  	v3 =	vld.idx.msk [tilespmem:v62+s16+$0x0], $0xffff  }
0x2a3: {  	v63 =	vor.u32 $0xC, v4;
	v1 =	vadd.f32 v5, v1  }
0x2a4: {  	v5 =	vld.idx.msk [tilespmem:v6+s16+$0x0], $0xffff  }
0x2a5: {  	v1 =	vadd.f32 v2, v1  }
0x2a6: {  	v6 =	vor.u32 $0xD, v4;
	v2 =	vld.idx.msk [tilespmem:v7+s16+$0x0], $0xffff  }
0x2a7: {  	v1 =	vadd.f32 v3, v1  }
0x2a8: {  	v7 =	vor.u32 $0xE, v4;
	v3 =	vld.idx.msk [tilespmem:v63+s16+$0x0], $0xffff  }
0x2a9: {  	v1 =	vadd.f32 v5, v1  }
0x2aa: {  	v4 =	vor.u32 $0xF, v4  }
0x2ab: {  	v5 =	vld.idx.msk [tilespmem:v6+s16+$0x0], $0xffff;
	v1 =	vadd.f32 v2, v1;
	_ =	sdelay $0x1  }
0x2ac: {  	v3 =	vadd.f32 v3, v1;
	v1 =	vld.idx.msk [tilespmem:v7+s16+$0x0], $0xffff  }
0x2ad: {  	s31 =	simm.s32 $0x20  }
0x2ae: {  	v6 =	vmov s31;
	v2 =	vld.idx.msk [tilespmem:v4+s16+$0x0], $0xffff  }
0x2af: {  	s1 =	simm.s32 $0x30;
	s0 =	smov.u32 s22;
	v4 =	vshll.u32 v6, $0x4;
	v3 =	vadd.f32 v5, v3  }
.LBB2_9:
0x2b0: {  	p0 =	sne.s32 s1, $0x70;
	v4 =	vor.u32 v0, v4  }
0x2b1: {  	v5 =	vor.u32 $0x1, v4;
	v1 =	vadd.f32 v1, v3;
	_ =	sdelay $0x1  }
0x2b2: {  	v1 =	vadd.f32 v2, v1  }
0x2b3: {  	s0 =	sadd.s32 $0x10, s0;
	v2 =	vor.u32 $0x2, v4  }
0x2b4: {  	[tilespmem:s0+$0x0] =	vst v1  }
0x2b5: {  	v3 =	vor.u32 $0x3, v4;
	v1 =	vld.idx.msk [tilespmem:v5+s16+$0x0], $0xffff  }
0x2b6: {  	v5 =	vld.idx.msk [tilespmem:v4+s16+$0x0], $0xffff  }
0x2b7: {  	v6 =	vor.u32 $0x4, v4  }
0x2b8: {  	v2 =	vld.idx.msk [tilespmem:v2+s16+$0x0], $0xffff  }
0x2b9: {  	v7 =	vor.u32 $0x5, v4  }
0x2ba: {  	v3 =	vld.idx.msk [tilespmem:v3+s16+$0x0], $0xffff  }
0x2bb: {  	v8 =	vor.u32 $0x6, v4  }
0x2bc: {  	v1 =	vadd.f32 v1, v5;
	v5 =	vld.idx.msk [tilespmem:v6+s16+$0x0], $0xffff  }
0x2bd: {  	v6 =	vor.u32 $0x7, v4  }
0x2be: {  	v1 =	vadd.f32 v2, v1;
	v2 =	vld.idx.msk [tilespmem:v7+s16+$0x0], $0xffff  }
0x2bf: {  	v7 =	vor.u32 $0x8, v4  }
0x2c0: {  	v1 =	vadd.f32 v3, v1;
	v3 =	vld.idx.msk [tilespmem:v8+s16+$0x0], $0xffff  }
0x2c1: {  	v8 =	vor.u32 $0x9, v4  }
0x2c2: {  	v1 =	vadd.f32 v5, v1;
	v5 =	vld.idx.msk [tilespmem:v6+s16+$0x0], $0xffff  }
0x2c3: {  	v6 =	vor.u32 $0xA, v4  }
0x2c4: {  	v1 =	vadd.f32 v2, v1;
	v2 =	vld.idx.msk [tilespmem:v7+s16+$0x0], $0xffff  }
0x2c5: {  	v7 =	vor.u32 $0xB, v4  }
0x2c6: {  	v1 =	vadd.f32 v3, v1;
	v3 =	vld.idx.msk [tilespmem:v8+s16+$0x0], $0xffff  }
0x2c7: {  	v8 =	vor.u32 $0xC, v4  }
0x2c8: {  	v1 =	vadd.f32 v5, v1;
	v5 =	vld.idx.msk [tilespmem:v6+s16+$0x0], $0xffff  }
0x2c9: {  	v6 =	vor.u32 $0xD, v4  }
0x2ca: {  	v1 =	vadd.f32 v2, v1;
	v2 =	vld.idx.msk [tilespmem:v7+s16+$0x0], $0xffff  }
0x2cb: {  	v7 =	vor.u32 $0xE, v4  }
0x2cc: {  	v1 =	vadd.f32 v3, v1;
	v3 =	vld.idx.msk [tilespmem:v8+s16+$0x0], $0xffff  }
0x2cd: {  	v4 =	vor.u32 $0xF, v4  }
0x2ce: {  	v1 =	vadd.f32 v5, v1;
	v5 =	vld.idx.msk [tilespmem:v6+s16+$0x0], $0xffff;
	_ =	sdelay $0x1  }
.Ltmp3:
0x2cf: {  	v2 =	vadd.f32 v2, v1;
	v1 =	vld.idx.msk [tilespmem:v7+s16+$0x0], $0xffff;
	(pc) =	sbr.rel @p0 .LBB2_9-.Ltmp3, $4  }
0x2d0: {  	_ = 	snop  }
0x2d1: {  	v3 =	vadd.f32 v3, v2;
	v2 =	vld.idx.msk [tilespmem:v4+s16+$0x0], $0xffff  }
0x2d2: {  	v4 =	vmov s1  }
0x2d3: {  	s1 =	sadd.s32 $0x10, s1;
	v4 =	vshll.u32 v4, $0x4;
	v3 =	vadd.f32 v5, v3  }
0x2d4: {  	v4 =	vor.u32 v0, v4  }
0x2d5: {  	v5 =	vor.u32 $0x1, v4;
	v1 =	vadd.f32 v1, v3;
	_ =	sdelay $0x1  }
0x2d6: {  	v1 =	vadd.f32 v2, v1  }
0x2d7: {  	s0 =	sadd.s32 $0x10, s0;
	v2 =	vor.u32 $0x2, v4  }
0x2d8: {  	[tilespmem:s0+$0x0] =	vst v1  }
0x2d9: {  	v3 =	vor.u32 $0x3, v4;
	v1 =	vld.idx.msk [tilespmem:v5+s16+$0x0], $0xffff  }
0x2da: {  	v51 =	vld.idx.msk [tilespmem:v4+s16+$0x0], $0xffff  }
0x2db: {  	v6 =	vor.u32 $0x4, v4  }
0x2dc: {  	v2 =	vld.idx.msk [tilespmem:v2+s16+$0x0], $0xffff  }
0x2dd: {  	v7 =	vor.u32 $0x5, v4  }
0x2de: {  	v3 =	vld.idx.msk [tilespmem:v3+s16+$0x0], $0xffff  }
0x2df: {  	v8 =	vor.u32 $0x6, v4;
	v1 =	vadd.f32 v1, v51  }
0x2e0: {  	v52 =	vld.idx.msk [tilespmem:v6+s16+$0x0], $0xffff  }
0x2e1: {  	v53 =	vor.u32 $0x7, v4;
	v1 =	vadd.f32 v2, v1  }
0x2e2: {  	v2 =	vld.idx.msk [tilespmem:v7+s16+$0x0], $0xffff  }
0x2e3: {  	v54 =	vor.u32 $0x8, v4;
	v1 =	vadd.f32 v3, v1  }
0x2e4: {  	v3 =	vld.idx.msk [tilespmem:v8+s16+$0x0], $0xffff  }
0x2e5: {  	v55 =	vor.u32 $0x9, v4;
	v1 =	vadd.f32 v52, v1  }
0x2e6: {  	v56 =	vld.idx.msk [tilespmem:v53+s16+$0x0], $0xffff  }
0x2e7: {  	v57 =	vor.u32 $0xA, v4;
	v1 =	vadd.f32 v2, v1  }
0x2e8: {  	v2 =	vld.idx.msk [tilespmem:v54+s16+$0x0], $0xffff  }
0x2e9: {  	v58 =	vor.u32 $0xB, v4;
	v1 =	vadd.f32 v3, v1  }
0x2ea: {  	v3 =	vld.idx.msk [tilespmem:v55+s16+$0x0], $0xffff  }
0x2eb: {  	v59 =	vor.u32 $0xC, v4;
	v1 =	vadd.f32 v56, v1  }
0x2ec: {  	v60 =	vld.idx.msk [tilespmem:v57+s16+$0x0], $0xffff  }
0x2ed: {  	v61 =	vor.u32 $0xD, v4;
	v1 =	vadd.f32 v2, v1  }
0x2ee: {  	v2 =	vld.idx.msk [tilespmem:v58+s16+$0x0], $0xffff  }
0x2ef: {  	v62 =	vor.u32 $0xE, v4;
	v1 =	vadd.f32 v3, v1  }
0x2f0: {  	v3 =	vld.idx.msk [tilespmem:v59+s16+$0x0], $0xffff  }
0x2f1: {  	v4 =	vor.u32 $0xF, v4;
	v1 =	vadd.f32 v60, v1  }
0x2f2: {  	v63 =	vld.idx.msk [tilespmem:v61+s16+$0x0], $0xffff  }
0x2f3: {  	v1 =	vadd.f32 v2, v1  }
0x2f4: {  	v2 =	vld.idx.msk [tilespmem:v62+s16+$0x0], $0xffff  }
0x2f5: {  	v1 =	vadd.f32 v3, v1  }
0x2f6: {  	v3 =	vld.idx.msk [tilespmem:v4+s16+$0x0], $0xffff  }
0x2f7: {  	s24 =	sadd.s32 $0x1, s24;
	v1 =	vadd.f32 v63, v1  }
0x2f8: {  	p0 =	sne.s32 s24, $0x29  }
.Ltmp4:
0x2f9: {  	v1 =	vadd.f32 v2, v1;
	(pc) =	sbr.rel @p0 .LBB2_2-.Ltmp4, $4  }
0x2fa: {  	_ = 	snop  }
0x2fb: {  	v1 =	vadd.f32 v3, v1  }
0x2fc: {  	s0 =	sadd.s32 $0x10, s0  }
0x2fd: {  	s23 =	sadd.s32 $0x100, s23;
	s22 =	sadd.s32 $0x100, s22;
	[tilespmem:s0+$0x0] =	vst v1  }
0x2fe: {  	s0 =	simm.s32 $0x2980  }
0x2ff: {  	[tilespmem:s13], [sflag:$0x2] =	stream.indirect.gather [hbm4b:s3+s10], $0x80, s0, s10, $0xb8;
	[tilespmem:$0x18600] =	vst v63  }
0x300: {  	_ = 	snop  }
0x301: {  	[tilespmem:s14], [sflag:$0x2] =	stream.indirect.gather [hbm4b:s3+s10], $0x80, s19, s10, $0xb8;
	[tilespmem:$0x18600] =	vst v63  }
0x302: {  	_ =	swait.ge [sflag:s15], $0x4000  }
0x303: {  	[sflag:s15] =	ssyncset.done $0x0  }
0x304: {  	[sflag:s15] =	ssyncadd.s32 $0xFFFFC000  }
0x305: {  	_ =	swait.ge [sflag:s15], $0x4000  }
0x306: {  	[sflag:s15] =	ssyncset.done $0x0  }
0x307: {  	s24 =	simm.s32 $0x5600;
	[sflag:s15] =	ssyncadd.s32 $0xFFFFC000  }
0x308: {  	s25 =	simm.s32 $0x9640;
	v1 =	vld [tilespmem:s24+$0xFFFFFE00]  }
0x309: {  	v2 =	vld [tilespmem:s25+$0xFFFFFE10]  }
0x30a: {  	v3 =	vld [tilespmem:s24+$0xFFFFFE10]  }
0x30b: {  	v4 =	vld [tilespmem:s25+$0xFFFFFE00]  }
0x30c: {  	v5 =	vld [tilespmem:s25+$0xFFFFFE20]  }
0x30d: {  	v6 =	vld [tilespmem:s24+$0xFFFFFE20]  }
0x30e: {  	v7 =	vld [tilespmem:s25+$0xFFFFFE30]  }
0x30f: {  	v8 =	vld [tilespmem:s24+$0xFFFFFE30]  }
0x310: {  	v2 =	vmul.f32 v2, v3;
	v1 =	vmul.f32 v4, v1;
	_ =	sdelay $0x1  }
0x311: {  	v1 =	vadd.f32 v2, v1;
	v2 =	vmul.f32 v5, v6;
	_ =	sdelay $0x1  }
0x312: {  	v1 =	vadd.f32 v2, v1;
	v2 =	vmul.f32 v7, v8;
	_ =	sdelay $0x1  }
0x313: {  	v1 =	vadd.f32 v2, v1  }
0x314: {  	s23 =	simm.s32 $0x15440  }
0x315: {  	[tilespmem:s23+$0xFFFFFFC0] =	vst v1  }
0x316: {  	v1 =	vld [tilespmem:s25+$0xFFFFFE90]  }
0x317: {  	v2 =	vld [tilespmem:s24+$0xFFFFFE80]  }
0x318: {  	v3 =	vld [tilespmem:s24+$0xFFFFFE90]  }
0x319: {  	v4 =	vld [tilespmem:s25+$0xFFFFFE80]  }
0x31a: {  	v5 =	vld [tilespmem:s25+$0xFFFFFEA0]  }
0x31b: {  	v6 =	vld [tilespmem:s24+$0xFFFFFEA0]  }
0x31c: {  	v7 =	vld [tilespmem:s25+$0xFFFFFEB0]  }
0x31d: {  	v59 =	vld [tilespmem:s24+$0xFFFFFEB0]  }
0x31e: {  	v1 =	vmul.f32 v1, v3;
	v2 =	vmul.f32 v4, v2;
	_ =	sdelay $0x1  }
0x31f: {  	v1 =	vadd.f32 v1, v2;
	v2 =	vmul.f32 v5, v6;
	_ =	sdelay $0x1  }
0x320: {  	v1 =	vadd.f32 v2, v1;
	v2 =	vmul.f32 v7, v59;
	_ =	sdelay $0x1  }
0x321: {  	v1 =	vadd.f32 v2, v1;
	_ =	sdelay $0x1  }
0x322: {  	[tilespmem:s23+$0xFFFFFFD0] =	vst v1  }
0x323: {  	v1 =	vld [tilespmem:s24+$0xFFFFFF00]  }
0x324: {  	v2 =	vld [tilespmem:s25+$0xFFFFFF00]  }
0x325: {  	v3 =	vld [tilespmem:s25+$0xFFFFFF10]  }
0x326: {  	v4 =	vld [tilespmem:s24+$0xFFFFFF10]  }
0x327: {  	v5 =	vld [tilespmem:s25+$0xFFFFFF20]  }
0x328: {  	v6 =	vld [tilespmem:s24+$0xFFFFFF20]  }
0x329: {  	v7 =	vld [tilespmem:s25+$0xFFFFFF30]  }
0x32a: {  	v60 =	vld [tilespmem:s24+$0xFFFFFF30]  }
0x32b: {  	v1 =	vmul.f32 v2, v1;
	v2 =	vmul.f32 v3, v4;
	_ =	sdelay $0x1  }
0x32c: {  	v1 =	vadd.f32 v2, v1;
	v2 =	vmul.f32 v5, v6;
	_ =	sdelay $0x1  }
0x32d: {  	v1 =	vadd.f32 v2, v1;
	v2 =	vmul.f32 v7, v60;
	_ =	sdelay $0x1  }
0x32e: {  	v1 =	vadd.f32 v2, v1;
	_ =	sdelay $0x1  }
0x32f: {  	[tilespmem:s23+$0xFFFFFFE0] =	vst v1  }
0x330: {  	v1 =	vld [tilespmem:s25+$0xFFFFFF80]  }
0x331: {  	v2 =	vld [tilespmem:s24+$0xFFFFFF80]  }
0x332: {  	v3 =	vld [tilespmem:s24+$0xFFFFFF90]  }
0x333: {  	v4 =	vld [tilespmem:s25+$0xFFFFFF90]  }
0x334: {  	v5 =	vld [tilespmem:s24+$0xFFFFFFA0]  }
0x335: {  	v6 =	vld [tilespmem:s25+$0xFFFFFFA0]  }
0x336: {  	v7 =	vld [tilespmem:s25+$0xFFFFFFB0]  }
0x337: {  	v61 =	vld [tilespmem:s24+$0xFFFFFFB0]  }
0x338: {  	v1 =	vmul.f32 v1, v2;
	v2 =	vmul.f32 v4, v3;
	_ =	sdelay $0x1  }
0x339: {  	v1 =	vadd.f32 v2, v1;
	v2 =	vmul.f32 v6, v5;
	_ =	sdelay $0x1  }
0x33a: {  	v1 =	vadd.f32 v2, v1;
	v2 =	vmul.f32 v7, v61;
	_ =	sdelay $0x1  }
0x33b: {  	v1 =	vadd.f32 v2, v1;
	_ =	sdelay $0x1  }
0x33c: {  	[tilespmem:s23+$0xFFFFFFF0] =	vst v1  }
0x33d: {  	v1 =	vld [tilespmem:s25+$0x10]  }
0x33e: {  	v2 =	vld [tilespmem:s24+$0x0]  }
0x33f: {  	v3 =	vld [tilespmem:s25+$0x0]  }
0x340: {  	v4 =	vld [tilespmem:s24+$0x10]  }
0x341: {  	v5 =	vld [tilespmem:s25+$0x20]  }
0x342: {  	v6 =	vld [tilespmem:s24+$0x20]  }
0x343: {  	v7 =	vld [tilespmem:s25+$0x30]  }
0x344: {  	v62 =	vld [tilespmem:s24+$0x30]  }
0x345: {  	v2 =	vmul.f32 v3, v2;
	v1 =	vmul.f32 v1, v4;
	_ =	sdelay $0x1  }
0x346: {  	v1 =	vadd.f32 v1, v2;
	v2 =	vmul.f32 v5, v6;
	_ =	sdelay $0x1  }
0x347: {  	v1 =	vadd.f32 v2, v1;
	v2 =	vmul.f32 v7, v62;
	_ =	sdelay $0x1  }
0x348: {  	v1 =	vadd.f32 v2, v1;
	_ =	sdelay $0x1  }
0x349: {  	[tilespmem:s23+$0x0] =	vst v1  }
0x34a: {  	v1 =	vld [tilespmem:s25+$0x90]  }
0x34b: {  	v2 =	vld [tilespmem:s24+$0x80]  }
0x34c: {  	v3 =	vld [tilespmem:s25+$0x80]  }
0x34d: {  	v4 =	vld [tilespmem:s24+$0x90]  }
0x34e: {  	v5 =	vld [tilespmem:s24+$0xA0]  }
0x34f: {  	v6 =	vld [tilespmem:s25+$0xA0]  }
0x350: {  	v7 =	vld [tilespmem:s24+$0xB0]  }
0x351: {  	v63 =	vld [tilespmem:s25+$0xB0]  }
0x352: {  	v2 =	vmul.f32 v3, v2;
	v1 =	vmul.f32 v1, v4;
	_ =	sdelay $0x1  }
0x353: {  	v1 =	vadd.f32 v1, v2;
	v2 =	vmul.f32 v6, v5;
	_ =	sdelay $0x1  }
0x354: {  	v1 =	vadd.f32 v2, v1;
	v2 =	vmul.f32 v63, v7;
	_ =	sdelay $0x1  }
0x355: {  	v1 =	vadd.f32 v2, v1;
	_ =	sdelay $0x1  }
0x356: {  	[tilespmem:s23+$0x10] =	vst v1  }
0x357: {  	v1 =	vld [tilespmem:s25+$0x100]  }
0x358: {  	v2 =	vld [tilespmem:s24+$0x100]  }
0x359: {  	v3 =	vld [tilespmem:s25+$0x110]  }
0x35a: {  	v4 =	vld [tilespmem:s24+$0x110]  }
0x35b: {  	v5 =	vld [tilespmem:s24+$0x120]  }
0x35c: {  	v6 =	vld [tilespmem:s25+$0x120]  }
0x35d: {  	v7 =	vmul.f32 v1, v2;
	v1 =	vld [tilespmem:s24+$0x130]  }
0x35e: {  	v2 =	vld [tilespmem:s25+$0x130]  }
0x35f: {  	v3 =	vmul.f32 v3, v4  }
0x360: {  	s29 =	simm.s32 $0x0;
	s1 =	simm.s32 $0x154C0  }
0x361: {  	s22 =	simm.s32 $0x18500;
	s26 =	simm.s32 $0x5600;
	s28 =	simm.s32 $0x9640;
	v4 =	vmul.f32 v6, v5;
	v3 =	vadd.f32 v3, v7  }
.LBB2_12:
0x362: {  	s29 =	sadd.s32 $0x8, s29;
	s25 =	sadd.s32 $0x400, s25;
	s24 =	sadd.s32 $0x400, s24  }
0x363: {  	v3 =	vadd.f32 v4, v3;
	v1 =	vmul.f32 v2, v1;
	p0 =	slt.u32 s29, $0x78;
	_ =	sdelay $0x1  }
0x364: {  	v1 =	vadd.f32 v1, v3;
	_ =	sdelay $0x1  }
0x365: {  	[tilespmem:s23+$0x20] =	vst v1  }
0x366: {  	v1 =	vld [tilespmem:s26+$0x1A0]  }
0x367: {  	v2 =	vld [tilespmem:s28+$0x1A0]  }
0x368: {  	v3 =	vld [tilespmem:s26+$0x180]  }
0x369: {  	v4 =	vld [tilespmem:s28+$0x190]  }
0x36a: {  	v5 =	vld [tilespmem:s26+$0x190]  }
0x36b: {  	v6 =	vld [tilespmem:s28+$0x180]  }
0x36c: {  	v7 =	vld [tilespmem:s26+$0x1B0];
	s26 =	smov.u32 s24  }
0x36d: {  	v8 =	vld [tilespmem:s28+$0x1B0];
	s28 =	smov.u32 s25;
	_ =	sdelay $0x1  }
0x36e: {  	v1 =	vmul.f32 v2, v1;
	v4 =	vmul.f32 v4, v5  }
0x36f: {  	v2 =	vmul.f32 v6, v3;
	_ =	sdelay $0x1  }
0x370: {  	v2 =	vadd.f32 v4, v2;
	v3 =	vmul.f32 v8, v7;
	_ =	sdelay $0x1  }
0x371: {  	v1 =	vadd.f32 v1, v2;
	_ =	sdelay $0x1  }
0x372: {  	v1 =	vadd.f32 v3, v1;
	_ =	sdelay $0x1  }
0x373: {  	[tilespmem:s23+$0x30] =	vst v1;
	s23 =	smov.u32 s1  }
0x374: {  	v1 =	vld [tilespmem:s24+$0xFFFFFE00]  }
0x375: {  	v2 =	vld [tilespmem:s25+$0xFFFFFE10]  }
0x376: {  	v3 =	vld [tilespmem:s24+$0xFFFFFE10]  }
0x377: {  	v4 =	vld [tilespmem:s25+$0xFFFFFE00]  }
0x378: {  	v5 =	vld [tilespmem:s25+$0xFFFFFE20]  }
0x379: {  	v6 =	vld [tilespmem:s24+$0xFFFFFE20]  }
0x37a: {  	v7 =	vld [tilespmem:s25+$0xFFFFFE30]  }
0x37b: {  	v2 =	vmul.f32 v2, v3;
	v3 =	vld [tilespmem:s24+$0xFFFFFE30]  }
0x37c: {  	v1 =	vmul.f32 v4, v1;
	_ =	sdelay $0x1  }
0x37d: {  	v1 =	vadd.f32 v2, v1;
	v2 =	vmul.f32 v5, v6;
	_ =	sdelay $0x1  }
0x37e: {  	v1 =	vadd.f32 v2, v1;
	v2 =	vmul.f32 v7, v3;
	_ =	sdelay $0x1  }
0x37f: {  	v1 =	vadd.f32 v2, v1;
	_ =	sdelay $0x1  }
0x380: {  	[tilespmem:s1+$0xFFFFFFC0] =	vst v1  }
0x381: {  	v1 =	vld [tilespmem:s25+$0xFFFFFE90]  }
0x382: {  	v2 =	vld [tilespmem:s24+$0xFFFFFE80]  }
0x383: {  	v3 =	vld [tilespmem:s24+$0xFFFFFE90]  }
0x384: {  	v4 =	vld [tilespmem:s25+$0xFFFFFE80]  }
0x385: {  	v5 =	vld [tilespmem:s25+$0xFFFFFEA0]  }
0x386: {  	v6 =	vld [tilespmem:s24+$0xFFFFFEA0]  }
0x387: {  	v7 =	vld [tilespmem:s25+$0xFFFFFEB0]  }
0x388: {  	v1 =	vmul.f32 v1, v3;
	v3 =	vld [tilespmem:s24+$0xFFFFFEB0]  }
0x389: {  	v2 =	vmul.f32 v4, v2;
	_ =	sdelay $0x1  }
0x38a: {  	v1 =	vadd.f32 v1, v2;
	v2 =	vmul.f32 v5, v6;
	_ =	sdelay $0x1  }
0x38b: {  	v1 =	vadd.f32 v2, v1;
	v2 =	vmul.f32 v7, v3;
	_ =	sdelay $0x1  }
0x38c: {  	v1 =	vadd.f32 v2, v1;
	_ =	sdelay $0x1  }
0x38d: {  	[tilespmem:s1+$0xFFFFFFD0] =	vst v1  }
0x38e: {  	v1 =	vld [tilespmem:s24+$0xFFFFFF00]  }
0x38f: {  	v2 =	vld [tilespmem:s25+$0xFFFFFF00]  }
0x390: {  	v3 =	vld [tilespmem:s25+$0xFFFFFF10]  }
0x391: {  	v4 =	vld [tilespmem:s24+$0xFFFFFF10]  }
0x392: {  	v5 =	vld [tilespmem:s25+$0xFFFFFF20]  }
0x393: {  	v6 =	vld [tilespmem:s24+$0xFFFFFF20]  }
0x394: {  	v1 =	vmul.f32 v2, v1;
	v2 =	vld [tilespmem:s25+$0xFFFFFF30]  }
0x395: {  	v7 =	vld [tilespmem:s24+$0xFFFFFF30]  }
0x396: {  	v3 =	vmul.f32 v3, v4;
	_ =	sdelay $0x1  }
0x397: {  	v1 =	vadd.f32 v3, v1;
	v3 =	vmul.f32 v5, v6;
	_ =	sdelay $0x1  }
0x398: {  	v1 =	vadd.f32 v3, v1;
	v2 =	vmul.f32 v2, v7;
	_ =	sdelay $0x1  }
0x399: {  	v1 =	vadd.f32 v2, v1;
	_ =	sdelay $0x1  }
0x39a: {  	[tilespmem:s1+$0xFFFFFFE0] =	vst v1  }
0x39b: {  	v1 =	vld [tilespmem:s25+$0xFFFFFF80]  }
0x39c: {  	v2 =	vld [tilespmem:s24+$0xFFFFFF80]  }
0x39d: {  	v3 =	vld [tilespmem:s24+$0xFFFFFF90]  }
0x39e: {  	v4 =	vld [tilespmem:s25+$0xFFFFFF90]  }
0x39f: {  	v5 =	vld [tilespmem:s24+$0xFFFFFFA0]  }
0x3a0: {  	v6 =	vld [tilespmem:s25+$0xFFFFFFA0]  }
0x3a1: {  	v1 =	vmul.f32 v1, v2;
	v2 =	vld [tilespmem:s25+$0xFFFFFFB0]  }
0x3a2: {  	v7 =	vld [tilespmem:s24+$0xFFFFFFB0]  }
0x3a3: {  	v3 =	vmul.f32 v4, v3;
	_ =	sdelay $0x1  }
0x3a4: {  	v1 =	vadd.f32 v3, v1;
	v3 =	vmul.f32 v6, v5;
	_ =	sdelay $0x1  }
0x3a5: {  	v1 =	vadd.f32 v3, v1;
	v2 =	vmul.f32 v2, v7;
	_ =	sdelay $0x1  }
0x3a6: {  	v1 =	vadd.f32 v2, v1;
	_ =	sdelay $0x1  }
0x3a7: {  	[tilespmem:s1+$0xFFFFFFF0] =	vst v1  }
0x3a8: {  	v1 =	vld [tilespmem:s25+$0x10]  }
0x3a9: {  	v2 =	vld [tilespmem:s24+$0x0]  }
0x3aa: {  	v3 =	vld [tilespmem:s25+$0x0]  }
0x3ab: {  	v4 =	vld [tilespmem:s24+$0x10]  }
0x3ac: {  	v5 =	vld [tilespmem:s25+$0x20]  }
0x3ad: {  	v6 =	vld [tilespmem:s24+$0x20]  }
0x3ae: {  	v7 =	vld [tilespmem:s25+$0x30]  }
0x3af: {  	v2 =	vmul.f32 v3, v2;
	v3 =	vld [tilespmem:s24+$0x30]  }
0x3b0: {  	v1 =	vmul.f32 v1, v4;
	_ =	sdelay $0x1  }
0x3b1: {  	v1 =	vadd.f32 v1, v2;
	v2 =	vmul.f32 v5, v6;
	_ =	sdelay $0x1  }
0x3b2: {  	v1 =	vadd.f32 v2, v1;
	v2 =	vmul.f32 v7, v3;
	_ =	sdelay $0x1  }
0x3b3: {  	v1 =	vadd.f32 v2, v1;
	_ =	sdelay $0x1  }
0x3b4: {  	[tilespmem:s1+$0x0] =	vst v1  }
0x3b5: {  	v1 =	vld [tilespmem:s25+$0x90]  }
0x3b6: {  	v2 =	vld [tilespmem:s24+$0x80]  }
0x3b7: {  	v3 =	vld [tilespmem:s25+$0x80]  }
0x3b8: {  	v4 =	vld [tilespmem:s24+$0x90]  }
0x3b9: {  	v5 =	vld [tilespmem:s24+$0xA0]  }
0x3ba: {  	v6 =	vld [tilespmem:s25+$0xA0]  }
0x3bb: {  	v7 =	vld [tilespmem:s24+$0xB0]  }
0x3bc: {  	v2 =	vmul.f32 v3, v2;
	v3 =	vld [tilespmem:s25+$0xB0]  }
0x3bd: {  	v1 =	vmul.f32 v1, v4;
	_ =	sdelay $0x1  }
0x3be: {  	v1 =	vadd.f32 v1, v2;
	v2 =	vmul.f32 v6, v5;
	_ =	sdelay $0x1  }
0x3bf: {  	v1 =	vadd.f32 v2, v1;
	v2 =	vmul.f32 v3, v7;
	_ =	sdelay $0x1  }
0x3c0: {  	v1 =	vadd.f32 v2, v1;
	_ =	sdelay $0x1  }
0x3c1: {  	[tilespmem:s1+$0x10] =	vst v1  }
0x3c2: {  	v1 =	vld [tilespmem:s25+$0x100]  }
0x3c3: {  	v2 =	vld [tilespmem:s24+$0x100]  }
0x3c4: {  	v3 =	vld [tilespmem:s25+$0x110]  }
0x3c5: {  	v4 =	vld [tilespmem:s24+$0x110]  }
0x3c6: {  	v5 =	vld [tilespmem:s24+$0x120]  }
0x3c7: {  	v6 =	vld [tilespmem:s25+$0x120]  }
0x3c8: {  	v7 =	vmul.f32 v1, v2;
	v1 =	vld [tilespmem:s24+$0x130]  }
.Ltmp5:
0x3c9: {  	v2 =	vld [tilespmem:s25+$0x130];
	(pc) =	sbr.rel @p0 .LBB2_12-.Ltmp5, $3  }
0x3ca: {  	v3 =	vmul.f32 v3, v4;
	_ =	sdelay $0x1  }
0x3cb: {  	v3 =	vadd.f32 v3, v7;
	v4 =	vmul.f32 v6, v5  }
0x3cc: {  	s0 =	simm.s32 $0x0;
	s1 =	sadd.s32 $0x80, s1  }
0x3cd: {  	v3 =	vadd.f32 v4, v3;
	v1 =	vmul.f32 v2, v1;
	_ =	sdelay $0x1  }
0x3ce: {  	v1 =	vadd.f32 v1, v3;
	_ =	sdelay $0x1  }
0x3cf: {  	[tilespmem:s23+$0x20] =	vst v1  }
0x3d0: {  	v1 =	vld [tilespmem:s26+$0x180]  }
0x3d1: {  	v2 =	vld [tilespmem:s28+$0x190]  }
0x3d2: {  	v3 =	vld [tilespmem:s26+$0x190]  }
0x3d3: {  	v4 =	vld [tilespmem:s28+$0x180]  }
0x3d4: {  	v5 =	vld [tilespmem:s26+$0x1A0]  }
0x3d5: {  	v6 =	vld [tilespmem:s28+$0x1A0]  }
0x3d6: {  	v7 =	vld [tilespmem:s26+$0x1B0]  }
0x3d7: {  	v8 =	vld [tilespmem:s28+$0x1B0]  }
0x3d8: {  	v2 =	vmul.f32 v2, v3;
	v1 =	vmul.f32 v4, v1  }
0x3d9: {  	v3 =	vmov s0  }
0x3da: {  	v4 =	vmul.f32 v6, v5;
	v1 =	vadd.f32 v2, v1;
	v2 =	vshll.u32 v3, $0x4  }
0x3db: {  	v2 =	vor.u32 v0, v2  }
0x3dc: {  	v3 =	vmul.f32 v8, v7;
	v1 =	vadd.f32 v4, v1;
	v4 =	vor.u32 $0x1, v2;
	_ =	sdelay $0x1  }
0x3dd: {  	v1 =	vadd.f32 v3, v1  }
0x3de: {  	v3 =	vor.u32 $0x2, v2  }
0x3df: {  	[tilespmem:s23+$0x30] =	vst v1  }
0x3e0: {  	v1 =	vld.idx.msk [tilespmem:v4+s16+$0x0], $0xffff;
	v4 =	vor.u32 $0x3, v2  }
0x3e1: {  	v5 =	vld.idx.msk [tilespmem:v2+s16+$0x0], $0xffff  }
0x3e2: {  	v6 =	vor.u32 $0x4, v2  }
0x3e3: {  	v3 =	vld.idx.msk [tilespmem:v3+s16+$0x0], $0xffff  }
0x3e4: {  	v7 =	vor.u32 $0x5, v2  }
0x3e5: {  	v4 =	vld.idx.msk [tilespmem:v4+s16+$0x0], $0xffff  }
0x3e6: {  	v58 =	vor.u32 $0x6, v2;
	v1 =	vadd.f32 v1, v5  }
0x3e7: {  	v5 =	vld.idx.msk [tilespmem:v6+s16+$0x0], $0xffff  }
0x3e8: {  	v6 =	vor.u32 $0x7, v2;
	v1 =	vadd.f32 v3, v1  }
0x3e9: {  	v3 =	vld.idx.msk [tilespmem:v7+s16+$0x0], $0xffff  }
0x3ea: {  	v7 =	vor.u32 $0x8, v2;
	v1 =	vadd.f32 v4, v1  }
0x3eb: {  	v4 =	vld.idx.msk [tilespmem:v58+s16+$0x0], $0xffff  }
0x3ec: {  	v59 =	vor.u32 $0x9, v2;
	v1 =	vadd.f32 v5, v1  }
0x3ed: {  	v5 =	vld.idx.msk [tilespmem:v6+s16+$0x0], $0xffff  }
0x3ee: {  	v6 =	vor.u32 $0xA, v2;
	v1 =	vadd.f32 v3, v1  }
0x3ef: {  	v3 =	vld.idx.msk [tilespmem:v7+s16+$0x0], $0xffff  }
0x3f0: {  	v7 =	vor.u32 $0xB, v2;
	v1 =	vadd.f32 v4, v1  }
0x3f1: {  	v4 =	vld.idx.msk [tilespmem:v59+s16+$0x0], $0xffff  }
0x3f2: {  	v60 =	vor.u32 $0xC, v2;
	v1 =	vadd.f32 v5, v1  }
0x3f3: {  	v5 =	vld.idx.msk [tilespmem:v6+s16+$0x0], $0xffff  }
0x3f4: {  	v6 =	vor.u32 $0xD, v2;
	v1 =	vadd.f32 v3, v1  }
0x3f5: {  	v3 =	vld.idx.msk [tilespmem:v7+s16+$0x0], $0xffff  }
0x3f6: {  	v7 =	vor.u32 $0xE, v2;
	v1 =	vadd.f32 v4, v1  }
0x3f7: {  	v4 =	vld.idx.msk [tilespmem:v60+s16+$0x0], $0xffff  }
0x3f8: {  	v2 =	vor.u32 $0xF, v2;
	v1 =	vadd.f32 v5, v1  }
0x3f9: {  	v5 =	vld.idx.msk [tilespmem:v6+s16+$0x0], $0xffff  }
0x3fa: {  	v1 =	vadd.f32 v3, v1  }
0x3fb: {  	v3 =	vld.idx.msk [tilespmem:v7+s16+$0x0], $0xffff  }
0x3fc: {  	s30 =	simm.s32 $0x10;
	v1 =	vadd.f32 v4, v1  }
0x3fd: {  	v2 =	vld.idx.msk [tilespmem:v2+s16+$0x0], $0xffff;
	v4 =	vmov s30  }
0x3fe: {  	v4 =	vshll.u32 v4, $0x4;
	v1 =	vadd.f32 v5, v1  }
0x3ff: {  	v4 =	vor.u32 v0, v4  }
0x400: {  	v5 =	vor.u32 $0x1, v4;
	v1 =	vadd.f32 v3, v1;
	_ =	sdelay $0x1  }
0x401: {  	v1 =	vadd.f32 v2, v1  }
0x402: {  	v2 =	vor.u32 $0x2, v4  }
0x403: {  	[tilespmem:s22+$0x0] =	vst v1  }
0x404: {  	v3 =	vor.u32 $0x3, v4;
	v1 =	vld.idx.msk [tilespmem:v5+s16+$0x0], $0xffff  }
0x405: {  	v5 =	vld.idx.msk [tilespmem:v4+s16+$0x0], $0xffff  }
0x406: {  	v6 =	vor.u32 $0x4, v4  }
0x407: {  	v2 =	vld.idx.msk [tilespmem:v2+s16+$0x0], $0xffff  }
0x408: {  	v7 =	vor.u32 $0x5, v4  }
0x409: {  	v3 =	vld.idx.msk [tilespmem:v3+s16+$0x0], $0xffff  }
0x40a: {  	v61 =	vor.u32 $0x6, v4;
	v1 =	vadd.f32 v1, v5  }
0x40b: {  	v5 =	vld.idx.msk [tilespmem:v6+s16+$0x0], $0xffff  }
0x40c: {  	v6 =	vor.u32 $0x7, v4;
	v1 =	vadd.f32 v2, v1  }
0x40d: {  	v2 =	vld.idx.msk [tilespmem:v7+s16+$0x0], $0xffff  }
0x40e: {  	v7 =	vor.u32 $0x8, v4;
	v1 =	vadd.f32 v3, v1  }
0x40f: {  	v3 =	vld.idx.msk [tilespmem:v61+s16+$0x0], $0xffff  }
0x410: {  	v62 =	vor.u32 $0x9, v4;
	v1 =	vadd.f32 v5, v1  }
0x411: {  	v5 =	vld.idx.msk [tilespmem:v6+s16+$0x0], $0xffff  }
0x412: {  	v6 =	vor.u32 $0xA, v4;
	v1 =	vadd.f32 v2, v1  }
0x413: {  	v2 =	vld.idx.msk [tilespmem:v7+s16+$0x0], $0xffff  }
0x414: {  	v7 =	vor.u32 $0xB, v4;
	v1 =	vadd.f32 v3, v1  }
0x415: {  	v3 =	vld.idx.msk [tilespmem:v62+s16+$0x0], $0xffff  }
0x416: {  	v63 =	vor.u32 $0xC, v4;
	v1 =	vadd.f32 v5, v1  }
0x417: {  	v5 =	vld.idx.msk [tilespmem:v6+s16+$0x0], $0xffff  }
0x418: {  	v1 =	vadd.f32 v2, v1  }
0x419: {  	v6 =	vor.u32 $0xD, v4;
	v2 =	vld.idx.msk [tilespmem:v7+s16+$0x0], $0xffff  }
0x41a: {  	v1 =	vadd.f32 v3, v1  }
0x41b: {  	v7 =	vor.u32 $0xE, v4;
	v3 =	vld.idx.msk [tilespmem:v63+s16+$0x0], $0xffff  }
0x41c: {  	v1 =	vadd.f32 v5, v1  }
0x41d: {  	v4 =	vor.u32 $0xF, v4  }
0x41e: {  	v5 =	vld.idx.msk [tilespmem:v6+s16+$0x0], $0xffff;
	v1 =	vadd.f32 v2, v1;
	_ =	sdelay $0x1  }
0x41f: {  	v3 =	vadd.f32 v3, v1;
	v1 =	vld.idx.msk [tilespmem:v7+s16+$0x0], $0xffff  }
0x420: {  	s31 =	simm.s32 $0x20  }
0x421: {  	v6 =	vmov s31;
	v2 =	vld.idx.msk [tilespmem:v4+s16+$0x0], $0xffff  }
0x422: {  	s0 =	simm.s32 $0x30;
	v4 =	vshll.u32 v6, $0x4;
	v3 =	vadd.f32 v5, v3  }
.LBB2_14:
0x423: {  	p0 =	sne.s32 s0, $0x70;
	v4 =	vor.u32 v0, v4  }
0x424: {  	v5 =	vor.u32 $0x1, v4;
	v1 =	vadd.f32 v1, v3;
	_ =	sdelay $0x1  }
0x425: {  	v1 =	vadd.f32 v2, v1  }
0x426: {  	s22 =	sadd.s32 $0x10, s22;
	v2 =	vor.u32 $0x2, v4  }
0x427: {  	[tilespmem:s22+$0x0] =	vst v1  }
0x428: {  	v3 =	vor.u32 $0x3, v4;
	v1 =	vld.idx.msk [tilespmem:v5+s16+$0x0], $0xffff  }
0x429: {  	v5 =	vld.idx.msk [tilespmem:v4+s16+$0x0], $0xffff  }
0x42a: {  	v6 =	vor.u32 $0x4, v4  }
0x42b: {  	v2 =	vld.idx.msk [tilespmem:v2+s16+$0x0], $0xffff  }
0x42c: {  	v7 =	vor.u32 $0x5, v4  }
0x42d: {  	v3 =	vld.idx.msk [tilespmem:v3+s16+$0x0], $0xffff  }
0x42e: {  	v8 =	vor.u32 $0x6, v4  }
0x42f: {  	v1 =	vadd.f32 v1, v5;
	v5 =	vld.idx.msk [tilespmem:v6+s16+$0x0], $0xffff  }
0x430: {  	v6 =	vor.u32 $0x7, v4  }
0x431: {  	v1 =	vadd.f32 v2, v1;
	v2 =	vld.idx.msk [tilespmem:v7+s16+$0x0], $0xffff  }
0x432: {  	v7 =	vor.u32 $0x8, v4  }
0x433: {  	v1 =	vadd.f32 v3, v1;
	v3 =	vld.idx.msk [tilespmem:v8+s16+$0x0], $0xffff  }
0x434: {  	v8 =	vor.u32 $0x9, v4  }
0x435: {  	v1 =	vadd.f32 v5, v1;
	v5 =	vld.idx.msk [tilespmem:v6+s16+$0x0], $0xffff  }
0x436: {  	v6 =	vor.u32 $0xA, v4  }
0x437: {  	v1 =	vadd.f32 v2, v1;
	v2 =	vld.idx.msk [tilespmem:v7+s16+$0x0], $0xffff  }
0x438: {  	v7 =	vor.u32 $0xB, v4  }
0x439: {  	v1 =	vadd.f32 v3, v1;
	v3 =	vld.idx.msk [tilespmem:v8+s16+$0x0], $0xffff  }
0x43a: {  	v8 =	vor.u32 $0xC, v4  }
0x43b: {  	v1 =	vadd.f32 v5, v1;
	v5 =	vld.idx.msk [tilespmem:v6+s16+$0x0], $0xffff  }
0x43c: {  	v6 =	vor.u32 $0xD, v4  }
0x43d: {  	v1 =	vadd.f32 v2, v1;
	v2 =	vld.idx.msk [tilespmem:v7+s16+$0x0], $0xffff  }
0x43e: {  	v7 =	vor.u32 $0xE, v4  }
0x43f: {  	v1 =	vadd.f32 v3, v1;
	v3 =	vld.idx.msk [tilespmem:v8+s16+$0x0], $0xffff  }
0x440: {  	v4 =	vor.u32 $0xF, v4  }
0x441: {  	v1 =	vadd.f32 v5, v1;
	v5 =	vld.idx.msk [tilespmem:v6+s16+$0x0], $0xffff;
	_ =	sdelay $0x1  }
.Ltmp6:
0x442: {  	v2 =	vadd.f32 v2, v1;
	v1 =	vld.idx.msk [tilespmem:v7+s16+$0x0], $0xffff;
	(pc) =	sbr.rel @p0 .LBB2_14-.Ltmp6, $4  }
0x443: {  	_ = 	snop  }
0x444: {  	v3 =	vadd.f32 v3, v2;
	v2 =	vld.idx.msk [tilespmem:v4+s16+$0x0], $0xffff  }
0x445: {  	v4 =	vmov s0  }
0x446: {  	s0 =	sadd.s32 $0x10, s0;
	v4 =	vshll.u32 v4, $0x4;
	v3 =	vadd.f32 v5, v3  }
0x447: {  	v4 =	vor.u32 v0, v4  }
0x448: {  	v5 =	vor.u32 $0x1, v4;
	v1 =	vadd.f32 v1, v3;
	_ =	sdelay $0x1  }
0x449: {  	v1 =	vadd.f32 v2, v1  }
0x44a: {  	s0 =	sadd.s32 $0x10, s22;
	v2 =	vor.u32 $0x2, v4  }
0x44b: {  	[tilespmem:s0+$0x0] =	vst v1  }
0x44c: {  	v3 =	vor.u32 $0x3, v4;
	v1 =	vld.idx.msk [tilespmem:v5+s16+$0x0], $0xffff  }
0x44d: {  	v5 =	vld.idx.msk [tilespmem:v4+s16+$0x0], $0xffff  }
0x44e: {  	v6 =	vor.u32 $0x4, v4  }
0x44f: {  	v2 =	vld.idx.msk [tilespmem:v2+s16+$0x0], $0xffff  }
0x450: {  	v7 =	vor.u32 $0x5, v4  }
0x451: {  	v3 =	vld.idx.msk [tilespmem:v3+s16+$0x0], $0xffff  }
0x452: {  	v8 =	vor.u32 $0x6, v4;
	v1 =	vadd.f32 v1, v5  }
0x453: {  	v5 =	vld.idx.msk [tilespmem:v6+s16+$0x0], $0xffff  }
0x454: {  	v6 =	vor.u32 $0x7, v4;
	v1 =	vadd.f32 v2, v1  }
0x455: {  	v2 =	vld.idx.msk [tilespmem:v7+s16+$0x0], $0xffff  }
0x456: {  	v7 =	vor.u32 $0x8, v4;
	v1 =	vadd.f32 v3, v1  }
0x457: {  	v3 =	vld.idx.msk [tilespmem:v8+s16+$0x0], $0xffff  }
0x458: {  	v56 =	vor.u32 $0x9, v4;
	v1 =	vadd.f32 v5, v1  }
0x459: {  	v5 =	vld.idx.msk [tilespmem:v6+s16+$0x0], $0xffff  }
0x45a: {  	v6 =	vor.u32 $0xA, v4;
	v1 =	vadd.f32 v2, v1  }
0x45b: {  	v2 =	vld.idx.msk [tilespmem:v7+s16+$0x0], $0xffff  }
0x45c: {  	v7 =	vor.u32 $0xB, v4;
	v1 =	vadd.f32 v3, v1  }
0x45d: {  	v3 =	vld.idx.msk [tilespmem:v56+s16+$0x0], $0xffff  }
0x45e: {  	v57 =	vor.u32 $0xC, v4;
	v1 =	vadd.f32 v5, v1  }
0x45f: {  	v5 =	vld.idx.msk [tilespmem:v6+s16+$0x0], $0xffff  }
0x460: {  	v6 =	vor.u32 $0xD, v4;
	v1 =	vadd.f32 v2, v1  }
0x461: {  	v2 =	vld.idx.msk [tilespmem:v7+s16+$0x0], $0xffff  }
0x462: {  	v7 =	vor.u32 $0xE, v4;
	v1 =	vadd.f32 v3, v1  }
0x463: {  	v3 =	vld.idx.msk [tilespmem:v57+s16+$0x0], $0xffff  }
0x464: {  	v4 =	vor.u32 $0xF, v4;
	v1 =	vadd.f32 v5, v1  }
0x465: {  	v5 =	vld.idx.msk [tilespmem:v6+s16+$0x0], $0xffff  }
0x466: {  	v1 =	vadd.f32 v2, v1  }
0x467: {  	v2 =	vld.idx.msk [tilespmem:v7+s16+$0x0], $0xffff  }
0x468: {  	v1 =	vadd.f32 v3, v1  }
0x469: {  	v3 =	vld.idx.msk [tilespmem:v4+s16+$0x0], $0xffff  }
0x46a: {  	v1 =	vadd.f32 v5, v1;
	_ =	sdelay $0x1  }
0x46b: {  	v1 =	vadd.f32 v2, v1;
	_ =	sdelay $0x1  }
0x46c: {  	v1 =	vadd.f32 v3, v1  }
0x46d: {  	s0 =	sadd.s32 $0x10, s0  }
0x46e: {  	[tilespmem:s0+$0x0] =	vst v1  }
0x46f: {  	_ =	swait.ge [sflag:s17], $0x4000  }
0x470: {  	[sflag:s17] =	ssyncset.done $0x0  }
0x471: {  	[sflag:s17] =	ssyncadd.s32 $0xFFFFC000  }
0x472: {  	_ =	swait.ge [sflag:s17], $0x4000  }
0x473: {  	[sflag:s17] =	ssyncset.done $0x0  }
0x474: {  	s24 =	simm.s32 $0xD600;
	[sflag:s17] =	ssyncadd.s32 $0xFFFFC000  }
0x475: {  	s25 =	simm.s32 $0x11640;
	v1 =	vld [tilespmem:s24+$0xFFFFFE00]  }
0x476: {  	v2 =	vld [tilespmem:s25+$0xFFFFFE10]  }
0x477: {  	v3 =	vld [tilespmem:s24+$0xFFFFFE10]  }
0x478: {  	v4 =	vld [tilespmem:s25+$0xFFFFFE00]  }
0x479: {  	v5 =	vld [tilespmem:s25+$0xFFFFFE20]  }
0x47a: {  	v6 =	vld [tilespmem:s24+$0xFFFFFE20]  }
0x47b: {  	v7 =	vld [tilespmem:s25+$0xFFFFFE30]  }
0x47c: {  	v58 =	vld [tilespmem:s24+$0xFFFFFE30]  }
0x47d: {  	v2 =	vmul.f32 v2, v3;
	v1 =	vmul.f32 v4, v1;
	_ =	sdelay $0x1  }
0x47e: {  	v1 =	vadd.f32 v2, v1;
	v2 =	vmul.f32 v5, v6;
	_ =	sdelay $0x1  }
0x47f: {  	v1 =	vadd.f32 v2, v1;
	v2 =	vmul.f32 v7, v58;
	_ =	sdelay $0x1  }
0x480: {  	v1 =	vadd.f32 v2, v1  }
0x481: {  	s23 =	simm.s32 $0x15440  }
0x482: {  	[tilespmem:s23+$0xFFFFFFC0] =	vst v1  }
0x483: {  	v1 =	vld [tilespmem:s25+$0xFFFFFE90]  }
0x484: {  	v2 =	vld [tilespmem:s24+$0xFFFFFE80]  }
0x485: {  	v3 =	vld [tilespmem:s24+$0xFFFFFE90]  }
0x486: {  	v4 =	vld [tilespmem:s25+$0xFFFFFE80]  }
0x487: {  	v5 =	vld [tilespmem:s25+$0xFFFFFEA0]  }
0x488: {  	v6 =	vld [tilespmem:s24+$0xFFFFFEA0]  }
0x489: {  	v7 =	vld [tilespmem:s25+$0xFFFFFEB0]  }
0x48a: {  	v59 =	vld [tilespmem:s24+$0xFFFFFEB0]  }
0x48b: {  	v1 =	vmul.f32 v1, v3;
	v2 =	vmul.f32 v4, v2;
	_ =	sdelay $0x1  }
0x48c: {  	v1 =	vadd.f32 v1, v2;
	v2 =	vmul.f32 v5, v6;
	_ =	sdelay $0x1  }
0x48d: {  	v1 =	vadd.f32 v2, v1;
	v2 =	vmul.f32 v7, v59;
	_ =	sdelay $0x1  }
0x48e: {  	v1 =	vadd.f32 v2, v1;
	_ =	sdelay $0x1  }
0x48f: {  	[tilespmem:s23+$0xFFFFFFD0] =	vst v1  }
0x490: {  	v1 =	vld [tilespmem:s24+$0xFFFFFF00]  }
0x491: {  	v2 =	vld [tilespmem:s25+$0xFFFFFF00]  }
0x492: {  	v3 =	vld [tilespmem:s25+$0xFFFFFF10]  }
0x493: {  	v4 =	vld [tilespmem:s24+$0xFFFFFF10]  }
0x494: {  	v5 =	vld [tilespmem:s25+$0xFFFFFF20]  }
0x495: {  	v6 =	vld [tilespmem:s24+$0xFFFFFF20]  }
0x496: {  	v7 =	vld [tilespmem:s25+$0xFFFFFF30]  }
0x497: {  	v60 =	vld [tilespmem:s24+$0xFFFFFF30]  }
0x498: {  	v1 =	vmul.f32 v2, v1;
	v2 =	vmul.f32 v3, v4;
	_ =	sdelay $0x1  }
0x499: {  	v1 =	vadd.f32 v2, v1;
	v2 =	vmul.f32 v5, v6;
	_ =	sdelay $0x1  }
0x49a: {  	v1 =	vadd.f32 v2, v1;
	v2 =	vmul.f32 v7, v60;
	_ =	sdelay $0x1  }
0x49b: {  	v1 =	vadd.f32 v2, v1;
	_ =	sdelay $0x1  }
0x49c: {  	[tilespmem:s23+$0xFFFFFFE0] =	vst v1  }
0x49d: {  	v1 =	vld [tilespmem:s25+$0xFFFFFF80]  }
0x49e: {  	v2 =	vld [tilespmem:s24+$0xFFFFFF80]  }
0x49f: {  	v3 =	vld [tilespmem:s24+$0xFFFFFF90]  }
0x4a0: {  	v4 =	vld [tilespmem:s25+$0xFFFFFF90]  }
0x4a1: {  	v5 =	vld [tilespmem:s24+$0xFFFFFFA0]  }
0x4a2: {  	v6 =	vld [tilespmem:s25+$0xFFFFFFA0]  }
0x4a3: {  	v7 =	vld [tilespmem:s25+$0xFFFFFFB0]  }
0x4a4: {  	v61 =	vld [tilespmem:s24+$0xFFFFFFB0]  }
0x4a5: {  	v1 =	vmul.f32 v1, v2;
	v2 =	vmul.f32 v4, v3;
	_ =	sdelay $0x1  }
0x4a6: {  	v1 =	vadd.f32 v2, v1;
	v2 =	vmul.f32 v6, v5;
	_ =	sdelay $0x1  }
0x4a7: {  	v1 =	vadd.f32 v2, v1;
	v2 =	vmul.f32 v7, v61;
	_ =	sdelay $0x1  }
0x4a8: {  	v1 =	vadd.f32 v2, v1;
	_ =	sdelay $0x1  }
0x4a9: {  	[tilespmem:s23+$0xFFFFFFF0] =	vst v1  }
0x4aa: {  	v1 =	vld [tilespmem:s25+$0x10]  }
0x4ab: {  	v2 =	vld [tilespmem:s24+$0x0]  }
0x4ac: {  	v3 =	vld [tilespmem:s25+$0x0]  }
0x4ad: {  	v4 =	vld [tilespmem:s24+$0x10]  }
0x4ae: {  	v5 =	vld [tilespmem:s25+$0x20]  }
0x4af: {  	v6 =	vld [tilespmem:s24+$0x20]  }
0x4b0: {  	v7 =	vld [tilespmem:s25+$0x30]  }
0x4b1: {  	v62 =	vld [tilespmem:s24+$0x30]  }
0x4b2: {  	v2 =	vmul.f32 v3, v2;
	v1 =	vmul.f32 v1, v4;
	_ =	sdelay $0x1  }
0x4b3: {  	v1 =	vadd.f32 v1, v2;
	v2 =	vmul.f32 v5, v6;
	_ =	sdelay $0x1  }
0x4b4: {  	v1 =	vadd.f32 v2, v1;
	v2 =	vmul.f32 v7, v62;
	_ =	sdelay $0x1  }
0x4b5: {  	v1 =	vadd.f32 v2, v1;
	_ =	sdelay $0x1  }
0x4b6: {  	[tilespmem:s23+$0x0] =	vst v1  }
0x4b7: {  	v1 =	vld [tilespmem:s25+$0x90]  }
0x4b8: {  	v2 =	vld [tilespmem:s24+$0x80]  }
0x4b9: {  	v3 =	vld [tilespmem:s25+$0x80]  }
0x4ba: {  	v4 =	vld [tilespmem:s24+$0x90]  }
0x4bb: {  	v5 =	vld [tilespmem:s24+$0xA0]  }
0x4bc: {  	v6 =	vld [tilespmem:s25+$0xA0]  }
0x4bd: {  	v7 =	vld [tilespmem:s24+$0xB0]  }
0x4be: {  	v63 =	vld [tilespmem:s25+$0xB0]  }
0x4bf: {  	v2 =	vmul.f32 v3, v2;
	v1 =	vmul.f32 v1, v4;
	_ =	sdelay $0x1  }
0x4c0: {  	v1 =	vadd.f32 v1, v2;
	v2 =	vmul.f32 v6, v5;
	_ =	sdelay $0x1  }
0x4c1: {  	v1 =	vadd.f32 v2, v1;
	v2 =	vmul.f32 v63, v7;
	_ =	sdelay $0x1  }
0x4c2: {  	v1 =	vadd.f32 v2, v1;
	_ =	sdelay $0x1  }
0x4c3: {  	[tilespmem:s23+$0x10] =	vst v1  }
0x4c4: {  	v1 =	vld [tilespmem:s25+$0x100]  }
0x4c5: {  	v2 =	vld [tilespmem:s24+$0x100]  }
0x4c6: {  	v3 =	vld [tilespmem:s25+$0x110]  }
0x4c7: {  	v4 =	vld [tilespmem:s24+$0x110]  }
0x4c8: {  	v5 =	vld [tilespmem:s24+$0x120]  }
0x4c9: {  	v6 =	vld [tilespmem:s25+$0x120]  }
0x4ca: {  	v7 =	vmul.f32 v1, v2;
	v1 =	vld [tilespmem:s24+$0x130]  }
0x4cb: {  	v2 =	vld [tilespmem:s25+$0x130]  }
0x4cc: {  	v3 =	vmul.f32 v3, v4  }
0x4cd: {  	s29 =	simm.s32 $0x0;
	s1 =	simm.s32 $0x154C0  }
0x4ce: {  	s22 =	simm.s32 $0x18580;
	s26 =	simm.s32 $0xD600;
	s28 =	simm.s32 $0x11640;
	v4 =	vmul.f32 v6, v5;
	v3 =	vadd.f32 v3, v7  }
.LBB2_16:
0x4cf: {  	s29 =	sadd.s32 $0x8, s29;
	s25 =	sadd.s32 $0x400, s25;
	s24 =	sadd.s32 $0x400, s24  }
0x4d0: {  	v3 =	vadd.f32 v4, v3;
	v1 =	vmul.f32 v2, v1;
	p0 =	slt.u32 s29, $0x78;
	_ =	sdelay $0x1  }
0x4d1: {  	v1 =	vadd.f32 v1, v3;
	_ =	sdelay $0x1  }
0x4d2: {  	[tilespmem:s23+$0x20] =	vst v1  }
0x4d3: {  	v1 =	vld [tilespmem:s26+$0x1A0]  }
0x4d4: {  	v2 =	vld [tilespmem:s28+$0x1A0]  }
0x4d5: {  	v3 =	vld [tilespmem:s26+$0x180]  }
0x4d6: {  	v4 =	vld [tilespmem:s28+$0x190]  }
0x4d7: {  	v5 =	vld [tilespmem:s26+$0x190]  }
0x4d8: {  	v6 =	vld [tilespmem:s28+$0x180]  }
0x4d9: {  	v7 =	vld [tilespmem:s26+$0x1B0];
	s26 =	smov.u32 s24  }
0x4da: {  	v8 =	vld [tilespmem:s28+$0x1B0];
	s28 =	smov.u32 s25;
	_ =	sdelay $0x1  }
0x4db: {  	v1 =	vmul.f32 v2, v1;
	v4 =	vmul.f32 v4, v5  }
0x4dc: {  	v2 =	vmul.f32 v6, v3;
	_ =	sdelay $0x1  }
0x4dd: {  	v2 =	vadd.f32 v4, v2;
	v3 =	vmul.f32 v8, v7;
	_ =	sdelay $0x1  }
0x4de: {  	v1 =	vadd.f32 v1, v2;
	_ =	sdelay $0x1  }
0x4df: {  	v1 =	vadd.f32 v3, v1;
	_ =	sdelay $0x1  }
0x4e0: {  	[tilespmem:s23+$0x30] =	vst v1;
	s23 =	smov.u32 s1  }
0x4e1: {  	v1 =	vld [tilespmem:s24+$0xFFFFFE00]  }
0x4e2: {  	v2 =	vld [tilespmem:s25+$0xFFFFFE10]  }
0x4e3: {  	v3 =	vld [tilespmem:s24+$0xFFFFFE10]  }
0x4e4: {  	v4 =	vld [tilespmem:s25+$0xFFFFFE00]  }
0x4e5: {  	v5 =	vld [tilespmem:s25+$0xFFFFFE20]  }
0x4e6: {  	v6 =	vld [tilespmem:s24+$0xFFFFFE20]  }
0x4e7: {  	v7 =	vld [tilespmem:s25+$0xFFFFFE30]  }
0x4e8: {  	v2 =	vmul.f32 v2, v3;
	v3 =	vld [tilespmem:s24+$0xFFFFFE30]  }
0x4e9: {  	v1 =	vmul.f32 v4, v1;
	_ =	sdelay $0x1  }
0x4ea: {  	v1 =	vadd.f32 v2, v1;
	v2 =	vmul.f32 v5, v6;
	_ =	sdelay $0x1  }
0x4eb: {  	v1 =	vadd.f32 v2, v1;
	v2 =	vmul.f32 v7, v3;
	_ =	sdelay $0x1  }
0x4ec: {  	v1 =	vadd.f32 v2, v1;
	_ =	sdelay $0x1  }
0x4ed: {  	[tilespmem:s1+$0xFFFFFFC0] =	vst v1  }
0x4ee: {  	v1 =	vld [tilespmem:s25+$0xFFFFFE90]  }
0x4ef: {  	v2 =	vld [tilespmem:s24+$0xFFFFFE80]  }
0x4f0: {  	v3 =	vld [tilespmem:s24+$0xFFFFFE90]  }
0x4f1: {  	v4 =	vld [tilespmem:s25+$0xFFFFFE80]  }
0x4f2: {  	v5 =	vld [tilespmem:s25+$0xFFFFFEA0]  }
0x4f3: {  	v6 =	vld [tilespmem:s24+$0xFFFFFEA0]  }
0x4f4: {  	v7 =	vld [tilespmem:s25+$0xFFFFFEB0]  }
0x4f5: {  	v1 =	vmul.f32 v1, v3;
	v3 =	vld [tilespmem:s24+$0xFFFFFEB0]  }
0x4f6: {  	v2 =	vmul.f32 v4, v2;
	_ =	sdelay $0x1  }
0x4f7: {  	v1 =	vadd.f32 v1, v2;
	v2 =	vmul.f32 v5, v6;
	_ =	sdelay $0x1  }
0x4f8: {  	v1 =	vadd.f32 v2, v1;
	v2 =	vmul.f32 v7, v3;
	_ =	sdelay $0x1  }
0x4f9: {  	v1 =	vadd.f32 v2, v1;
	_ =	sdelay $0x1  }
0x4fa: {  	[tilespmem:s1+$0xFFFFFFD0] =	vst v1  }
0x4fb: {  	v1 =	vld [tilespmem:s24+$0xFFFFFF00]  }
0x4fc: {  	v2 =	vld [tilespmem:s25+$0xFFFFFF00]  }
0x4fd: {  	v3 =	vld [tilespmem:s25+$0xFFFFFF10]  }
0x4fe: {  	v4 =	vld [tilespmem:s24+$0xFFFFFF10]  }
0x4ff: {  	v5 =	vld [tilespmem:s25+$0xFFFFFF20]  }
0x500: {  	v6 =	vld [tilespmem:s24+$0xFFFFFF20]  }
0x501: {  	v1 =	vmul.f32 v2, v1;
	v2 =	vld [tilespmem:s25+$0xFFFFFF30]  }
0x502: {  	v7 =	vld [tilespmem:s24+$0xFFFFFF30]  }
0x503: {  	v3 =	vmul.f32 v3, v4;
	_ =	sdelay $0x1  }
0x504: {  	v1 =	vadd.f32 v3, v1;
	v3 =	vmul.f32 v5, v6;
	_ =	sdelay $0x1  }
0x505: {  	v1 =	vadd.f32 v3, v1;
	v2 =	vmul.f32 v2, v7;
	_ =	sdelay $0x1  }
0x506: {  	v1 =	vadd.f32 v2, v1;
	_ =	sdelay $0x1  }
0x507: {  	[tilespmem:s1+$0xFFFFFFE0] =	vst v1  }
0x508: {  	v1 =	vld [tilespmem:s25+$0xFFFFFF80]  }
0x509: {  	v2 =	vld [tilespmem:s24+$0xFFFFFF80]  }
0x50a: {  	v3 =	vld [tilespmem:s24+$0xFFFFFF90]  }
0x50b: {  	v4 =	vld [tilespmem:s25+$0xFFFFFF90]  }
0x50c: {  	v5 =	vld [tilespmem:s24+$0xFFFFFFA0]  }
0x50d: {  	v6 =	vld [tilespmem:s25+$0xFFFFFFA0]  }
0x50e: {  	v1 =	vmul.f32 v1, v2;
	v2 =	vld [tilespmem:s25+$0xFFFFFFB0]  }
0x50f: {  	v7 =	vld [tilespmem:s24+$0xFFFFFFB0]  }
0x510: {  	v3 =	vmul.f32 v4, v3;
	_ =	sdelay $0x1  }
0x511: {  	v1 =	vadd.f32 v3, v1;
	v3 =	vmul.f32 v6, v5;
	_ =	sdelay $0x1  }
0x512: {  	v1 =	vadd.f32 v3, v1;
	v2 =	vmul.f32 v2, v7;
	_ =	sdelay $0x1  }
0x513: {  	v1 =	vadd.f32 v2, v1;
	_ =	sdelay $0x1  }
0x514: {  	[tilespmem:s1+$0xFFFFFFF0] =	vst v1  }
0x515: {  	v1 =	vld [tilespmem:s25+$0x10]  }
0x516: {  	v2 =	vld [tilespmem:s24+$0x0]  }
0x517: {  	v3 =	vld [tilespmem:s25+$0x0]  }
0x518: {  	v4 =	vld [tilespmem:s24+$0x10]  }
0x519: {  	v5 =	vld [tilespmem:s25+$0x20]  }
0x51a: {  	v6 =	vld [tilespmem:s24+$0x20]  }
0x51b: {  	v7 =	vld [tilespmem:s25+$0x30]  }
0x51c: {  	v2 =	vmul.f32 v3, v2;
	v3 =	vld [tilespmem:s24+$0x30]  }
0x51d: {  	v1 =	vmul.f32 v1, v4;
	_ =	sdelay $0x1  }
0x51e: {  	v1 =	vadd.f32 v1, v2;
	v2 =	vmul.f32 v5, v6;
	_ =	sdelay $0x1  }
0x51f: {  	v1 =	vadd.f32 v2, v1;
	v2 =	vmul.f32 v7, v3;
	_ =	sdelay $0x1  }
0x520: {  	v1 =	vadd.f32 v2, v1;
	_ =	sdelay $0x1  }
0x521: {  	[tilespmem:s1+$0x0] =	vst v1  }
0x522: {  	v1 =	vld [tilespmem:s25+$0x90]  }
0x523: {  	v2 =	vld [tilespmem:s24+$0x80]  }
0x524: {  	v3 =	vld [tilespmem:s25+$0x80]  }
0x525: {  	v4 =	vld [tilespmem:s24+$0x90]  }
0x526: {  	v5 =	vld [tilespmem:s24+$0xA0]  }
0x527: {  	v6 =	vld [tilespmem:s25+$0xA0]  }
0x528: {  	v7 =	vld [tilespmem:s24+$0xB0]  }
0x529: {  	v2 =	vmul.f32 v3, v2;
	v3 =	vld [tilespmem:s25+$0xB0]  }
0x52a: {  	v1 =	vmul.f32 v1, v4;
	_ =	sdelay $0x1  }
0x52b: {  	v1 =	vadd.f32 v1, v2;
	v2 =	vmul.f32 v6, v5;
	_ =	sdelay $0x1  }
0x52c: {  	v1 =	vadd.f32 v2, v1;
	v2 =	vmul.f32 v3, v7;
	_ =	sdelay $0x1  }
0x52d: {  	v1 =	vadd.f32 v2, v1;
	_ =	sdelay $0x1  }
0x52e: {  	[tilespmem:s1+$0x10] =	vst v1  }
0x52f: {  	v1 =	vld [tilespmem:s25+$0x100]  }
0x530: {  	v2 =	vld [tilespmem:s24+$0x100]  }
0x531: {  	v3 =	vld [tilespmem:s25+$0x110]  }
0x532: {  	v4 =	vld [tilespmem:s24+$0x110]  }
0x533: {  	v5 =	vld [tilespmem:s24+$0x120]  }
0x534: {  	v6 =	vld [tilespmem:s25+$0x120]  }
0x535: {  	v7 =	vmul.f32 v1, v2;
	v1 =	vld [tilespmem:s24+$0x130]  }
.Ltmp7:
0x536: {  	v2 =	vld [tilespmem:s25+$0x130];
	(pc) =	sbr.rel @p0 .LBB2_16-.Ltmp7, $3  }
0x537: {  	v3 =	vmul.f32 v3, v4;
	_ =	sdelay $0x1  }
0x538: {  	v3 =	vadd.f32 v3, v7;
	v4 =	vmul.f32 v6, v5  }
0x539: {  	s0 =	simm.s32 $0x0;
	s1 =	sadd.s32 $0x80, s1  }
0x53a: {  	v3 =	vadd.f32 v4, v3;
	v1 =	vmul.f32 v2, v1;
	_ =	sdelay $0x1  }
0x53b: {  	v1 =	vadd.f32 v1, v3;
	_ =	sdelay $0x1  }
0x53c: {  	[tilespmem:s23+$0x20] =	vst v1  }
0x53d: {  	v1 =	vld [tilespmem:s26+$0x180]  }
0x53e: {  	v2 =	vld [tilespmem:s28+$0x190]  }
0x53f: {  	v3 =	vld [tilespmem:s26+$0x190]  }
0x540: {  	v4 =	vld [tilespmem:s28+$0x180]  }
0x541: {  	v5 =	vld [tilespmem:s26+$0x1A0]  }
0x542: {  	v6 =	vld [tilespmem:s28+$0x1A0]  }
0x543: {  	v7 =	vld [tilespmem:s26+$0x1B0]  }
0x544: {  	v8 =	vld [tilespmem:s28+$0x1B0]  }
0x545: {  	v2 =	vmul.f32 v2, v3;
	v1 =	vmul.f32 v4, v1  }
0x546: {  	v3 =	vmov s0  }
0x547: {  	v4 =	vmul.f32 v6, v5;
	v1 =	vadd.f32 v2, v1;
	v2 =	vshll.u32 v3, $0x4  }
0x548: {  	v2 =	vor.u32 v0, v2  }
0x549: {  	v3 =	vmul.f32 v8, v7;
	v1 =	vadd.f32 v4, v1;
	v4 =	vor.u32 $0x1, v2;
	_ =	sdelay $0x1  }
0x54a: {  	v1 =	vadd.f32 v3, v1  }
0x54b: {  	v3 =	vor.u32 $0x2, v2  }
0x54c: {  	[tilespmem:s23+$0x30] =	vst v1  }
0x54d: {  	v1 =	vld.idx.msk [tilespmem:v4+s16+$0x0], $0xffff;
	v4 =	vor.u32 $0x3, v2  }
0x54e: {  	v5 =	vld.idx.msk [tilespmem:v2+s16+$0x0], $0xffff  }
0x54f: {  	v6 =	vor.u32 $0x4, v2  }
0x550: {  	v3 =	vld.idx.msk [tilespmem:v3+s16+$0x0], $0xffff  }
0x551: {  	v7 =	vor.u32 $0x5, v2  }
0x552: {  	v4 =	vld.idx.msk [tilespmem:v4+s16+$0x0], $0xffff  }
0x553: {  	v58 =	vor.u32 $0x6, v2;
	v1 =	vadd.f32 v1, v5  }
0x554: {  	v5 =	vld.idx.msk [tilespmem:v6+s16+$0x0], $0xffff  }
0x555: {  	v6 =	vor.u32 $0x7, v2;
	v1 =	vadd.f32 v3, v1  }
0x556: {  	v3 =	vld.idx.msk [tilespmem:v7+s16+$0x0], $0xffff  }
0x557: {  	v7 =	vor.u32 $0x8, v2;
	v1 =	vadd.f32 v4, v1  }
0x558: {  	v4 =	vld.idx.msk [tilespmem:v58+s16+$0x0], $0xffff  }
0x559: {  	v59 =	vor.u32 $0x9, v2;
	v1 =	vadd.f32 v5, v1  }
0x55a: {  	v5 =	vld.idx.msk [tilespmem:v6+s16+$0x0], $0xffff  }
0x55b: {  	v6 =	vor.u32 $0xA, v2;
	v1 =	vadd.f32 v3, v1  }
0x55c: {  	v3 =	vld.idx.msk [tilespmem:v7+s16+$0x0], $0xffff  }
0x55d: {  	v7 =	vor.u32 $0xB, v2;
	v1 =	vadd.f32 v4, v1  }
0x55e: {  	v4 =	vld.idx.msk [tilespmem:v59+s16+$0x0], $0xffff  }
0x55f: {  	v60 =	vor.u32 $0xC, v2;
	v1 =	vadd.f32 v5, v1  }
0x560: {  	v5 =	vld.idx.msk [tilespmem:v6+s16+$0x0], $0xffff  }
0x561: {  	v6 =	vor.u32 $0xD, v2;
	v1 =	vadd.f32 v3, v1  }
0x562: {  	v3 =	vld.idx.msk [tilespmem:v7+s16+$0x0], $0xffff  }
0x563: {  	v7 =	vor.u32 $0xE, v2;
	v1 =	vadd.f32 v4, v1  }
0x564: {  	v4 =	vld.idx.msk [tilespmem:v60+s16+$0x0], $0xffff  }
0x565: {  	v2 =	vor.u32 $0xF, v2;
	v1 =	vadd.f32 v5, v1  }
0x566: {  	v5 =	vld.idx.msk [tilespmem:v6+s16+$0x0], $0xffff  }
0x567: {  	v1 =	vadd.f32 v3, v1  }
0x568: {  	v3 =	vld.idx.msk [tilespmem:v7+s16+$0x0], $0xffff  }
0x569: {  	s30 =	simm.s32 $0x10;
	v1 =	vadd.f32 v4, v1  }
0x56a: {  	v2 =	vld.idx.msk [tilespmem:v2+s16+$0x0], $0xffff;
	v4 =	vmov s30  }
0x56b: {  	v4 =	vshll.u32 v4, $0x4;
	v1 =	vadd.f32 v5, v1  }
0x56c: {  	v4 =	vor.u32 v0, v4  }
0x56d: {  	v5 =	vor.u32 $0x1, v4;
	v1 =	vadd.f32 v3, v1;
	_ =	sdelay $0x1  }
0x56e: {  	v1 =	vadd.f32 v2, v1  }
0x56f: {  	v2 =	vor.u32 $0x2, v4  }
0x570: {  	[tilespmem:s22+$0x0] =	vst v1  }
0x571: {  	v3 =	vor.u32 $0x3, v4;
	v1 =	vld.idx.msk [tilespmem:v5+s16+$0x0], $0xffff  }
0x572: {  	v5 =	vld.idx.msk [tilespmem:v4+s16+$0x0], $0xffff  }
0x573: {  	v6 =	vor.u32 $0x4, v4  }
0x574: {  	v2 =	vld.idx.msk [tilespmem:v2+s16+$0x0], $0xffff  }
0x575: {  	v7 =	vor.u32 $0x5, v4  }
0x576: {  	v3 =	vld.idx.msk [tilespmem:v3+s16+$0x0], $0xffff  }
0x577: {  	v61 =	vor.u32 $0x6, v4;
	v1 =	vadd.f32 v1, v5  }
0x578: {  	v5 =	vld.idx.msk [tilespmem:v6+s16+$0x0], $0xffff  }
0x579: {  	v6 =	vor.u32 $0x7, v4;
	v1 =	vadd.f32 v2, v1  }
0x57a: {  	v2 =	vld.idx.msk [tilespmem:v7+s16+$0x0], $0xffff  }
0x57b: {  	v7 =	vor.u32 $0x8, v4;
	v1 =	vadd.f32 v3, v1  }
0x57c: {  	v3 =	vld.idx.msk [tilespmem:v61+s16+$0x0], $0xffff  }
0x57d: {  	v62 =	vor.u32 $0x9, v4;
	v1 =	vadd.f32 v5, v1  }
0x57e: {  	v5 =	vld.idx.msk [tilespmem:v6+s16+$0x0], $0xffff  }
0x57f: {  	v6 =	vor.u32 $0xA, v4;
	v1 =	vadd.f32 v2, v1  }
0x580: {  	v2 =	vld.idx.msk [tilespmem:v7+s16+$0x0], $0xffff  }
0x581: {  	v7 =	vor.u32 $0xB, v4;
	v1 =	vadd.f32 v3, v1  }
0x582: {  	v3 =	vld.idx.msk [tilespmem:v62+s16+$0x0], $0xffff  }
0x583: {  	v63 =	vor.u32 $0xC, v4;
	v1 =	vadd.f32 v5, v1  }
0x584: {  	v5 =	vld.idx.msk [tilespmem:v6+s16+$0x0], $0xffff  }
0x585: {  	v1 =	vadd.f32 v2, v1  }
0x586: {  	v6 =	vor.u32 $0xD, v4;
	v2 =	vld.idx.msk [tilespmem:v7+s16+$0x0], $0xffff  }
0x587: {  	v1 =	vadd.f32 v3, v1  }
0x588: {  	v7 =	vor.u32 $0xE, v4;
	v3 =	vld.idx.msk [tilespmem:v63+s16+$0x0], $0xffff  }
0x589: {  	v1 =	vadd.f32 v5, v1  }
0x58a: {  	v4 =	vor.u32 $0xF, v4  }
0x58b: {  	v5 =	vld.idx.msk [tilespmem:v6+s16+$0x0], $0xffff;
	v1 =	vadd.f32 v2, v1;
	_ =	sdelay $0x1  }
0x58c: {  	v3 =	vadd.f32 v3, v1;
	v1 =	vld.idx.msk [tilespmem:v7+s16+$0x0], $0xffff  }
0x58d: {  	s31 =	simm.s32 $0x20  }
0x58e: {  	v6 =	vmov s31;
	v2 =	vld.idx.msk [tilespmem:v4+s16+$0x0], $0xffff  }
0x58f: {  	s0 =	simm.s32 $0x30;
	v4 =	vshll.u32 v6, $0x4;
	v3 =	vadd.f32 v5, v3  }
.LBB2_18:
0x590: {  	p0 =	sne.s32 s0, $0x70;
	v4 =	vor.u32 v0, v4  }
0x591: {  	v5 =	vor.u32 $0x1, v4;
	v1 =	vadd.f32 v1, v3;
	_ =	sdelay $0x1  }
0x592: {  	v1 =	vadd.f32 v2, v1  }
0x593: {  	s22 =	sadd.s32 $0x10, s22;
	v2 =	vor.u32 $0x2, v4  }
0x594: {  	[tilespmem:s22+$0x0] =	vst v1  }
0x595: {  	v3 =	vor.u32 $0x3, v4;
	v1 =	vld.idx.msk [tilespmem:v5+s16+$0x0], $0xffff  }
0x596: {  	v5 =	vld.idx.msk [tilespmem:v4+s16+$0x0], $0xffff  }
0x597: {  	v6 =	vor.u32 $0x4, v4  }
0x598: {  	v2 =	vld.idx.msk [tilespmem:v2+s16+$0x0], $0xffff  }
0x599: {  	v7 =	vor.u32 $0x5, v4  }
0x59a: {  	v3 =	vld.idx.msk [tilespmem:v3+s16+$0x0], $0xffff  }
0x59b: {  	v8 =	vor.u32 $0x6, v4  }
0x59c: {  	v1 =	vadd.f32 v1, v5;
	v5 =	vld.idx.msk [tilespmem:v6+s16+$0x0], $0xffff  }
0x59d: {  	v6 =	vor.u32 $0x7, v4  }
0x59e: {  	v1 =	vadd.f32 v2, v1;
	v2 =	vld.idx.msk [tilespmem:v7+s16+$0x0], $0xffff  }
0x59f: {  	v7 =	vor.u32 $0x8, v4  }
0x5a0: {  	v1 =	vadd.f32 v3, v1;
	v3 =	vld.idx.msk [tilespmem:v8+s16+$0x0], $0xffff  }
0x5a1: {  	v8 =	vor.u32 $0x9, v4  }
0x5a2: {  	v1 =	vadd.f32 v5, v1;
	v5 =	vld.idx.msk [tilespmem:v6+s16+$0x0], $0xffff  }
0x5a3: {  	v6 =	vor.u32 $0xA, v4  }
0x5a4: {  	v1 =	vadd.f32 v2, v1;
	v2 =	vld.idx.msk [tilespmem:v7+s16+$0x0], $0xffff  }
0x5a5: {  	v7 =	vor.u32 $0xB, v4  }
0x5a6: {  	v1 =	vadd.f32 v3, v1;
	v3 =	vld.idx.msk [tilespmem:v8+s16+$0x0], $0xffff  }
0x5a7: {  	v8 =	vor.u32 $0xC, v4  }
0x5a8: {  	v1 =	vadd.f32 v5, v1;
	v5 =	vld.idx.msk [tilespmem:v6+s16+$0x0], $0xffff  }
0x5a9: {  	v6 =	vor.u32 $0xD, v4  }
0x5aa: {  	v1 =	vadd.f32 v2, v1;
	v2 =	vld.idx.msk [tilespmem:v7+s16+$0x0], $0xffff  }
0x5ab: {  	v7 =	vor.u32 $0xE, v4  }
0x5ac: {  	v1 =	vadd.f32 v3, v1;
	v3 =	vld.idx.msk [tilespmem:v8+s16+$0x0], $0xffff  }
0x5ad: {  	v4 =	vor.u32 $0xF, v4  }
0x5ae: {  	v1 =	vadd.f32 v5, v1;
	v5 =	vld.idx.msk [tilespmem:v6+s16+$0x0], $0xffff;
	_ =	sdelay $0x1  }
.Ltmp8:
0x5af: {  	v2 =	vadd.f32 v2, v1;
	v1 =	vld.idx.msk [tilespmem:v7+s16+$0x0], $0xffff;
	(pc) =	sbr.rel @p0 .LBB2_18-.Ltmp8, $4  }
0x5b0: {  	_ = 	snop  }
0x5b1: {  	v3 =	vadd.f32 v3, v2;
	v2 =	vld.idx.msk [tilespmem:v4+s16+$0x0], $0xffff  }
0x5b2: {  	v4 =	vmov s0  }
0x5b3: {  	s0 =	sadd.s32 $0x10, s0;
	v4 =	vshll.u32 v4, $0x4;
	v3 =	vadd.f32 v5, v3  }
0x5b4: {  	v4 =	vor.u32 v0, v4  }
0x5b5: {  	v5 =	vor.u32 $0x1, v4;
	v1 =	vadd.f32 v1, v3;
	_ =	sdelay $0x1  }
0x5b6: {  	v1 =	vadd.f32 v2, v1  }
0x5b7: {  	s0 =	sadd.s32 $0x10, s22;
	v2 =	vor.u32 $0x2, v4  }
0x5b8: {  	[tilespmem:s0+$0x0] =	vst v1  }
0x5b9: {  	v3 =	vor.u32 $0x3, v4;
	v1 =	vld.idx.msk [tilespmem:v5+s16+$0x0], $0xffff  }
0x5ba: {  	v51 =	vld.idx.msk [tilespmem:v4+s16+$0x0], $0xffff  }
0x5bb: {  	v6 =	vor.u32 $0x4, v4  }
0x5bc: {  	v2 =	vld.idx.msk [tilespmem:v2+s16+$0x0], $0xffff  }
0x5bd: {  	v7 =	vor.u32 $0x5, v4  }
0x5be: {  	v3 =	vld.idx.msk [tilespmem:v3+s16+$0x0], $0xffff  }
0x5bf: {  	v8 =	vor.u32 $0x6, v4;
	v1 =	vadd.f32 v1, v51  }
0x5c0: {  	v52 =	vld.idx.msk [tilespmem:v6+s16+$0x0], $0xffff  }
0x5c1: {  	v53 =	vor.u32 $0x7, v4;
	v1 =	vadd.f32 v2, v1  }
0x5c2: {  	v2 =	vld.idx.msk [tilespmem:v7+s16+$0x0], $0xffff  }
0x5c3: {  	v54 =	vor.u32 $0x8, v4;
	v1 =	vadd.f32 v3, v1  }
0x5c4: {  	v3 =	vld.idx.msk [tilespmem:v8+s16+$0x0], $0xffff  }
0x5c5: {  	v55 =	vor.u32 $0x9, v4;
	v1 =	vadd.f32 v52, v1  }
0x5c6: {  	v56 =	vld.idx.msk [tilespmem:v53+s16+$0x0], $0xffff  }
0x5c7: {  	v57 =	vor.u32 $0xA, v4;
	v1 =	vadd.f32 v2, v1  }
0x5c8: {  	v2 =	vld.idx.msk [tilespmem:v54+s16+$0x0], $0xffff  }
0x5c9: {  	v58 =	vor.u32 $0xB, v4;
	v1 =	vadd.f32 v3, v1  }
0x5ca: {  	v3 =	vld.idx.msk [tilespmem:v55+s16+$0x0], $0xffff  }
0x5cb: {  	v59 =	vor.u32 $0xC, v4;
	v1 =	vadd.f32 v56, v1  }
0x5cc: {  	v60 =	vld.idx.msk [tilespmem:v57+s16+$0x0], $0xffff  }
0x5cd: {  	v61 =	vor.u32 $0xD, v4;
	v1 =	vadd.f32 v2, v1  }
0x5ce: {  	v2 =	vld.idx.msk [tilespmem:v58+s16+$0x0], $0xffff  }
0x5cf: {  	v62 =	vor.u32 $0xE, v4;
	v1 =	vadd.f32 v3, v1  }
0x5d0: {  	v3 =	vld.idx.msk [tilespmem:v59+s16+$0x0], $0xffff  }
0x5d1: {  	v4 =	vor.u32 $0xF, v4;
	v1 =	vadd.f32 v60, v1  }
0x5d2: {  	v63 =	vld.idx.msk [tilespmem:v61+s16+$0x0], $0xffff  }
0x5d3: {  	v1 =	vadd.f32 v2, v1  }
0x5d4: {  	v2 =	vld.idx.msk [tilespmem:v62+s16+$0x0], $0xffff  }
0x5d5: {  	v1 =	vadd.f32 v3, v1  }
0x5d6: {  	v3 =	vld.idx.msk [tilespmem:v4+s16+$0x0], $0xffff  }
0x5d7: {  	v1 =	vadd.f32 v63, v1;
	_ =	sdelay $0x1  }
0x5d8: {  	v1 =	vadd.f32 v2, v1;
	_ =	sdelay $0x1  }
0x5d9: {  	s21 =	sadd.s32 $0x1, s21;
	v1 =	vadd.f32 v3, v1  }
0x5da: {  	p0 =	sne.s32 s21, s7;
	s0 =	sadd.s32 $0x10, s0  }
.Ltmp9:
0x5db: {  	[tilespmem:s0+$0x0] =	vst v1;
	(pc) =	sbr.rel @p0 .LBB2_1-.Ltmp9, $4  }
0x5dc: {  	[hbm4b:s6+s2] =	stream.linear.scatter [tilespmem:s20], [sflag:$0x3], $0x2A00, $0x38;
	[tilespmem:$0x18600] =	vst v63  }
0x5dd: {  	_ =	swait.ge [sflag:s8], $0x2A00  }
0x5de: {  	[sflag:s8] =	ssyncset.done $0x0  }
0x5df: {  	[sflag:s8] =	ssyncadd.s32 $0xFFFFD600  }
0x5e0: {  	_ =	sfence.sel $0x180000  }
0x5e1: {  	[bflag:$0x0] =	sbarrier.arrive $0xFFFF  }
0x5e2: {  	_ =	strace $0x90000047  }
0x5e3: {  	s0 =	stileid.u32;
	[bflag:$0x2] =	sbarrier.arrive $0xFFFF  }
0x5e4: {  	p0 =	sne.s32 s0, $0x0;
	s0 =	rddreg [dreg:$0x2]  }
0x5e5: {  	s0 =	sadd.s32 @!p0 $0x100000, s0  }
0x5e6: {  	[sflag:s0] =	ssyncadd.tile.s32 @!p0 $0x1;
	_ =	shalt  }
.Lfunc_end2:
_tile_overlayer_lowered:
.L_overlay_start_2:
0x5e7: {  	(tag) =	ssettag $0x2  }
0x5e8: {  	s0 =	rddreg [dreg:$0x0];
	s2 =	stileid.u32  }
0x5e9: {  	s1 =	rddreg [dreg:$0x1];
	p0 =	sne.s32 s2, $0x0  }
0x5ea: {  	s3 =	rddreg [dreg:$0x2];
	[bflag:$0x3] =	sbarrier.arrive $0xFFFF;
	s2 =	simm.s32 @!p0 $0x1C03  }
0x5eb: {  	[timem:s3], [sflag:s2] =	dma.local @!p0 [hbm:s0], s1  }
0x5ec: {  	s0 =	simm.s32 @!p0 $0x3  }
0x5ed: {  	_ =	swait.ge @!p0 [sflag:s0], s1  }
0x5ee: {  	s1 =	ssub.s32 @!p0 $0x0, s1;
	[sflag:s0] =	ssyncset.done @!p0 $0x0  }
0x5ef: {  	[sflag:s0] =	ssyncadd.s32 @!p0 s1  }
0x5f0: {  	[bflag:$0x3] =	sbarrier.arrive $0xFFFF  }
0x5f1: {  	_ =	shalt  }

</sc_bundles>
